<compile_context>
chip_gen: v7x
topology: tpu7x:2x2x1
jax: 0.10.2.dev20260603
libtpu: 0.0.44.dev20260713+nightly
codegen_flags: <defaults>
</compile_context>

<pallas_src>
import functools

import jax
import jax.numpy as jnp
from jax import lax
from jax.experimental import pallas as pl
from jax.experimental.pallas import tpu as pltpu
from jax.experimental.pallas import tpu_sc as plsc

N_CB = 14
VOCAB = 1024
D = 1024
MASK = 1024
ROWS = VOCAB + 1
BATCH = 4
SEQ = 2048
NPOS = BATCH * SEQ
BV = 128
CH = 8
K_TC = 6
N_A = N_CB - K_TC
PB = 1024
AB = 512


def _proj_body(t_ref, me_ref, w_ref, b_ref, p_ref, *, cb0):
    i = pl.program_id(0)
    t = t_ref[0]
    rows = lax.broadcasted_iota(jnp.int32, (ROWS, 1), 0)
    t = jnp.where(rows == MASK, me_ref[0], t)
    acc = lax.dot_general(t, w_ref[...], (((1,), (1,)), ((), ())),
                          preferred_element_type=jnp.float32)
    p_ref[0] = acc + jnp.where(i + cb0 == 0, b_ref[...], 0.0)


def _project(tables, mask_emb, W, b2d, cb0, ncb):
    return pl.pallas_call(
        functools.partial(_proj_body, cb0=cb0),
        grid=(ncb,),
        in_specs=[
            pl.BlockSpec((1, ROWS, D), lambda i: (i + cb0, 0, 0)),
            pl.BlockSpec((1, 1, D), lambda i: (i + cb0, 0, 0)),
            pl.BlockSpec((D, D), lambda i: (0, i + cb0)),
            pl.BlockSpec((1, D), lambda i: (0, 0)),
        ],
        out_specs=pl.BlockSpec((1, ROWS, D), lambda i: (i, 0, 0)),
        out_shape=jax.ShapeDtypeStruct((ncb, ROWS, D), jnp.float32),
    )(tables, mask_emb.reshape(N_CB, 1, D), W, b2d)


def _sc_body(codes_hbm, p_hbm, out_hbm, idx_v, gbuf, accv,
             gsem0, gsem1, osem):
    info = plsc.get_sparse_core_info()
    nc = info.num_cores
    wid = lax.axis_index("s") * nc + lax.axis_index("c")
    per_w = NPOS // (nc * info.num_subcores)
    base = wid * per_w
    b_idx = base // SEQ
    s0 = base % SEQ

    cdescs = []
    for k in range(N_A):
        i = K_TC + k
        cdescs.append(pltpu.async_copy(
            codes_hbm.at[b_idx * N_CB + i, pl.ds(s0, per_w)],
            idx_v.at[k], osem))
    for d in cdescs:
        d.wait()
    for k in range(N_A):
        off = k * ROWS

        def _off_body(j, _, k=k, off=off):
            idx_v[k, pl.ds(j * 16, 16)] = idx_v[k, pl.ds(j * 16, 16)] + off
            return 0
        lax.fori_loop(0, per_w // 16, _off_body, 0)

    nchunks = per_w // CH
    ga = (N_A + 1) // 2
    gsizes = (ga, N_A - ga)
    gbases = (0, ga)
    gsems = (gsem0, gsem1)

    def _fire(j, g):
        for k in range(gsizes[g]):
            pltpu.async_copy(
                p_hbm.at[idx_v.at[gbases[g] + k, pl.ds(j * CH, CH)]],
                gbuf.at[g, k], gsems[g])

    def _drain_gather(g):
        for k in range(gsizes[g]):
            pltpu.make_async_copy(p_hbm.at[pl.ds(0, CH)], gbuf.at[g, k],
                                  gsems[g]).wait()

    def _drain_out():
        pltpu.make_async_copy(accv, out_hbm.at[pl.ds(base, CH)], osem).wait()

    _fire(0, 0)
    _fire(0, 1)

    def _chunk(j, _):
        for g in range(2):
            _drain_gather(g)
            if g == 0:
                @pl.when(j > 0)
                def _():
                    _drain_out()
            for p in range(CH):
                def _col(v, _, p=p, g=g):
                    sl = pl.ds(v * 16, 16)
                    acc = gbuf[g, 0, p, sl] if g == 0 else accv[p, sl]
                    for k in range(0 if g else 1, gsizes[g]):
                        acc = acc + gbuf[g, k, p, sl]
                    accv[p, sl] = acc
                    return 0
                lax.fori_loop(0, D // 16, _col, 0)

            @pl.when(j + 1 < nchunks)
            def _(g=g):
                _fire(j + 1, g)
        pltpu.async_copy(accv, out_hbm.at[pl.ds(base + j * CH, CH)], osem)
        return 0

    lax.fori_loop(0, nchunks, _chunk, 0)
    _drain_out()


def _gather_sum(codes2, p_flat):
    mesh = plsc.VectorSubcoreMesh(core_axis_name="c", subcore_axis_name="s")
    f = functools.partial(
        pl.kernel,
        mesh=mesh,
        out_type=jax.ShapeDtypeStruct((NPOS, D), jnp.float32),
        scratch_types=[
            pltpu.VMEM((N_A + (N_A % 8), 256), jnp.int32),
            pltpu.VMEM((2, (N_A + 1) // 2, CH, D), jnp.float32),
            pltpu.VMEM((CH, D), jnp.float32),
            pltpu.SemaphoreType.DMA,
            pltpu.SemaphoreType.DMA,
            pltpu.SemaphoreType.DMA,
        ],
    )(_sc_body)
    return f(codes2, p_flat)


def _oh_body(ct_ref, p_ref, o_ref):
    i = pl.program_id(1)
    cb = ct_ref[0]
    col = jnp.reshape(cb, (PB, 1))
    oh = (col == lax.broadcasted_iota(jnp.int32, (PB, ROWS), 1))
    oh = oh.astype(jnp.float32)
    prod = lax.dot_general(oh, p_ref[0], (((1,), (0,)), ((), ())),
                           preferred_element_type=jnp.float32)

    @pl.when(i == 0)
    def _():
        o_ref[...] = prod

    @pl.when(i > 0)
    def _():
        o_ref[...] = o_ref[...] + prod


def _onehot_part(codes_tc, p_full):
    return pl.pallas_call(
        _oh_body,
        grid=(NPOS // PB, K_TC),
        in_specs=[
            pl.BlockSpec((1, 1, PB), lambda pb, i: (i, 0, pb)),
            pl.BlockSpec((1, ROWS, D), lambda pb, i: (i, 0, 0)),
        ],
        out_specs=pl.BlockSpec((PB, D), lambda pb, i: (pb, 0)),
        out_shape=jax.ShapeDtypeStruct((NPOS, D), jnp.float32),
    )(codes_tc, p_full)


def _add_body(a_ref, b_ref, o_ref):
    o_ref[...] = a_ref[...] + b_ref[...]


def _combine(pa, pb):
    return pl.pallas_call(
        _add_body,
        grid=(NPOS // AB,),
        in_specs=[pl.BlockSpec((AB, D), lambda pb: (pb, 0)),
                  pl.BlockSpec((AB, D), lambda pb: (pb, 0))],
        out_specs=pl.BlockSpec((AB, D), lambda pb: (pb, 0)),
        out_shape=jax.ShapeDtypeStruct((NPOS, D), jnp.float32),
    )(pa, pb)


def kernel(codes, tables, mask_emb, W, b):
    b2d = b.reshape(1, D)
    p_a = _project(tables, mask_emb, W, b2d, K_TC, N_A)
    p_b = _project(tables, mask_emb, W, b2d, 0, K_TC)
    codes_i32 = codes.astype(jnp.int32)
    codes2 = codes_i32.reshape(BATCH * N_CB, SEQ)
    codes_tc = codes_i32.transpose(1, 0, 2).reshape(N_CB, 1, NPOS)[:K_TC]
    part_sc = _gather_sum(codes2, p_a.reshape(N_A * ROWS, D))
    part_tc = _onehot_part(codes_tc, p_b)
    out = _combine(part_sc, part_tc)
    return out.reshape(BATCH, SEQ, D)

# --- scband reference (transcript-rebuilt; emitter-appended) ---
"""Pipeline reference for scband-codebook-embedding-30520037605437 (READ-ONLY COPY).

The authoritative reference and input builder live on the scoring server;
editing this copy changes nothing except your own understanding.
"""

import jax, jax.numpy as jnp
import numpy as np

N_CB = 14
VOCAB = 1024
D_MODEL = 1024
MASK_TOKEN = 1024
BATCH = 4
SEQ = 2048


def setup_inputs(seed: int = 0) -> dict:
    key = jax.random.key(seed)
    k1, k2, k3, k4, k5 = jax.random.split(key, 5)
    codes = jax.random.randint(k1, (BATCH, N_CB, SEQ), 0, VOCAB + 1, dtype=jnp.int64 if jax.config.jax_enable_x64 else jnp.int32)
    tables = jax.random.normal(k2, (N_CB, VOCAB + 1, D_MODEL), dtype=jnp.float32)
    mask_emb = jax.random.normal(k3, (N_CB, D_MODEL), dtype=jnp.float32)
    W = jax.random.normal(k4, (D_MODEL, N_CB * D_MODEL), dtype=jnp.float32) * 0.02
    b = jax.random.normal(k5, (D_MODEL,), dtype=jnp.float32) * 0.02
    return {"codes": codes, "tables": tables, "mask_emb": mask_emb, "W": W, "b": b}


def reference(codes, tables, mask_emb, W, b):
    batch_size, n_codebooks, seq_len = codes.shape
    d_model = tables.shape[-1]
    all_embeddings = []
    for i in range(n_codebooks):
        cb_codes = codes[:, i, :]                       # [B, S]
        cb_embed = jnp.take(tables[i], cb_codes, axis=0)  # [B, S, D] gather
        mask_positions = (cb_codes == MASK_TOKEN)[..., None]
        cb_embed = jnp.where(mask_positions, mask_emb[i], cb_embed)
        all_embeddings.append(cb_embed)
    x = jnp.stack(all_embeddings, axis=1)               # [B, n_cb, S, D]
    x = jnp.transpose(x, (0, 1, 3, 2))                  # [B, n_cb, D, S]
    x = x.reshape(batch_size, n_codebooks * d_model, seq_len)  # [B, n_cb*D, S]
    # Conv1d with kernel size 1 == per-position linear projection
    out = jnp.einsum('bcs,oc->bso', x, W) + b           # [B, S, D]
    return out

if __name__ == "__main__":
    import jax
    _d = setup_inputs()
    print(jax.jit(kernel)(*tuple(_d.values())))

</pallas_src>

<mosaic_0001>
#map = affine_map<(d0, d1) -> (0, 0)>
module attributes {stable_mosaic.version = 14 : i64} {
  func.func @_sc_body(%arg0: i32, %arg1: i32, %arg2: memref<56x2048xi32, #tpu.memory_space<hbm>>, %arg3: memref<8200x1024xf32, #tpu.memory_space<hbm>>, %arg4: memref<8192x1024xf32, #tpu.memory_space<hbm>>, %arg5: memref<8x256xi32, #tpu.memory_space<vmem>>, %arg6: memref<2x4x8x1024xf32, #tpu.memory_space<vmem>>, %arg7: memref<8x1024xf32, #tpu.memory_space<vmem>>, %arg8: memref<!tpu.dma_semaphore, #tpu.memory_space<semaphore_mem>>, %arg9: memref<!tpu.dma_semaphore, #tpu.memory_space<semaphore_mem>>, %arg10: memref<!tpu.dma_semaphore, #tpu.memory_space<semaphore_mem>>) attributes {dimension_semantics = [#tpu.dimension_semantics<core_parallel>, #tpu.dimension_semantics<subcore_parallel>], iteration_bounds = array<i64: 2, 16>, scalar_prefetch = 0 : i64, scratch_operands = 6 : i64, tpu.core_type = #tpu.core_type<sc_vector_subcore>, window_params = [{transform_indices = #map}, {transform_indices = #map}, {transform_indices = #map}]} {
    %mul3A = arith.constant 2 : i32
    %mul3A_0 = arith.muli %arg1, %mul3A : i32
    %add3A = arith.addi %mul3A_0, %arg0 : i32
    %mul3A_1 = arith.constant 256 : i32
    %mul3A_2 = arith.muli %add3A, %mul3A_1 : i32
    %jit3A = arith.constant 2048 : i32
    %div3A = arith.divsi %mul3A_2, %jit3A : i32
    %sign3A = arith.constant 0 : i32
    %sign3A_3 = arith.cmpi sgt, %mul3A_2, %sign3A : i32
    %sign3A_4 = arith.extui %sign3A_3 : i1 to i32
    %sign3A_5 = arith.constant 0 : i32
    %sign3A_6 = arith.cmpi slt, %mul3A_2, %sign3A_5 : i32
    %sign3A_7 = arith.extui %sign3A_6 : i1 to i32
    %sign3A_8 = arith.subi %sign3A_4, %sign3A_7 : i32
    %sign3A_9 = arith.constant 0 : i32
    %sign3A_10 = arith.cmpi sgt, %jit3A, %sign3A_9 : i32
    %sign3A_11 = arith.extui %sign3A_10 : i1 to i32
    %sign3A_12 = arith.constant 0 : i32
    %sign3A_13 = arith.cmpi slt, %jit3A, %sign3A_12 : i32
    %sign3A_14 = arith.extui %sign3A_13 : i1 to i32
    %sign3A_15 = arith.subi %sign3A_11, %sign3A_14 : i32
    %ne3A = arith.cmpi ne, %sign3A_8, %sign3A_15 : i32
    %rem3A = arith.remsi %mul3A_2, %jit3A : i32
    %ne3A_16 = arith.constant 0 : i32
    %ne3A_17 = arith.cmpi ne, %rem3A, %ne3A_16 : i32
    %and3A = arith.andi %ne3A, %ne3A_17 : i1
    %sub3A = arith.constant 1 : i32
    %sub3A_18 = arith.subi %div3A, %sub3A : i32
    %select_n3A = arith.select %and3A, %sub3A_18, %div3A : i32
    %jit3A_19 = arith.constant 2048 : i32
    %eq3A = arith.constant 0 : i32
    %eq3A_20 = arith.cmpi eq, %jit3A_19, %eq3A : i32
    %jit3A_21 = arith.constant 1 : i32
    %select_n3A_22 = arith.select %eq3A_20, %jit3A_21, %jit3A_19 : i32
    %rem3A_23 = arith.remsi %mul3A_2, %select_n3A_22 : i32
    %ne3A_24 = arith.constant 0 : i32
    %ne3A_25 = arith.cmpi ne, %rem3A_23, %ne3A_24 : i32
    %lt3A = arith.constant 0 : i32
    %lt3A_26 = arith.cmpi slt, %rem3A_23, %lt3A : i32
    %lt3A_27 = arith.constant 0 : i32
    %lt3A_28 = arith.cmpi slt, %select_n3A_22, %lt3A_27 : i32
    %ne3A_29 = arith.xori %lt3A_26, %lt3A_28 : i1
    %and3A_30 = arith.andi %ne3A_29, %ne3A_25 : i1
    %add3A_31 = arith.addi %rem3A_23, %select_n3A_22 : i32
    %select_n3A_32 = arith.select %and3A_30, %add3A_31, %rem3A_23 : i32
    %mul3A_33 = arith.constant 14 : i32
    %mul3A_34 = arith.muli %select_n3A, %mul3A_33 : i32
    %add3A_35 = arith.constant 6 : i32
    %add3A_36 = arith.addi %mul3A_34, %add3A_35 : i32
    %dma_start3A = arith.constant 0 : i32
    %dma_start3A_37 = arith.constant 0 : i32
    %dma_start3A_38 = tpu.memref_slice %arg5[%dma_start3A, %dma_start3A_37] : memref<8x256xi32, #tpu.memory_space<vmem>> -> memref<1x256xi32, #tpu.memory_space<vmem>>
    %dma_start3A_39 = tpu.memref_squeeze %dma_start3A_38 : memref<1x256xi32, #tpu.memory_space<vmem>> -> memref<256xi32, #tpu.memory_space<vmem>>
    %dma_start3A_40 = tpu.memref_slice %arg2[%add3A_36, %select_n3A_32] : memref<56x2048xi32, #tpu.memory_space<hbm>> -> memref<1x256xi32, #tpu.memory_space<hbm>>
    %dma_start3A_41 = tpu.memref_squeeze %dma_start3A_40 : memref<1x256xi32, #tpu.memory_space<hbm>> -> memref<256xi32, #tpu.memory_space<hbm>>
    %dma_start3A_42 = arith.constant 0 : i32
    %dma_start3A_43 = tpu.memref_slice %arg5[%dma_start3A, %dma_start3A_42] : memref<8x256xi32, #tpu.memory_space<vmem>> -> memref<1x256xi32, #tpu.memory_space<vmem>>
    %dma_start3A_44 = tpu.memref_squeeze %dma_start3A_43 : memref<1x256xi32, #tpu.memory_space<vmem>> -> memref<256xi32, #tpu.memory_space<vmem>>
    %dma_start3A_45 = tpu.memref_slice %arg2[%add3A_36, %select_n3A_32] : memref<56x2048xi32, #tpu.memory_space<hbm>> -> memref<1x256xi32, #tpu.memory_space<hbm>>
    %dma_start3A_46 = tpu.memref_squeeze %dma_start3A_45 : memref<1x256xi32, #tpu.memory_space<hbm>> -> memref<256xi32, #tpu.memory_space<hbm>>
    tpu.enqueue_dma source(%dma_start3A_46 : memref<256xi32, #tpu.memory_space<hbm>>) target(%dma_start3A_44 : memref<256xi32, #tpu.memory_space<vmem>>) target_semaphore(%arg10 : memref<!tpu.dma_semaphore, #tpu.memory_space<semaphore_mem>>)
    %mul3A_47 = arith.constant 14 : i32
    %mul3A_48 = arith.muli %select_n3A, %mul3A_47 : i32
    %add3A_49 = arith.constant 7 : i32
    %add3A_50 = arith.addi %mul3A_48, %add3A_49 : i32
    %dma_start3A_51 = arith.constant 1 : i32
    %dma_start3A_52 = arith.constant 0 : i32
    %dma_start3A_53 = tpu.memref_slice %arg5[%dma_start3A_51, %dma_start3A_52] : memref<8x256xi32, #tpu.memory_space<vmem>> -> memref<1x256xi32, #tpu.memory_space<vmem>>
    %dma_start3A_54 = tpu.memref_squeeze %dma_start3A_53 : memref<1x256xi32, #tpu.memory_space<vmem>> -> memref<256xi32, #tpu.memory_space<vmem>>
    %dma_start3A_55 = tpu.memref_slice %arg2[%add3A_50, %select_n3A_32] : memref<56x2048xi32, #tpu.memory_space<hbm>> -> memref<1x256xi32, #tpu.memory_space<hbm>>
    %dma_start3A_56 = tpu.memref_squeeze %dma_start3A_55 : memref<1x256xi32, #tpu.memory_space<hbm>> -> memref<256xi32, #tpu.memory_space<hbm>>
    %dma_start3A_57 = arith.constant 0 : i32
    %dma_start3A_58 = tpu.memref_slice %arg5[%dma_start3A_51, %dma_start3A_57] : memref<8x256xi32, #tpu.memory_space<vmem>> -> memref<1x256xi32, #tpu.memory_space<vmem>>
    %dma_start3A_59 = tpu.memref_squeeze %dma_start3A_58 : memref<1x256xi32, #tpu.memory_space<vmem>> -> memref<256xi32, #tpu.memory_space<vmem>>
    %dma_start3A_60 = tpu.memref_slice %arg2[%add3A_50, %select_n3A_32] : memref<56x2048xi32, #tpu.memory_space<hbm>> -> memref<1x256xi32, #tpu.memory_space<hbm>>
    %dma_start3A_61 = tpu.memref_squeeze %dma_start3A_60 : memref<1x256xi32, #tpu.memory_space<hbm>> -> memref<256xi32, #tpu.memory_space<hbm>>
    tpu.enqueue_dma source(%dma_start3A_61 : memref<256xi32, #tpu.memory_space<hbm>>) target(%dma_start3A_59 : memref<256xi32, #tpu.memory_space<vmem>>) target_semaphore(%arg10 : memref<!tpu.dma_semaphore, #tpu.memory_space<semaphore_mem>>)
    %mul3A_62 = arith.constant 14 : i32
    %mul3A_63 = arith.muli %select_n3A, %mul3A_62 : i32
    %add3A_64 = arith.constant 8 : i32
    %add3A_65 = arith.addi %mul3A_63, %add3A_64 : i32
    %dma_start3A_66 = arith.constant 2 : i32
    %dma_start3A_67 = arith.constant 0 : i32
    %dma_start3A_68 = tpu.memref_slice %arg5[%dma_start3A_66, %dma_start3A_67] : memref<8x256xi32, #tpu.memory_space<vmem>> -> memref<1x256xi32, #tpu.memory_space<vmem>>
    %dma_start3A_69 = tpu.memref_squeeze %dma_start3A_68 : memref<1x256xi32, #tpu.memory_space<vmem>> -> memref<256xi32, #tpu.memory_space<vmem>>
    %dma_start3A_70 = tpu.memref_slice %arg2[%add3A_65, %select_n3A_32] : memref<56x2048xi32, #tpu.memory_space<hbm>> -> memref<1x256xi32, #tpu.memory_space<hbm>>
    %dma_start3A_71 = tpu.memref_squeeze %dma_start3A_70 : memref<1x256xi32, #tpu.memory_space<hbm>> -> memref<256xi32, #tpu.memory_space<hbm>>
    %dma_start3A_72 = arith.constant 0 : i32
    %dma_start3A_73 = tpu.memref_slice %arg5[%dma_start3A_66, %dma_start3A_72] : memref<8x256xi32, #tpu.memory_space<vmem>> -> memref<1x256xi32, #tpu.memory_space<vmem>>
    %dma_start3A_74 = tpu.memref_squeeze %dma_start3A_73 : memref<1x256xi32, #tpu.memory_space<vmem>> -> memref<256xi32, #tpu.memory_space<vmem>>
    %dma_start3A_75 = tpu.memref_slice %arg2[%add3A_65, %select_n3A_32] : memref<56x2048xi32, #tpu.memory_space<hbm>> -> memref<1x256xi32, #tpu.memory_space<hbm>>
    %dma_start3A_76 = tpu.memref_squeeze %dma_start3A_75 : memref<1x256xi32, #tpu.memory_space<hbm>> -> memref<256xi32, #tpu.memory_space<hbm>>
    tpu.enqueue_dma source(%dma_start3A_76 : memref<256xi32, #tpu.memory_space<hbm>>) target(%dma_start3A_74 : memref<256xi32, #tpu.memory_space<vmem>>) target_semaphore(%arg10 : memref<!tpu.dma_semaphore, #tpu.memory_space<semaphore_mem>>)
    %mul3A_77 = arith.constant 14 : i32
    %mul3A_78 = arith.muli %select_n3A, %mul3A_77 : i32
    %add3A_79 = arith.constant 9 : i32
    %add3A_80 = arith.addi %mul3A_78, %add3A_79 : i32
    %dma_start3A_81 = arith.constant 3 : i32
    %dma_start3A_82 = arith.constant 0 : i32
    %dma_start3A_83 = tpu.memref_slice %arg5[%dma_start3A_81, %dma_start3A_82] : memref<8x256xi32, #tpu.memory_space<vmem>> -> memref<1x256xi32, #tpu.memory_space<vmem>>
    %dma_start3A_84 = tpu.memref_squeeze %dma_start3A_83 : memref<1x256xi32, #tpu.memory_space<vmem>> -> memref<256xi32, #tpu.memory_space<vmem>>
    %dma_start3A_85 = tpu.memref_slice %arg2[%add3A_80, %select_n3A_32] : memref<56x2048xi32, #tpu.memory_space<hbm>> -> memref<1x256xi32, #tpu.memory_space<hbm>>
    %dma_start3A_86 = tpu.memref_squeeze %dma_start3A_85 : memref<1x256xi32, #tpu.memory_space<hbm>> -> memref<256xi32, #tpu.memory_space<hbm>>
    %dma_start3A_87 = arith.constant 0 : i32
    %dma_start3A_88 = tpu.memref_slice %arg5[%dma_start3A_81, %dma_start3A_87] : memref<8x256xi32, #tpu.memory_space<vmem>> -> memref<1x256xi32, #tpu.memory_space<vmem>>
    %dma_start3A_89 = tpu.memref_squeeze %dma_start3A_88 : memref<1x256xi32, #tpu.memory_space<vmem>> -> memref<256xi32, #tpu.memory_space<vmem>>
    %dma_start3A_90 = tpu.memref_slice %arg2[%add3A_80, %select_n3A_32] : memref<56x2048xi32, #tpu.memory_space<hbm>> -> memref<1x256xi32, #tpu.memory_space<hbm>>
    %dma_start3A_91 = tpu.memref_squeeze %dma_start3A_90 : memref<1x256xi32, #tpu.memory_space<hbm>> -> memref<256xi32, #tpu.memory_space<hbm>>
    tpu.enqueue_dma source(%dma_start3A_91 : memref<256xi32, #tpu.memory_space<hbm>>) target(%dma_start3A_89 : memref<256xi32, #tpu.memory_space<vmem>>) target_semaphore(%arg10 : memref<!tpu.dma_semaphore, #tpu.memory_space<semaphore_mem>>)
    %mul3A_92 = arith.constant 14 : i32
    %mul3A_93 = arith.muli %select_n3A, %mul3A_92 : i32
    %add3A_94 = arith.constant 10 : i32
    %add3A_95 = arith.addi %mul3A_93, %add3A_94 : i32
    %dma_start3A_96 = arith.constant 4 : i32
    %dma_start3A_97 = arith.constant 0 : i32
    %dma_start3A_98 = tpu.memref_slice %arg5[%dma_start3A_96, %dma_start3A_97] : memref<8x256xi32, #tpu.memory_space<vmem>> -> memref<1x256xi32, #tpu.memory_space<vmem>>
    %dma_start3A_99 = tpu.memref_squeeze %dma_start3A_98 : memref<1x256xi32, #tpu.memory_space<vmem>> -> memref<256xi32, #tpu.memory_space<vmem>>
    %dma_start3A_100 = tpu.memref_slice %arg2[%add3A_95, %select_n3A_32] : memref<56x2048xi32, #tpu.memory_space<hbm>> -> memref<1x256xi32, #tpu.memory_space<hbm>>
    %dma_start3A_101 = tpu.memref_squeeze %dma_start3A_100 : memref<1x256xi32, #tpu.memory_space<hbm>> -> memref<256xi32, #tpu.memory_space<hbm>>
    %dma_start3A_102 = arith.constant 0 : i32
    %dma_start3A_103 = tpu.memref_slice %arg5[%dma_start3A_96, %dma_start3A_102] : memref<8x256xi32, #tpu.memory_space<vmem>> -> memref<1x256xi32, #tpu.memory_space<vmem>>
    %dma_start3A_104 = tpu.memref_squeeze %dma_start3A_103 : memref<1x256xi32, #tpu.memory_space<vmem>> -> memref<256xi32, #tpu.memory_space<vmem>>
    %dma_start3A_105 = tpu.memref_slice %arg2[%add3A_95, %select_n3A_32] : memref<56x2048xi32, #tpu.memory_space<hbm>> -> memref<1x256xi32, #tpu.memory_space<hbm>>
    %dma_start3A_106 = tpu.memref_squeeze %dma_start3A_105 : memref<1x256xi32, #tpu.memory_space<hbm>> -> memref<256xi32, #tpu.memory_space<hbm>>
    tpu.enqueue_dma source(%dma_start3A_106 : memref<256xi32, #tpu.memory_space<hbm>>) target(%dma_start3A_104 : memref<256xi32, #tpu.memory_space<vmem>>) target_semaphore(%arg10 : memref<!tpu.dma_semaphore, #tpu.memory_space<semaphore_mem>>)
    %mul3A_107 = arith.constant 14 : i32
    %mul3A_108 = arith.muli %select_n3A, %mul3A_107 : i32
    %add3A_109 = arith.constant 11 : i32
    %add3A_110 = arith.addi %mul3A_108, %add3A_109 : i32
    %dma_start3A_111 = arith.constant 5 : i32
    %dma_start3A_112 = arith.constant 0 : i32
    %dma_start3A_113 = tpu.memref_slice %arg5[%dma_start3A_111, %dma_start3A_112] : memref<8x256xi32, #tpu.memory_space<vmem>> -> memref<1x256xi32, #tpu.memory_space<vmem>>
    %dma_start3A_114 = tpu.memref_squeeze %dma_start3A_113 : memref<1x256xi32, #tpu.memory_space<vmem>> -> memref<256xi32, #tpu.memory_space<vmem>>
    %dma_start3A_115 = tpu.memref_slice %arg2[%add3A_110, %select_n3A_32] : memref<56x2048xi32, #tpu.memory_space<hbm>> -> memref<1x256xi32, #tpu.memory_space<hbm>>
    %dma_start3A_116 = tpu.memref_squeeze %dma_start3A_115 : memref<1x256xi32, #tpu.memory_space<hbm>> -> memref<256xi32, #tpu.memory_space<hbm>>
    %dma_start3A_117 = arith.constant 0 : i32
    %dma_start3A_118 = tpu.memref_slice %arg5[%dma_start3A_111, %dma_start3A_117] : memref<8x256xi32, #tpu.memory_space<vmem>> -> memref<1x256xi32, #tpu.memory_space<vmem>>
    %dma_start3A_119 = tpu.memref_squeeze %dma_start3A_118 : memref<1x256xi32, #tpu.memory_space<vmem>> -> memref<256xi32, #tpu.memory_space<vmem>>
    %dma_start3A_120 = tpu.memref_slice %arg2[%add3A_110, %select_n3A_32] : memref<56x2048xi32, #tpu.memory_space<hbm>> -> memref<1x256xi32, #tpu.memory_space<hbm>>
    %dma_start3A_121 = tpu.memref_squeeze %dma_start3A_120 : memref<1x256xi32, #tpu.memory_space<hbm>> -> memref<256xi32, #tpu.memory_space<hbm>>
    tpu.enqueue_dma source(%dma_start3A_121 : memref<256xi32, #tpu.memory_space<hbm>>) target(%dma_start3A_119 : memref<256xi32, #tpu.memory_space<vmem>>) target_semaphore(%arg10 : memref<!tpu.dma_semaphore, #tpu.memory_space<semaphore_mem>>)
    %mul3A_122 = arith.constant 14 : i32
    %mul3A_123 = arith.muli %select_n3A, %mul3A_122 : i32
    %add3A_124 = arith.constant 12 : i32
    %add3A_125 = arith.addi %mul3A_123, %add3A_124 : i32
    %dma_start3A_126 = arith.constant 6 : i32
    %dma_start3A_127 = arith.constant 0 : i32
    %dma_start3A_128 = tpu.memref_slice %arg5[%dma_start3A_126, %dma_start3A_127] : memref<8x256xi32, #tpu.memory_space<vmem>> -> memref<1x256xi32, #tpu.memory_space<vmem>>
    %dma_start3A_129 = tpu.memref_squeeze %dma_start3A_128 : memref<1x256xi32, #tpu.memory_space<vmem>> -> memref<256xi32, #tpu.memory_space<vmem>>
    %dma_start3A_130 = tpu.memref_slice %arg2[%add3A_125, %select_n3A_32] : memref<56x2048xi32, #tpu.memory_space<hbm>> -> memref<1x256xi32, #tpu.memory_space<hbm>>
    %dma_start3A_131 = tpu.memref_squeeze %dma_start3A_130 : memref<1x256xi32, #tpu.memory_space<hbm>> -> memref<256xi32, #tpu.memory_space<hbm>>
    %dma_start3A_132 = arith.constant 0 : i32
    %dma_start3A_133 = tpu.memref_slice %arg5[%dma_start3A_126, %dma_start3A_132] : memref<8x256xi32, #tpu.memory_space<vmem>> -> memref<1x256xi32, #tpu.memory_space<vmem>>
    %dma_start3A_134 = tpu.memref_squeeze %dma_start3A_133 : memref<1x256xi32, #tpu.memory_space<vmem>> -> memref<256xi32, #tpu.memory_space<vmem>>
    %dma_start3A_135 = tpu.memref_slice %arg2[%add3A_125, %select_n3A_32] : memref<56x2048xi32, #tpu.memory_space<hbm>> -> memref<1x256xi32, #tpu.memory_space<hbm>>
    %dma_start3A_136 = tpu.memref_squeeze %dma_start3A_135 : memref<1x256xi32, #tpu.memory_space<hbm>> -> memref<256xi32, #tpu.memory_space<hbm>>
    tpu.enqueue_dma source(%dma_start3A_136 : memref<256xi32, #tpu.memory_space<hbm>>) target(%dma_start3A_134 : memref<256xi32, #tpu.memory_space<vmem>>) target_semaphore(%arg10 : memref<!tpu.dma_semaphore, #tpu.memory_space<semaphore_mem>>)
    %mul3A_137 = arith.constant 14 : i32
    %mul3A_138 = arith.muli %select_n3A, %mul3A_137 : i32
    %add3A_139 = arith.constant 13 : i32
    %add3A_140 = arith.addi %mul3A_138, %add3A_139 : i32
    %dma_start3A_141 = arith.constant 7 : i32
    %dma_start3A_142 = arith.constant 0 : i32
    %dma_start3A_143 = tpu.memref_slice %arg5[%dma_start3A_141, %dma_start3A_142] : memref<8x256xi32, #tpu.memory_space<vmem>> -> memref<1x256xi32, #tpu.memory_space<vmem>>
    %dma_start3A_144 = tpu.memref_squeeze %dma_start3A_143 : memref<1x256xi32, #tpu.memory_space<vmem>> -> memref<256xi32, #tpu.memory_space<vmem>>
    %dma_start3A_145 = tpu.memref_slice %arg2[%add3A_140, %select_n3A_32] : memref<56x2048xi32, #tpu.memory_space<hbm>> -> memref<1x256xi32, #tpu.memory_space<hbm>>
    %dma_start3A_146 = tpu.memref_squeeze %dma_start3A_145 : memref<1x256xi32, #tpu.memory_space<hbm>> -> memref<256xi32, #tpu.memory_space<hbm>>
    %dma_start3A_147 = arith.constant 0 : i32
    %dma_start3A_148 = tpu.memref_slice %arg5[%dma_start3A_141, %dma_start3A_147] : memref<8x256xi32, #tpu.memory_space<vmem>> -> memref<1x256xi32, #tpu.memory_space<vmem>>
    %dma_start3A_149 = tpu.memref_squeeze %dma_start3A_148 : memref<1x256xi32, #tpu.memory_space<vmem>> -> memref<256xi32, #tpu.memory_space<vmem>>
    %dma_start3A_150 = tpu.memref_slice %arg2[%add3A_140, %select_n3A_32] : memref<56x2048xi32, #tpu.memory_space<hbm>> -> memref<1x256xi32, #tpu.memory_space<hbm>>
    %dma_start3A_151 = tpu.memref_squeeze %dma_start3A_150 : memref<1x256xi32, #tpu.memory_space<hbm>> -> memref<256xi32, #tpu.memory_space<hbm>>
    tpu.enqueue_dma source(%dma_start3A_151 : memref<256xi32, #tpu.memory_space<hbm>>) target(%dma_start3A_149 : memref<256xi32, #tpu.memory_space<vmem>>) target_semaphore(%arg10 : memref<!tpu.dma_semaphore, #tpu.memory_space<semaphore_mem>>)
    %dma_wait3A = arith.constant 0 : i32
    %dma_wait3A_152 = arith.constant 0 : i32
    %dma_wait3A_153 = tpu.memref_slice %arg5[%dma_wait3A, %dma_wait3A_152] : memref<8x256xi32, #tpu.memory_space<vmem>> -> memref<1x256xi32, #tpu.memory_space<vmem>>
    %dma_wait3A_154 = tpu.memref_squeeze %dma_wait3A_153 : memref<1x256xi32, #tpu.memory_space<vmem>> -> memref<256xi32, #tpu.memory_space<vmem>>
    %dma_wait3A_155 = tpu.memref_slice %arg2[%add3A_36, %select_n3A_32] : memref<56x2048xi32, #tpu.memory_space<hbm>> -> memref<1x256xi32, #tpu.memory_space<hbm>>
    %dma_wait3A_156 = tpu.memref_squeeze %dma_wait3A_155 : memref<1x256xi32, #tpu.memory_space<hbm>> -> memref<256xi32, #tpu.memory_space<hbm>>
    %dma_wait3A_157 = arith.constant 0 : i32
    %dma_wait3A_158 = tpu.memref_slice %arg5[%dma_wait3A, %dma_wait3A_157] : memref<8x256xi32, #tpu.memory_space<vmem>> -> memref<1x256xi32, #tpu.memory_space<vmem>>
    %dma_wait3A_159 = tpu.memref_squeeze %dma_wait3A_158 : memref<1x256xi32, #tpu.memory_space<vmem>> -> memref<256xi32, #tpu.memory_space<vmem>>
    %dma_wait3A_160 = tpu.memref_slice %arg2[%add3A_36, %select_n3A_32] : memref<56x2048xi32, #tpu.memory_space<hbm>> -> memref<1x256xi32, #tpu.memory_space<hbm>>
    %dma_wait3A_161 = tpu.memref_squeeze %dma_wait3A_160 : memref<1x256xi32, #tpu.memory_space<hbm>> -> memref<256xi32, #tpu.memory_space<hbm>>
    tpu.wait_dma2 semaphore(%arg10 : memref<!tpu.dma_semaphore, #tpu.memory_space<semaphore_mem>>) src(%dma_wait3A_161 : memref<256xi32, #tpu.memory_space<hbm>>) dst(%dma_wait3A_159 : memref<256xi32, #tpu.memory_space<vmem>>)
    %dma_wait3A_162 = arith.constant 1 : i32
    %dma_wait3A_163 = arith.constant 0 : i32
    %dma_wait3A_164 = tpu.memref_slice %arg5[%dma_wait3A_162, %dma_wait3A_163] : memref<8x256xi32, #tpu.memory_space<vmem>> -> memref<1x256xi32, #tpu.memory_space<vmem>>
    %dma_wait3A_165 = tpu.memref_squeeze %dma_wait3A_164 : memref<1x256xi32, #tpu.memory_space<vmem>> -> memref<256xi32, #tpu.memory_space<vmem>>
    %dma_wait3A_166 = tpu.memref_slice %arg2[%add3A_50, %select_n3A_32] : memref<56x2048xi32, #tpu.memory_space<hbm>> -> memref<1x256xi32, #tpu.memory_space<hbm>>
    %dma_wait3A_167 = tpu.memref_squeeze %dma_wait3A_166 : memref<1x256xi32, #tpu.memory_space<hbm>> -> memref<256xi32, #tpu.memory_space<hbm>>
    %dma_wait3A_168 = arith.constant 0 : i32
    %dma_wait3A_169 = tpu.memref_slice %arg5[%dma_wait3A_162, %dma_wait3A_168] : memref<8x256xi32, #tpu.memory_space<vmem>> -> memref<1x256xi32, #tpu.memory_space<vmem>>
    %dma_wait3A_170 = tpu.memref_squeeze %dma_wait3A_169 : memref<1x256xi32, #tpu.memory_space<vmem>> -> memref<256xi32, #tpu.memory_space<vmem>>
    %dma_wait3A_171 = tpu.memref_slice %arg2[%add3A_50, %select_n3A_32] : memref<56x2048xi32, #tpu.memory_space<hbm>> -> memref<1x256xi32, #tpu.memory_space<hbm>>
    %dma_wait3A_172 = tpu.memref_squeeze %dma_wait3A_171 : memref<1x256xi32, #tpu.memory_space<hbm>> -> memref<256xi32, #tpu.memory_space<hbm>>
    tpu.wait_dma2 semaphore(%arg10 : memref<!tpu.dma_semaphore, #tpu.memory_space<semaphore_mem>>) src(%dma_wait3A_172 : memref<256xi32, #tpu.memory_space<hbm>>) dst(%dma_wait3A_170 : memref<256xi32, #tpu.memory_space<vmem>>)
    %dma_wait3A_173 = arith.constant 2 : i32
    %dma_wait3A_174 = arith.constant 0 : i32
    %dma_wait3A_175 = tpu.memref_slice %arg5[%dma_wait3A_173, %dma_wait3A_174] : memref<8x256xi32, #tpu.memory_space<vmem>> -> memref<1x256xi32, #tpu.memory_space<vmem>>
    %dma_wait3A_176 = tpu.memref_squeeze %dma_wait3A_175 : memref<1x256xi32, #tpu.memory_space<vmem>> -> memref<256xi32, #tpu.memory_space<vmem>>
    %dma_wait3A_177 = tpu.memref_slice %arg2[%add3A_65, %select_n3A_32] : memref<56x2048xi32, #tpu.memory_space<hbm>> -> memref<1x256xi32, #tpu.memory_space<hbm>>
    %dma_wait3A_178 = tpu.memref_squeeze %dma_wait3A_177 : memref<1x256xi32, #tpu.memory_space<hbm>> -> memref<256xi32, #tpu.memory_space<hbm>>
    %dma_wait3A_179 = arith.constant 0 : i32
    %dma_wait3A_180 = tpu.memref_slice %arg5[%dma_wait3A_173, %dma_wait3A_179] : memref<8x256xi32, #tpu.memory_space<vmem>> -> memref<1x256xi32, #tpu.memory_space<vmem>>
    %dma_wait3A_181 = tpu.memref_squeeze %dma_wait3A_180 : memref<1x256xi32, #tpu.memory_space<vmem>> -> memref<256xi32, #tpu.memory_space<vmem>>
    %dma_wait3A_182 = tpu.memref_slice %arg2[%add3A_65, %select_n3A_32] : memref<56x2048xi32, #tpu.memory_space<hbm>> -> memref<1x256xi32, #tpu.memory_space<hbm>>
    %dma_wait3A_183 = tpu.memref_squeeze %dma_wait3A_182 : memref<1x256xi32, #tpu.memory_space<hbm>> -> memref<256xi32, #tpu.memory_space<hbm>>
    tpu.wait_dma2 semaphore(%arg10 : memref<!tpu.dma_semaphore, #tpu.memory_space<semaphore_mem>>) src(%dma_wait3A_183 : memref<256xi32, #tpu.memory_space<hbm>>) dst(%dma_wait3A_181 : memref<256xi32, #tpu.memory_space<vmem>>)
    %dma_wait3A_184 = arith.constant 3 : i32
    %dma_wait3A_185 = arith.constant 0 : i32
    %dma_wait3A_186 = tpu.memref_slice %arg5[%dma_wait3A_184, %dma_wait3A_185] : memref<8x256xi32, #tpu.memory_space<vmem>> -> memref<1x256xi32, #tpu.memory_space<vmem>>
    %dma_wait3A_187 = tpu.memref_squeeze %dma_wait3A_186 : memref<1x256xi32, #tpu.memory_space<vmem>> -> memref<256xi32, #tpu.memory_space<vmem>>
    %dma_wait3A_188 = tpu.memref_slice %arg2[%add3A_80, %select_n3A_32] : memref<56x2048xi32, #tpu.memory_space<hbm>> -> memref<1x256xi32, #tpu.memory_space<hbm>>
    %dma_wait3A_189 = tpu.memref_squeeze %dma_wait3A_188 : memref<1x256xi32, #tpu.memory_space<hbm>> -> memref<256xi32, #tpu.memory_space<hbm>>
    %dma_wait3A_190 = arith.constant 0 : i32
    %dma_wait3A_191 = tpu.memref_slice %arg5[%dma_wait3A_184, %dma_wait3A_190] : memref<8x256xi32, #tpu.memory_space<vmem>> -> memref<1x256xi32, #tpu.memory_space<vmem>>
    %dma_wait3A_192 = tpu.memref_squeeze %dma_wait3A_191 : memref<1x256xi32, #tpu.memory_space<vmem>> -> memref<256xi32, #tpu.memory_space<vmem>>
    %dma_wait3A_193 = tpu.memref_slice %arg2[%add3A_80, %select_n3A_32] : memref<56x2048xi32, #tpu.memory_space<hbm>> -> memref<1x256xi32, #tpu.memory_space<hbm>>
    %dma_wait3A_194 = tpu.memref_squeeze %dma_wait3A_193 : memref<1x256xi32, #tpu.memory_space<hbm>> -> memref<256xi32, #tpu.memory_space<hbm>>
    tpu.wait_dma2 semaphore(%arg10 : memref<!tpu.dma_semaphore, #tpu.memory_space<semaphore_mem>>) src(%dma_wait3A_194 : memref<256xi32, #tpu.memory_space<hbm>>) dst(%dma_wait3A_192 : memref<256xi32, #tpu.memory_space<vmem>>)
    %dma_wait3A_195 = arith.constant 4 : i32
    %dma_wait3A_196 = arith.constant 0 : i32
    %dma_wait3A_197 = tpu.memref_slice %arg5[%dma_wait3A_195, %dma_wait3A_196] : memref<8x256xi32, #tpu.memory_space<vmem>> -> memref<1x256xi32, #tpu.memory_space<vmem>>
    %dma_wait3A_198 = tpu.memref_squeeze %dma_wait3A_197 : memref<1x256xi32, #tpu.memory_space<vmem>> -> memref<256xi32, #tpu.memory_space<vmem>>
    %dma_wait3A_199 = tpu.memref_slice %arg2[%add3A_95, %select_n3A_32] : memref<56x2048xi32, #tpu.memory_space<hbm>> -> memref<1x256xi32, #tpu.memory_space<hbm>>
    %dma_wait3A_200 = tpu.memref_squeeze %dma_wait3A_199 : memref<1x256xi32, #tpu.memory_space<hbm>> -> memref<256xi32, #tpu.memory_space<hbm>>
    %dma_wait3A_201 = arith.constant 0 : i32
    %dma_wait3A_202 = tpu.memref_slice %arg5[%dma_wait3A_195, %dma_wait3A_201] : memref<8x256xi32, #tpu.memory_space<vmem>> -> memref<1x256xi32, #tpu.memory_space<vmem>>
    %dma_wait3A_203 = tpu.memref_squeeze %dma_wait3A_202 : memref<1x256xi32, #tpu.memory_space<vmem>> -> memref<256xi32, #tpu.memory_space<vmem>>
    %dma_wait3A_204 = tpu.memref_slice %arg2[%add3A_95, %select_n3A_32] : memref<56x2048xi32, #tpu.memory_space<hbm>> -> memref<1x256xi32, #tpu.memory_space<hbm>>
    %dma_wait3A_205 = tpu.memref_squeeze %dma_wait3A_204 : memref<1x256xi32, #tpu.memory_space<hbm>> -> memref<256xi32, #tpu.memory_space<hbm>>
    tpu.wait_dma2 semaphore(%arg10 : memref<!tpu.dma_semaphore, #tpu.memory_space<semaphore_mem>>) src(%dma_wait3A_205 : memref<256xi32, #tpu.memory_space<hbm>>) dst(%dma_wait3A_203 : memref<256xi32, #tpu.memory_space<vmem>>)
    %dma_wait3A_206 = arith.constant 5 : i32
    %dma_wait3A_207 = arith.constant 0 : i32
    %dma_wait3A_208 = tpu.memref_slice %arg5[%dma_wait3A_206, %dma_wait3A_207] : memref<8x256xi32, #tpu.memory_space<vmem>> -> memref<1x256xi32, #tpu.memory_space<vmem>>
    %dma_wait3A_209 = tpu.memref_squeeze %dma_wait3A_208 : memref<1x256xi32, #tpu.memory_space<vmem>> -> memref<256xi32, #tpu.memory_space<vmem>>
    %dma_wait3A_210 = tpu.memref_slice %arg2[%add3A_110, %select_n3A_32] : memref<56x2048xi32, #tpu.memory_space<hbm>> -> memref<1x256xi32, #tpu.memory_space<hbm>>
    %dma_wait3A_211 = tpu.memref_squeeze %dma_wait3A_210 : memref<1x256xi32, #tpu.memory_space<hbm>> -> memref<256xi32, #tpu.memory_space<hbm>>
    %dma_wait3A_212 = arith.constant 0 : i32
    %dma_wait3A_213 = tpu.memref_slice %arg5[%dma_wait3A_206, %dma_wait3A_212] : memref<8x256xi32, #tpu.memory_space<vmem>> -> memref<1x256xi32, #tpu.memory_space<vmem>>
    %dma_wait3A_214 = tpu.memref_squeeze %dma_wait3A_213 : memref<1x256xi32, #tpu.memory_space<vmem>> -> memref<256xi32, #tpu.memory_space<vmem>>
    %dma_wait3A_215 = tpu.memref_slice %arg2[%add3A_110, %select_n3A_32] : memref<56x2048xi32, #tpu.memory_space<hbm>> -> memref<1x256xi32, #tpu.memory_space<hbm>>
    %dma_wait3A_216 = tpu.memref_squeeze %dma_wait3A_215 : memref<1x256xi32, #tpu.memory_space<hbm>> -> memref<256xi32, #tpu.memory_space<hbm>>
    tpu.wait_dma2 semaphore(%arg10 : memref<!tpu.dma_semaphore, #tpu.memory_space<semaphore_mem>>) src(%dma_wait3A_216 : memref<256xi32, #tpu.memory_space<hbm>>) dst(%dma_wait3A_214 : memref<256xi32, #tpu.memory_space<vmem>>)
    %dma_wait3A_217 = arith.constant 6 : i32
    %dma_wait3A_218 = arith.constant 0 : i32
    %dma_wait3A_219 = tpu.memref_slice %arg5[%dma_wait3A_217, %dma_wait3A_218] : memref<8x256xi32, #tpu.memory_space<vmem>> -> memref<1x256xi32, #tpu.memory_space<vmem>>
    %dma_wait3A_220 = tpu.memref_squeeze %dma_wait3A_219 : memref<1x256xi32, #tpu.memory_space<vmem>> -> memref<256xi32, #tpu.memory_space<vmem>>
    %dma_wait3A_221 = tpu.memref_slice %arg2[%add3A_125, %select_n3A_32] : memref<56x2048xi32, #tpu.memory_space<hbm>> -> memref<1x256xi32, #tpu.memory_space<hbm>>
    %dma_wait3A_222 = tpu.memref_squeeze %dma_wait3A_221 : memref<1x256xi32, #tpu.memory_space<hbm>> -> memref<256xi32, #tpu.memory_space<hbm>>
    %dma_wait3A_223 = arith.constant 0 : i32
    %dma_wait3A_224 = tpu.memref_slice %arg5[%dma_wait3A_217, %dma_wait3A_223] : memref<8x256xi32, #tpu.memory_space<vmem>> -> memref<1x256xi32, #tpu.memory_space<vmem>>
    %dma_wait3A_225 = tpu.memref_squeeze %dma_wait3A_224 : memref<1x256xi32, #tpu.memory_space<vmem>> -> memref<256xi32, #tpu.memory_space<vmem>>
    %dma_wait3A_226 = tpu.memref_slice %arg2[%add3A_125, %select_n3A_32] : memref<56x2048xi32, #tpu.memory_space<hbm>> -> memref<1x256xi32, #tpu.memory_space<hbm>>
    %dma_wait3A_227 = tpu.memref_squeeze %dma_wait3A_226 : memref<1x256xi32, #tpu.memory_space<hbm>> -> memref<256xi32, #tpu.memory_space<hbm>>
    tpu.wait_dma2 semaphore(%arg10 : memref<!tpu.dma_semaphore, #tpu.memory_space<semaphore_mem>>) src(%dma_wait3A_227 : memref<256xi32, #tpu.memory_space<hbm>>) dst(%dma_wait3A_225 : memref<256xi32, #tpu.memory_space<vmem>>)
    %dma_wait3A_228 = arith.constant 7 : i32
    %dma_wait3A_229 = arith.constant 0 : i32
    %dma_wait3A_230 = tpu.memref_slice %arg5[%dma_wait3A_228, %dma_wait3A_229] : memref<8x256xi32, #tpu.memory_space<vmem>> -> memref<1x256xi32, #tpu.memory_space<vmem>>
    %dma_wait3A_231 = tpu.memref_squeeze %dma_wait3A_230 : memref<1x256xi32, #tpu.memory_space<vmem>> -> memref<256xi32, #tpu.memory_space<vmem>>
    %dma_wait3A_232 = tpu.memref_slice %arg2[%add3A_140, %select_n3A_32] : memref<56x2048xi32, #tpu.memory_space<hbm>> -> memref<1x256xi32, #tpu.memory_space<hbm>>
    %dma_wait3A_233 = tpu.memref_squeeze %dma_wait3A_232 : memref<1x256xi32, #tpu.memory_space<hbm>> -> memref<256xi32, #tpu.memory_space<hbm>>
    %dma_wait3A_234 = arith.constant 0 : i32
    %dma_wait3A_235 = tpu.memref_slice %arg5[%dma_wait3A_228, %dma_wait3A_234] : memref<8x256xi32, #tpu.memory_space<vmem>> -> memref<1x256xi32, #tpu.memory_space<vmem>>
    %dma_wait3A_236 = tpu.memref_squeeze %dma_wait3A_235 : memref<1x256xi32, #tpu.memory_space<vmem>> -> memref<256xi32, #tpu.memory_space<vmem>>
    %dma_wait3A_237 = tpu.memref_slice %arg2[%add3A_140, %select_n3A_32] : memref<56x2048xi32, #tpu.memory_space<hbm>> -> memref<1x256xi32, #tpu.memory_space<hbm>>
    %dma_wait3A_238 = tpu.memref_squeeze %dma_wait3A_237 : memref<1x256xi32, #tpu.memory_space<hbm>> -> memref<256xi32, #tpu.memory_space<hbm>>
    tpu.wait_dma2 semaphore(%arg10 : memref<!tpu.dma_semaphore, #tpu.memory_space<semaphore_mem>>) src(%dma_wait3A_238 : memref<256xi32, #tpu.memory_space<hbm>>) dst(%dma_wait3A_236 : memref<256xi32, #tpu.memory_space<vmem>>)
    %scan3A = arith.constant 0 : i32
    %scan3A_239 = arith.constant 0 : i32
    %scan3A_240 = arith.constant 16 : i32
    %scan3A_241 = arith.addi %scan3A_239, %scan3A_240 : i32
    %scan3A_242 = arith.constant 1 : i32
    %scan3A_243 = scf.for %scan3A_409 = %scan3A_239 to %scan3A_241 step %scan3A_242 iter_args(%scan3A_410 = %scan3A) -> (i32)  : i32 {
      %mul3A_411 = arith.constant 16 : i32
      %mul3A_412 = arith.muli %scan3A_409, %mul3A_411 : i32
      %get3A = arith.constant 0 : i32
      %get3A_413 = arith.index_cast %get3A : i32 to index
      %get3A_414 = arith.index_cast %mul3A_412 : i32 to index
      %get3A_415 = tpu.vector_load %arg5[%get3A_413, %get3A_414] {strides = array<i32>} : memref<8x256xi32, #tpu.memory_space<vmem>>, vector<1x16xi32>,
      %get3A_416 = vector.shape_cast %get3A_415 : vector<1x16xi32> to vector<16xi32>
      %add3A_417 = arith.constant 0 : i32
      %add3A_418 = vector.broadcast %add3A_417 : i32 to vector<16xi32>
      %add3A_419 = arith.addi %get3A_416, %add3A_418 : vector<16xi32>
      %mul3A_420 = arith.constant 16 : i32
      %mul3A_421 = arith.muli %scan3A_409, %mul3A_420 : i32
      %swap3A = arith.constant 0 : i32
      %swap3A_422 = arith.index_cast %swap3A : i32 to index
      %swap3A_423 = arith.index_cast %mul3A_421 : i32 to index
      %swap3A_424 = tpu.vector_load %arg5[%swap3A_422, %swap3A_423] {strides = array<i32>} : memref<8x256xi32, #tpu.memory_space<vmem>>, vector<1x16xi32>,
      %swap3A_425 = vector.shape_cast %swap3A_424 : vector<1x16xi32> to vector<16xi32>
      %swap3A_426 = vector.shape_cast %add3A_419 : vector<16xi32> to vector<1x16xi32>
      tpu.vector_store %arg5[%swap3A_422, %swap3A_423], %swap3A_426 {strides = array<i32>} : memref<8x256xi32, #tpu.memory_space<vmem>>, vector<1x16xi32>,
      %scan3A_427 = arith.constant 0 : i32
      scf.yield %scan3A_427 : i32
    }
    %scan3A_244 = arith.constant 16 : i32
    %scan3A_245 = arith.constant 0 : i32
    %scan3A_246 = arith.constant 0 : i32
    %scan3A_247 = arith.constant 16 : i32
    %scan3A_248 = arith.addi %scan3A_246, %scan3A_247 : i32
    %scan3A_249 = arith.constant 1 : i32
    %scan3A_250 = scf.for %scan3A_409 = %scan3A_246 to %scan3A_248 step %scan3A_249 iter_args(%scan3A_410 = %scan3A_245) -> (i32)  : i32 {
      %mul3A_411 = arith.constant 16 : i32
      %mul3A_412 = arith.muli %scan3A_409, %mul3A_411 : i32
      %get3A = arith.constant 1 : i32
      %get3A_413 = arith.index_cast %get3A : i32 to index
      %get3A_414 = arith.index_cast %mul3A_412 : i32 to index
      %get3A_415 = tpu.vector_load %arg5[%get3A_413, %get3A_414] {strides = array<i32>} : memref<8x256xi32, #tpu.memory_space<vmem>>, vector<1x16xi32>,
      %get3A_416 = vector.shape_cast %get3A_415 : vector<1x16xi32> to vector<16xi32>
      %add3A_417 = arith.constant 1025 : i32
      %add3A_418 = vector.broadcast %add3A_417 : i32 to vector<16xi32>
      %add3A_419 = arith.addi %get3A_416, %add3A_418 : vector<16xi32>
      %mul3A_420 = arith.constant 16 : i32
      %mul3A_421 = arith.muli %scan3A_409, %mul3A_420 : i32
      %swap3A = arith.constant 1 : i32
      %swap3A_422 = arith.index_cast %swap3A : i32 to index
      %swap3A_423 = arith.index_cast %mul3A_421 : i32 to index
      %swap3A_424 = tpu.vector_load %arg5[%swap3A_422, %swap3A_423] {strides = array<i32>} : memref<8x256xi32, #tpu.memory_space<vmem>>, vector<1x16xi32>,
      %swap3A_425 = vector.shape_cast %swap3A_424 : vector<1x16xi32> to vector<16xi32>
      %swap3A_426 = vector.shape_cast %add3A_419 : vector<16xi32> to vector<1x16xi32>
      tpu.vector_store %arg5[%swap3A_422, %swap3A_423], %swap3A_426 {strides = array<i32>} : memref<8x256xi32, #tpu.memory_space<vmem>>, vector<1x16xi32>,
      %scan3A_427 = arith.constant 0 : i32
      scf.yield %scan3A_427 : i32
    }
    %scan3A_251 = arith.constant 16 : i32
    %scan3A_252 = arith.constant 0 : i32
    %scan3A_253 = arith.constant 0 : i32
    %scan3A_254 = arith.constant 16 : i32
    %scan3A_255 = arith.addi %scan3A_253, %scan3A_254 : i32
    %scan3A_256 = arith.constant 1 : i32
    %scan3A_257 = scf.for %scan3A_409 = %scan3A_253 to %scan3A_255 step %scan3A_256 iter_args(%scan3A_410 = %scan3A_252) -> (i32)  : i32 {
      %mul3A_411 = arith.constant 16 : i32
      %mul3A_412 = arith.muli %scan3A_409, %mul3A_411 : i32
      %get3A = arith.constant 2 : i32
      %get3A_413 = arith.index_cast %get3A : i32 to index
      %get3A_414 = arith.index_cast %mul3A_412 : i32 to index
      %get3A_415 = tpu.vector_load %arg5[%get3A_413, %get3A_414] {strides = array<i32>} : memref<8x256xi32, #tpu.memory_space<vmem>>, vector<1x16xi32>,
      %get3A_416 = vector.shape_cast %get3A_415 : vector<1x16xi32> to vector<16xi32>
      %add3A_417 = arith.constant 2050 : i32
      %add3A_418 = vector.broadcast %add3A_417 : i32 to vector<16xi32>
      %add3A_419 = arith.addi %get3A_416, %add3A_418 : vector<16xi32>
      %mul3A_420 = arith.constant 16 : i32
      %mul3A_421 = arith.muli %scan3A_409, %mul3A_420 : i32
      %swap3A = arith.constant 2 : i32
      %swap3A_422 = arith.index_cast %swap3A : i32 to index
      %swap3A_423 = arith.index_cast %mul3A_421 : i32 to index
      %swap3A_424 = tpu.vector_load %arg5[%swap3A_422, %swap3A_423] {strides = array<i32>} : memref<8x256xi32, #tpu.memory_space<vmem>>, vector<1x16xi32>,
      %swap3A_425 = vector.shape_cast %swap3A_424 : vector<1x16xi32> to vector<16xi32>
      %swap3A_426 = vector.shape_cast %add3A_419 : vector<16xi32> to vector<1x16xi32>
      tpu.vector_store %arg5[%swap3A_422, %swap3A_423], %swap3A_426 {strides = array<i32>} : memref<8x256xi32, #tpu.memory_space<vmem>>, vector<1x16xi32>,
      %scan3A_427 = arith.constant 0 : i32
      scf.yield %scan3A_427 : i32
    }
    %scan3A_258 = arith.constant 16 : i32
    %scan3A_259 = arith.constant 0 : i32
    %scan3A_260 = arith.constant 0 : i32
    %scan3A_261 = arith.constant 16 : i32
    %scan3A_262 = arith.addi %scan3A_260, %scan3A_261 : i32
    %scan3A_263 = arith.constant 1 : i32
    %scan3A_264 = scf.for %scan3A_409 = %scan3A_260 to %scan3A_262 step %scan3A_263 iter_args(%scan3A_410 = %scan3A_259) -> (i32)  : i32 {
      %mul3A_411 = arith.constant 16 : i32
      %mul3A_412 = arith.muli %scan3A_409, %mul3A_411 : i32
      %get3A = arith.constant 3 : i32
      %get3A_413 = arith.index_cast %get3A : i32 to index
      %get3A_414 = arith.index_cast %mul3A_412 : i32 to index
      %get3A_415 = tpu.vector_load %arg5[%get3A_413, %get3A_414] {strides = array<i32>} : memref<8x256xi32, #tpu.memory_space<vmem>>, vector<1x16xi32>,
      %get3A_416 = vector.shape_cast %get3A_415 : vector<1x16xi32> to vector<16xi32>
      %add3A_417 = arith.constant 3075 : i32
      %add3A_418 = vector.broadcast %add3A_417 : i32 to vector<16xi32>
      %add3A_419 = arith.addi %get3A_416, %add3A_418 : vector<16xi32>
      %mul3A_420 = arith.constant 16 : i32
      %mul3A_421 = arith.muli %scan3A_409, %mul3A_420 : i32
      %swap3A = arith.constant 3 : i32
      %swap3A_422 = arith.index_cast %swap3A : i32 to index
      %swap3A_423 = arith.index_cast %mul3A_421 : i32 to index
      %swap3A_424 = tpu.vector_load %arg5[%swap3A_422, %swap3A_423] {strides = array<i32>} : memref<8x256xi32, #tpu.memory_space<vmem>>, vector<1x16xi32>,
      %swap3A_425 = vector.shape_cast %swap3A_424 : vector<1x16xi32> to vector<16xi32>
      %swap3A_426 = vector.shape_cast %add3A_419 : vector<16xi32> to vector<1x16xi32>
      tpu.vector_store %arg5[%swap3A_422, %swap3A_423], %swap3A_426 {strides = array<i32>} : memref<8x256xi32, #tpu.memory_space<vmem>>, vector<1x16xi32>,
      %scan3A_427 = arith.constant 0 : i32
      scf.yield %scan3A_427 : i32
    }
    %scan3A_265 = arith.constant 16 : i32
    %scan3A_266 = arith.constant 0 : i32
    %scan3A_267 = arith.constant 0 : i32
    %scan3A_268 = arith.constant 16 : i32
    %scan3A_269 = arith.addi %scan3A_267, %scan3A_268 : i32
    %scan3A_270 = arith.constant 1 : i32
    %scan3A_271 = scf.for %scan3A_409 = %scan3A_267 to %scan3A_269 step %scan3A_270 iter_args(%scan3A_410 = %scan3A_266) -> (i32)  : i32 {
      %mul3A_411 = arith.constant 16 : i32
      %mul3A_412 = arith.muli %scan3A_409, %mul3A_411 : i32
      %get3A = arith.constant 4 : i32
      %get3A_413 = arith.index_cast %get3A : i32 to index
      %get3A_414 = arith.index_cast %mul3A_412 : i32 to index
      %get3A_415 = tpu.vector_load %arg5[%get3A_413, %get3A_414] {strides = array<i32>} : memref<8x256xi32, #tpu.memory_space<vmem>>, vector<1x16xi32>,
      %get3A_416 = vector.shape_cast %get3A_415 : vector<1x16xi32> to vector<16xi32>
      %add3A_417 = arith.constant 4100 : i32
      %add3A_418 = vector.broadcast %add3A_417 : i32 to vector<16xi32>
      %add3A_419 = arith.addi %get3A_416, %add3A_418 : vector<16xi32>
      %mul3A_420 = arith.constant 16 : i32
      %mul3A_421 = arith.muli %scan3A_409, %mul3A_420 : i32
      %swap3A = arith.constant 4 : i32
      %swap3A_422 = arith.index_cast %swap3A : i32 to index
      %swap3A_423 = arith.index_cast %mul3A_421 : i32 to index
      %swap3A_424 = tpu.vector_load %arg5[%swap3A_422, %swap3A_423] {strides = array<i32>} : memref<8x256xi32, #tpu.memory_space<vmem>>, vector<1x16xi32>,
      %swap3A_425 = vector.shape_cast %swap3A_424 : vector<1x16xi32> to vector<16xi32>
      %swap3A_426 = vector.shape_cast %add3A_419 : vector<16xi32> to vector<1x16xi32>
      tpu.vector_store %arg5[%swap3A_422, %swap3A_423], %swap3A_426 {strides = array<i32>} : memref<8x256xi32, #tpu.memory_space<vmem>>, vector<1x16xi32>,
      %scan3A_427 = arith.constant 0 : i32
      scf.yield %scan3A_427 : i32
    }
    %scan3A_272 = arith.constant 16 : i32
    %scan3A_273 = arith.constant 0 : i32
    %scan3A_274 = arith.constant 0 : i32
    %scan3A_275 = arith.constant 16 : i32
    %scan3A_276 = arith.addi %scan3A_274, %scan3A_275 : i32
    %scan3A_277 = arith.constant 1 : i32
    %scan3A_278 = scf.for %scan3A_409 = %scan3A_274 to %scan3A_276 step %scan3A_277 iter_args(%scan3A_410 = %scan3A_273) -> (i32)  : i32 {
      %mul3A_411 = arith.constant 16 : i32
      %mul3A_412 = arith.muli %scan3A_409, %mul3A_411 : i32
      %get3A = arith.constant 5 : i32
      %get3A_413 = arith.index_cast %get3A : i32 to index
      %get3A_414 = arith.index_cast %mul3A_412 : i32 to index
      %get3A_415 = tpu.vector_load %arg5[%get3A_413, %get3A_414] {strides = array<i32>} : memref<8x256xi32, #tpu.memory_space<vmem>>, vector<1x16xi32>,
      %get3A_416 = vector.shape_cast %get3A_415 : vector<1x16xi32> to vector<16xi32>
      %add3A_417 = arith.constant 5125 : i32
      %add3A_418 = vector.broadcast %add3A_417 : i32 to vector<16xi32>
      %add3A_419 = arith.addi %get3A_416, %add3A_418 : vector<16xi32>
      %mul3A_420 = arith.constant 16 : i32
      %mul3A_421 = arith.muli %scan3A_409, %mul3A_420 : i32
      %swap3A = arith.constant 5 : i32
      %swap3A_422 = arith.index_cast %swap3A : i32 to index
      %swap3A_423 = arith.index_cast %mul3A_421 : i32 to index
      %swap3A_424 = tpu.vector_load %arg5[%swap3A_422, %swap3A_423] {strides = array<i32>} : memref<8x256xi32, #tpu.memory_space<vmem>>, vector<1x16xi32>,
      %swap3A_425 = vector.shape_cast %swap3A_424 : vector<1x16xi32> to vector<16xi32>
      %swap3A_426 = vector.shape_cast %add3A_419 : vector<16xi32> to vector<1x16xi32>
      tpu.vector_store %arg5[%swap3A_422, %swap3A_423], %swap3A_426 {strides = array<i32>} : memref<8x256xi32, #tpu.memory_space<vmem>>, vector<1x16xi32>,
      %scan3A_427 = arith.constant 0 : i32
      scf.yield %scan3A_427 : i32
    }
    %scan3A_279 = arith.constant 16 : i32
    %scan3A_280 = arith.constant 0 : i32
    %scan3A_281 = arith.constant 0 : i32
    %scan3A_282 = arith.constant 16 : i32
    %scan3A_283 = arith.addi %scan3A_281, %scan3A_282 : i32
    %scan3A_284 = arith.constant 1 : i32
    %scan3A_285 = scf.for %scan3A_409 = %scan3A_281 to %scan3A_283 step %scan3A_284 iter_args(%scan3A_410 = %scan3A_280) -> (i32)  : i32 {
      %mul3A_411 = arith.constant 16 : i32
      %mul3A_412 = arith.muli %scan3A_409, %mul3A_411 : i32
      %get3A = arith.constant 6 : i32
      %get3A_413 = arith.index_cast %get3A : i32 to index
      %get3A_414 = arith.index_cast %mul3A_412 : i32 to index
      %get3A_415 = tpu.vector_load %arg5[%get3A_413, %get3A_414] {strides = array<i32>} : memref<8x256xi32, #tpu.memory_space<vmem>>, vector<1x16xi32>,
      %get3A_416 = vector.shape_cast %get3A_415 : vector<1x16xi32> to vector<16xi32>
      %add3A_417 = arith.constant 6150 : i32
      %add3A_418 = vector.broadcast %add3A_417 : i32 to vector<16xi32>
      %add3A_419 = arith.addi %get3A_416, %add3A_418 : vector<16xi32>
      %mul3A_420 = arith.constant 16 : i32
      %mul3A_421 = arith.muli %scan3A_409, %mul3A_420 : i32
      %swap3A = arith.constant 6 : i32
      %swap3A_422 = arith.index_cast %swap3A : i32 to index
      %swap3A_423 = arith.index_cast %mul3A_421 : i32 to index
      %swap3A_424 = tpu.vector_load %arg5[%swap3A_422, %swap3A_423] {strides = array<i32>} : memref<8x256xi32, #tpu.memory_space<vmem>>, vector<1x16xi32>,
      %swap3A_425 = vector.shape_cast %swap3A_424 : vector<1x16xi32> to vector<16xi32>
      %swap3A_426 = vector.shape_cast %add3A_419 : vector<16xi32> to vector<1x16xi32>
      tpu.vector_store %arg5[%swap3A_422, %swap3A_423], %swap3A_426 {strides = array<i32>} : memref<8x256xi32, #tpu.memory_space<vmem>>, vector<1x16xi32>,
      %scan3A_427 = arith.constant 0 : i32
      scf.yield %scan3A_427 : i32
    }
    %scan3A_286 = arith.constant 16 : i32
    %scan3A_287 = arith.constant 0 : i32
    %scan3A_288 = arith.constant 0 : i32
    %scan3A_289 = arith.constant 16 : i32
    %scan3A_290 = arith.addi %scan3A_288, %scan3A_289 : i32
    %scan3A_291 = arith.constant 1 : i32
    %scan3A_292 = scf.for %scan3A_409 = %scan3A_288 to %scan3A_290 step %scan3A_291 iter_args(%scan3A_410 = %scan3A_287) -> (i32)  : i32 {
      %mul3A_411 = arith.constant 16 : i32
      %mul3A_412 = arith.muli %scan3A_409, %mul3A_411 : i32
      %get3A = arith.constant 7 : i32
      %get3A_413 = arith.index_cast %get3A : i32 to index
      %get3A_414 = arith.index_cast %mul3A_412 : i32 to index
      %get3A_415 = tpu.vector_load %arg5[%get3A_413, %get3A_414] {strides = array<i32>} : memref<8x256xi32, #tpu.memory_space<vmem>>, vector<1x16xi32>,
      %get3A_416 = vector.shape_cast %get3A_415 : vector<1x16xi32> to vector<16xi32>
      %add3A_417 = arith.constant 7175 : i32
      %add3A_418 = vector.broadcast %add3A_417 : i32 to vector<16xi32>
      %add3A_419 = arith.addi %get3A_416, %add3A_418 : vector<16xi32>
      %mul3A_420 = arith.constant 16 : i32
      %mul3A_421 = arith.muli %scan3A_409, %mul3A_420 : i32
      %swap3A = arith.constant 7 : i32
      %swap3A_422 = arith.index_cast %swap3A : i32 to index
      %swap3A_423 = arith.index_cast %mul3A_421 : i32 to index
      %swap3A_424 = tpu.vector_load %arg5[%swap3A_422, %swap3A_423] {strides = array<i32>} : memref<8x256xi32, #tpu.memory_space<vmem>>, vector<1x16xi32>,
      %swap3A_425 = vector.shape_cast %swap3A_424 : vector<1x16xi32> to vector<16xi32>
      %swap3A_426 = vector.shape_cast %add3A_419 : vector<16xi32> to vector<1x16xi32>
      tpu.vector_store %arg5[%swap3A_422, %swap3A_423], %swap3A_426 {strides = array<i32>} : memref<8x256xi32, #tpu.memory_space<vmem>>, vector<1x16xi32>,
      %scan3A_427 = arith.constant 0 : i32
      scf.yield %scan3A_427 : i32
    }
    %scan3A_293 = arith.constant 16 : i32
    %dma_start3A_294 = arith.constant 0 : i32
    %dma_start3A_295 = arith.constant 0 : i32
    %dma_start3A_296 = arith.constant 0 : i32
    %dma_start3A_297 = arith.constant 0 : i32
    %dma_start3A_298 = arith.constant 0 : i32
    %dma_start3A_299 = tpu.memref_slice %arg6[%dma_start3A_295, %dma_start3A_296, %dma_start3A_297, %dma_start3A_298] : memref<2x4x8x1024xf32, #tpu.memory_space<vmem>> -> memref<1x1x8x1024xf32, #tpu.memory_space<vmem>>
    %dma_start3A_300 = tpu.memref_squeeze %dma_start3A_299 : memref<1x1x8x1024xf32, #tpu.memory_space<vmem>> -> memref<8x1024xf32, #tpu.memory_space<vmem>>
    %dma_start3A_301 = arith.constant 0 : i32
    %dma_start3A_302 = tpu.memref_slice %arg5[%dma_start3A_294, %dma_start3A_301] : memref<8x256xi32, #tpu.memory_space<vmem>> -> memref<1x8xi32, #tpu.memory_space<vmem>>
    %dma_start3A_303 = tpu.memref_squeeze %dma_start3A_302 : memref<1x8xi32, #tpu.memory_space<vmem>> -> memref<8xi32, #tpu.memory_space<vmem>>
    %dma_start3A_304 = arith.constant 0 : i32
    %dma_start3A_305 = arith.constant 0 : i32
    %dma_start3A_306 = tpu.memref_slice %arg3[%dma_start3A_304, %dma_start3A_305] : memref<8200x1024xf32, #tpu.memory_space<hbm>> -> memref<8200x1024xf32, #tpu.memory_space<hbm>>
    tpu.enqueue_indirect_dma source(%dma_start3A_306 : memref<8200x1024xf32, #tpu.memory_space<hbm>>) target(%dma_start3A_300 : memref<8x1024xf32, #tpu.memory_space<vmem>>) offsets(%dma_start3A_303 : memref<8xi32, #tpu.memory_space<vmem>>) semaphore(%arg8 : memref<!tpu.dma_semaphore, #tpu.memory_space<semaphore_mem>>)
    %dma_start3A_307 = arith.constant 1 : i32
    %dma_start3A_308 = arith.constant 0 : i32
    %dma_start3A_309 = arith.constant 1 : i32
    %dma_start3A_310 = arith.constant 0 : i32
    %dma_start3A_311 = arith.constant 0 : i32
    %dma_start3A_312 = tpu.memref_slice %arg6[%dma_start3A_308, %dma_start3A_309, %dma_start3A_310, %dma_start3A_311] : memref<2x4x8x1024xf32, #tpu.memory_space<vmem>> -> memref<1x1x8x1024xf32, #tpu.memory_space<vmem>>
    %dma_start3A_313 = tpu.memref_squeeze %dma_start3A_312 : memref<1x1x8x1024xf32, #tpu.memory_space<vmem>> -> memref<8x1024xf32, #tpu.memory_space<vmem>>
    %dma_start3A_314 = arith.constant 0 : i32
    %dma_start3A_315 = tpu.memref_slice %arg5[%dma_start3A_307, %dma_start3A_314] : memref<8x256xi32, #tpu.memory_space<vmem>> -> memref<1x8xi32, #tpu.memory_space<vmem>>
    %dma_start3A_316 = tpu.memref_squeeze %dma_start3A_315 : memref<1x8xi32, #tpu.memory_space<vmem>> -> memref<8xi32, #tpu.memory_space<vmem>>
    %dma_start3A_317 = arith.constant 0 : i32
    %dma_start3A_318 = arith.constant 0 : i32
    %dma_start3A_319 = tpu.memref_slice %arg3[%dma_start3A_317, %dma_start3A_318] : memref<8200x1024xf32, #tpu.memory_space<hbm>> -> memref<8200x1024xf32, #tpu.memory_space<hbm>>
    tpu.enqueue_indirect_dma source(%dma_start3A_319 : memref<8200x1024xf32, #tpu.memory_space<hbm>>) target(%dma_start3A_313 : memref<8x1024xf32, #tpu.memory_space<vmem>>) offsets(%dma_start3A_316 : memref<8xi32, #tpu.memory_space<vmem>>) semaphore(%arg8 : memref<!tpu.dma_semaphore, #tpu.memory_space<semaphore_mem>>)
    %dma_start3A_320 = arith.constant 2 : i32
    %dma_start3A_321 = arith.constant 0 : i32
    %dma_start3A_322 = arith.constant 2 : i32
    %dma_start3A_323 = arith.constant 0 : i32
    %dma_start3A_324 = arith.constant 0 : i32
    %dma_start3A_325 = tpu.memref_slice %arg6[%dma_start3A_321, %dma_start3A_322, %dma_start3A_323, %dma_start3A_324] : memref<2x4x8x1024xf32, #tpu.memory_space<vmem>> -> memref<1x1x8x1024xf32, #tpu.memory_space<vmem>>
    %dma_start3A_326 = tpu.memref_squeeze %dma_start3A_325 : memref<1x1x8x1024xf32, #tpu.memory_space<vmem>> -> memref<8x1024xf32, #tpu.memory_space<vmem>>
    %dma_start3A_327 = arith.constant 0 : i32
    %dma_start3A_328 = tpu.memref_slice %arg5[%dma_start3A_320, %dma_start3A_327] : memref<8x256xi32, #tpu.memory_space<vmem>> -> memref<1x8xi32, #tpu.memory_space<vmem>>
    %dma_start3A_329 = tpu.memref_squeeze %dma_start3A_328 : memref<1x8xi32, #tpu.memory_space<vmem>> -> memref<8xi32, #tpu.memory_space<vmem>>
    %dma_start3A_330 = arith.constant 0 : i32
    %dma_start3A_331 = arith.constant 0 : i32
    %dma_start3A_332 = tpu.memref_slice %arg3[%dma_start3A_330, %dma_start3A_331] : memref<8200x1024xf32, #tpu.memory_space<hbm>> -> memref<8200x1024xf32, #tpu.memory_space<hbm>>
    tpu.enqueue_indirect_dma source(%dma_start3A_332 : memref<8200x1024xf32, #tpu.memory_space<hbm>>) target(%dma_start3A_326 : memref<8x1024xf32, #tpu.memory_space<vmem>>) offsets(%dma_start3A_329 : memref<8xi32, #tpu.memory_space<vmem>>) semaphore(%arg8 : memref<!tpu.dma_semaphore, #tpu.memory_space<semaphore_mem>>)
    %dma_start3A_333 = arith.constant 3 : i32
    %dma_start3A_334 = arith.constant 0 : i32
    %dma_start3A_335 = arith.constant 3 : i32
    %dma_start3A_336 = arith.constant 0 : i32
    %dma_start3A_337 = arith.constant 0 : i32
    %dma_start3A_338 = tpu.memref_slice %arg6[%dma_start3A_334, %dma_start3A_335, %dma_start3A_336, %dma_start3A_337] : memref<2x4x8x1024xf32, #tpu.memory_space<vmem>> -> memref<1x1x8x1024xf32, #tpu.memory_space<vmem>>
    %dma_start3A_339 = tpu.memref_squeeze %dma_start3A_338 : memref<1x1x8x1024xf32, #tpu.memory_space<vmem>> -> memref<8x1024xf32, #tpu.memory_space<vmem>>
    %dma_start3A_340 = arith.constant 0 : i32
    %dma_start3A_341 = tpu.memref_slice %arg5[%dma_start3A_333, %dma_start3A_340] : memref<8x256xi32, #tpu.memory_space<vmem>> -> memref<1x8xi32, #tpu.memory_space<vmem>>
    %dma_start3A_342 = tpu.memref_squeeze %dma_start3A_341 : memref<1x8xi32, #tpu.memory_space<vmem>> -> memref<8xi32, #tpu.memory_space<vmem>>
    %dma_start3A_343 = arith.constant 0 : i32
    %dma_start3A_344 = arith.constant 0 : i32
    %dma_start3A_345 = tpu.memref_slice %arg3[%dma_start3A_343, %dma_start3A_344] : memref<8200x1024xf32, #tpu.memory_space<hbm>> -> memref<8200x1024xf32, #tpu.memory_space<hbm>>
    tpu.enqueue_indirect_dma source(%dma_start3A_345 : memref<8200x1024xf32, #tpu.memory_space<hbm>>) target(%dma_start3A_339 : memref<8x1024xf32, #tpu.memory_space<vmem>>) offsets(%dma_start3A_342 : memref<8xi32, #tpu.memory_space<vmem>>) semaphore(%arg8 : memref<!tpu.dma_semaphore, #tpu.memory_space<semaphore_mem>>)
    %dma_start3A_346 = arith.constant 4 : i32
    %dma_start3A_347 = arith.constant 1 : i32
    %dma_start3A_348 = arith.constant 0 : i32
    %dma_start3A_349 = arith.constant 0 : i32
    %dma_start3A_350 = arith.constant 0 : i32
    %dma_start3A_351 = tpu.memref_slice %arg6[%dma_start3A_347, %dma_start3A_348, %dma_start3A_349, %dma_start3A_350] : memref<2x4x8x1024xf32, #tpu.memory_space<vmem>> -> memref<1x1x8x1024xf32, #tpu.memory_space<vmem>>
    %dma_start3A_352 = tpu.memref_squeeze %dma_start3A_351 : memref<1x1x8x1024xf32, #tpu.memory_space<vmem>> -> memref<8x1024xf32, #tpu.memory_space<vmem>>
    %dma_start3A_353 = arith.constant 0 : i32
    %dma_start3A_354 = tpu.memref_slice %arg5[%dma_start3A_346, %dma_start3A_353] : memref<8x256xi32, #tpu.memory_space<vmem>> -> memref<1x8xi32, #tpu.memory_space<vmem>>
    %dma_start3A_355 = tpu.memref_squeeze %dma_start3A_354 : memref<1x8xi32, #tpu.memory_space<vmem>> -> memref<8xi32, #tpu.memory_space<vmem>>
    %dma_start3A_356 = arith.constant 0 : i32
    %dma_start3A_357 = arith.constant 0 : i32
    %dma_start3A_358 = tpu.memref_slice %arg3[%dma_start3A_356, %dma_start3A_357] : memref<8200x1024xf32, #tpu.memory_space<hbm>> -> memref<8200x1024xf32, #tpu.memory_space<hbm>>
    tpu.enqueue_indirect_dma source(%dma_start3A_358 : memref<8200x1024xf32, #tpu.memory_space<hbm>>) target(%dma_start3A_352 : memref<8x1024xf32, #tpu.memory_space<vmem>>) offsets(%dma_start3A_355 : memref<8xi32, #tpu.memory_space<vmem>>) semaphore(%arg9 : memref<!tpu.dma_semaphore, #tpu.memory_space<semaphore_mem>>)
    %dma_start3A_359 = arith.constant 5 : i32
    %dma_start3A_360 = arith.constant 1 : i32
    %dma_start3A_361 = arith.constant 1 : i32
    %dma_start3A_362 = arith.constant 0 : i32
    %dma_start3A_363 = arith.constant 0 : i32
    %dma_start3A_364 = tpu.memref_slice %arg6[%dma_start3A_360, %dma_start3A_361, %dma_start3A_362, %dma_start3A_363] : memref<2x4x8x1024xf32, #tpu.memory_space<vmem>> -> memref<1x1x8x1024xf32, #tpu.memory_space<vmem>>
    %dma_start3A_365 = tpu.memref_squeeze %dma_start3A_364 : memref<1x1x8x1024xf32, #tpu.memory_space<vmem>> -> memref<8x1024xf32, #tpu.memory_space<vmem>>
    %dma_start3A_366 = arith.constant 0 : i32
    %dma_start3A_367 = tpu.memref_slice %arg5[%dma_start3A_359, %dma_start3A_366] : memref<8x256xi32, #tpu.memory_space<vmem>> -> memref<1x8xi32, #tpu.memory_space<vmem>>
    %dma_start3A_368 = tpu.memref_squeeze %dma_start3A_367 : memref<1x8xi32, #tpu.memory_space<vmem>> -> memref<8xi32, #tpu.memory_space<vmem>>
    %dma_start3A_369 = arith.constant 0 : i32
    %dma_start3A_370 = arith.constant 0 : i32
    %dma_start3A_371 = tpu.memref_slice %arg3[%dma_start3A_369, %dma_start3A_370] : memref<8200x1024xf32, #tpu.memory_space<hbm>> -> memref<8200x1024xf32, #tpu.memory_space<hbm>>
    tpu.enqueue_indirect_dma source(%dma_start3A_371 : memref<8200x1024xf32, #tpu.memory_space<hbm>>) target(%dma_start3A_365 : memref<8x1024xf32, #tpu.memory_space<vmem>>) offsets(%dma_start3A_368 : memref<8xi32, #tpu.memory_space<vmem>>) semaphore(%arg9 : memref<!tpu.dma_semaphore, #tpu.memory_space<semaphore_mem>>)
    %dma_start3A_372 = arith.constant 6 : i32
    %dma_start3A_373 = arith.constant 1 : i32
    %dma_start3A_374 = arith.constant 2 : i32
    %dma_start3A_375 = arith.constant 0 : i32
    %dma_start3A_376 = arith.constant 0 : i32
    %dma_start3A_377 = tpu.memref_slice %arg6[%dma_start3A_373, %dma_start3A_374, %dma_start3A_375, %dma_start3A_376] : memref<2x4x8x1024xf32, #tpu.memory_space<vmem>> -> memref<1x1x8x1024xf32, #tpu.memory_space<vmem>>
    %dma_start3A_378 = tpu.memref_squeeze %dma_start3A_377 : memref<1x1x8x1024xf32, #tpu.memory_space<vmem>> -> memref<8x1024xf32, #tpu.memory_space<vmem>>
    %dma_start3A_379 = arith.constant 0 : i32
    %dma_start3A_380 = tpu.memref_slice %arg5[%dma_start3A_372, %dma_start3A_379] : memref<8x256xi32, #tpu.memory_space<vmem>> -> memref<1x8xi32, #tpu.memory_space<vmem>>
    %dma_start3A_381 = tpu.memref_squeeze %dma_start3A_380 : memref<1x8xi32, #tpu.memory_space<vmem>> -> memref<8xi32, #tpu.memory_space<vmem>>
    %dma_start3A_382 = arith.constant 0 : i32
    %dma_start3A_383 = arith.constant 0 : i32
    %dma_start3A_384 = tpu.memref_slice %arg3[%dma_start3A_382, %dma_start3A_383] : memref<8200x1024xf32, #tpu.memory_space<hbm>> -> memref<8200x1024xf32, #tpu.memory_space<hbm>>
    tpu.enqueue_indirect_dma source(%dma_start3A_384 : memref<8200x1024xf32, #tpu.memory_space<hbm>>) target(%dma_start3A_378 : memref<8x1024xf32, #tpu.memory_space<vmem>>) offsets(%dma_start3A_381 : memref<8xi32, #tpu.memory_space<vmem>>) semaphore(%arg9 : memref<!tpu.dma_semaphore, #tpu.memory_space<semaphore_mem>>)
    %dma_start3A_385 = arith.constant 7 : i32
    %dma_start3A_386 = arith.constant 1 : i32
    %dma_start3A_387 = arith.constant 3 : i32
    %dma_start3A_388 = arith.constant 0 : i32
    %dma_start3A_389 = arith.constant 0 : i32
    %dma_start3A_390 = tpu.memref_slice %arg6[%dma_start3A_386, %dma_start3A_387, %dma_start3A_388, %dma_start3A_389] : memref<2x4x8x1024xf32, #tpu.memory_space<vmem>> -> memref<1x1x8x1024xf32, #tpu.memory_space<vmem>>
    %dma_start3A_391 = tpu.memref_squeeze %dma_start3A_390 : memref<1x1x8x1024xf32, #tpu.memory_space<vmem>> -> memref<8x1024xf32, #tpu.memory_space<vmem>>
    %dma_start3A_392 = arith.constant 0 : i32
    %dma_start3A_393 = tpu.memref_slice %arg5[%dma_start3A_385, %dma_start3A_392] : memref<8x256xi32, #tpu.memory_space<vmem>> -> memref<1x8xi32, #tpu.memory_space<vmem>>
    %dma_start3A_394 = tpu.memref_squeeze %dma_start3A_393 : memref<1x8xi32, #tpu.memory_space<vmem>> -> memref<8xi32, #tpu.memory_space<vmem>>
    %dma_start3A_395 = arith.constant 0 : i32
    %dma_start3A_396 = arith.constant 0 : i32
    %dma_start3A_397 = tpu.memref_slice %arg3[%dma_start3A_395, %dma_start3A_396] : memref<8200x1024xf32, #tpu.memory_space<hbm>> -> memref<8200x1024xf32, #tpu.memory_space<hbm>>
    tpu.enqueue_indirect_dma source(%dma_start3A_397 : memref<8200x1024xf32, #tpu.memory_space<hbm>>) target(%dma_start3A_391 : memref<8x1024xf32, #tpu.memory_space<vmem>>) offsets(%dma_start3A_394 : memref<8xi32, #tpu.memory_space<vmem>>) semaphore(%arg9 : memref<!tpu.dma_semaphore, #tpu.memory_space<semaphore_mem>>)
    %scan3A_398 = arith.constant 0 : i32
    %scan3A_399 = arith.constant 0 : i32
    %scan3A_400 = arith.constant 32 : i32
    %scan3A_401 = arith.addi %scan3A_399, %scan3A_400 : i32
    %scan3A_402 = arith.constant 1 : i32
    %scan3A_403 = scf.for %scan3A_409 = %scan3A_399 to %scan3A_401 step %scan3A_402 iter_args(%scan3A_410 = %scan3A_398) -> (i32)  : i32 {
      %dma_wait3A_411 = arith.constant 0 : i32
      %dma_wait3A_412 = arith.constant 0 : i32
      %dma_wait3A_413 = arith.constant 0 : i32
      %dma_wait3A_414 = arith.constant 0 : i32
      %dma_wait3A_415 = tpu.memref_slice %arg6[%dma_wait3A_411, %dma_wait3A_412, %dma_wait3A_413, %dma_wait3A_414] : memref<2x4x8x1024xf32, #tpu.memory_space<vmem>> -> memref<1x1x8x1024xf32, #tpu.memory_space<vmem>>
      %dma_wait3A_416 = tpu.memref_squeeze %dma_wait3A_415 : memref<1x1x8x1024xf32, #tpu.memory_space<vmem>> -> memref<8x1024xf32, #tpu.memory_space<vmem>>
      %dma_wait3A_417 = arith.constant 0 : i32
      %dma_wait3A_418 = arith.constant 0 : i32
      %dma_wait3A_419 = tpu.memref_slice %arg3[%dma_wait3A_417, %dma_wait3A_418] : memref<8200x1024xf32, #tpu.memory_space<hbm>> -> memref<8x1024xf32, #tpu.memory_space<hbm>>
      %dma_wait3A_420 = arith.constant 0 : i32
      %dma_wait3A_421 = arith.constant 0 : i32
      %dma_wait3A_422 = tpu.memref_slice %arg6[%dma_wait3A_411, %dma_wait3A_412, %dma_wait3A_420, %dma_wait3A_421] : memref<2x4x8x1024xf32, #tpu.memory_space<vmem>> -> memref<1x1x8x1024xf32, #tpu.memory_space<vmem>>
      %dma_wait3A_423 = tpu.memref_squeeze %dma_wait3A_422 : memref<1x1x8x1024xf32, #tpu.memory_space<vmem>> -> memref<8x1024xf32, #tpu.memory_space<vmem>>
      %dma_wait3A_424 = arith.constant 0 : i32
      %dma_wait3A_425 = arith.constant 0 : i32
      %dma_wait3A_426 = tpu.memref_slice %arg3[%dma_wait3A_424, %dma_wait3A_425] : memref<8200x1024xf32, #tpu.memory_space<hbm>> -> memref<8x1024xf32, #tpu.memory_space<hbm>>
      tpu.wait_dma2 semaphore(%arg8 : memref<!tpu.dma_semaphore, #tpu.memory_space<semaphore_mem>>) src(%dma_wait3A_426 : memref<8x1024xf32, #tpu.memory_space<hbm>>) dst(%dma_wait3A_423 : memref<8x1024xf32, #tpu.memory_space<vmem>>)
      %dma_wait3A_427 = arith.constant 0 : i32
      %dma_wait3A_428 = arith.constant 1 : i32
      %dma_wait3A_429 = arith.constant 0 : i32
      %dma_wait3A_430 = arith.constant 0 : i32
      %dma_wait3A_431 = tpu.memref_slice %arg6[%dma_wait3A_427, %dma_wait3A_428, %dma_wait3A_429, %dma_wait3A_430] : memref<2x4x8x1024xf32, #tpu.memory_space<vmem>> -> memref<1x1x8x1024xf32, #tpu.memory_space<vmem>>
      %dma_wait3A_432 = tpu.memref_squeeze %dma_wait3A_431 : memref<1x1x8x1024xf32, #tpu.memory_space<vmem>> -> memref<8x1024xf32, #tpu.memory_space<vmem>>
      %dma_wait3A_433 = arith.constant 0 : i32
      %dma_wait3A_434 = arith.constant 0 : i32
      %dma_wait3A_435 = tpu.memref_slice %arg3[%dma_wait3A_433, %dma_wait3A_434] : memref<8200x1024xf32, #tpu.memory_space<hbm>> -> memref<8x1024xf32, #tpu.memory_space<hbm>>
      %dma_wait3A_436 = arith.constant 0 : i32
      %dma_wait3A_437 = arith.constant 0 : i32
      %dma_wait3A_438 = tpu.memref_slice %arg6[%dma_wait3A_427, %dma_wait3A_428, %dma_wait3A_436, %dma_wait3A_437] : memref<2x4x8x1024xf32, #tpu.memory_space<vmem>> -> memref<1x1x8x1024xf32, #tpu.memory_space<vmem>>
      %dma_wait3A_439 = tpu.memref_squeeze %dma_wait3A_438 : memref<1x1x8x1024xf32, #tpu.memory_space<vmem>> -> memref<8x1024xf32, #tpu.memory_space<vmem>>
      %dma_wait3A_440 = arith.constant 0 : i32
      %dma_wait3A_441 = arith.constant 0 : i32
      %dma_wait3A_442 = tpu.memref_slice %arg3[%dma_wait3A_440, %dma_wait3A_441] : memref<8200x1024xf32, #tpu.memory_space<hbm>> -> memref<8x1024xf32, #tpu.memory_space<hbm>>
      tpu.wait_dma2 semaphore(%arg8 : memref<!tpu.dma_semaphore, #tpu.memory_space<semaphore_mem>>) src(%dma_wait3A_442 : memref<8x1024xf32, #tpu.memory_space<hbm>>) dst(%dma_wait3A_439 : memref<8x1024xf32, #tpu.memory_space<vmem>>)
      %dma_wait3A_443 = arith.constant 0 : i32
      %dma_wait3A_444 = arith.constant 2 : i32
      %dma_wait3A_445 = arith.constant 0 : i32
      %dma_wait3A_446 = arith.constant 0 : i32
      %dma_wait3A_447 = tpu.memref_slice %arg6[%dma_wait3A_443, %dma_wait3A_444, %dma_wait3A_445, %dma_wait3A_446] : memref<2x4x8x1024xf32, #tpu.memory_space<vmem>> -> memref<1x1x8x1024xf32, #tpu.memory_space<vmem>>
      %dma_wait3A_448 = tpu.memref_squeeze %dma_wait3A_447 : memref<1x1x8x1024xf32, #tpu.memory_space<vmem>> -> memref<8x1024xf32, #tpu.memory_space<vmem>>
      %dma_wait3A_449 = arith.constant 0 : i32
      %dma_wait3A_450 = arith.constant 0 : i32
      %dma_wait3A_451 = tpu.memref_slice %arg3[%dma_wait3A_449, %dma_wait3A_450] : memref<8200x1024xf32, #tpu.memory_space<hbm>> -> memref<8x1024xf32, #tpu.memory_space<hbm>>
      %dma_wait3A_452 = arith.constant 0 : i32
      %dma_wait3A_453 = arith.constant 0 : i32
      %dma_wait3A_454 = tpu.memref_slice %arg6[%dma_wait3A_443, %dma_wait3A_444, %dma_wait3A_452, %dma_wait3A_453] : memref<2x4x8x1024xf32, #tpu.memory_space<vmem>> -> memref<1x1x8x1024xf32, #tpu.memory_space<vmem>>
      %dma_wait3A_455 = tpu.memref_squeeze %dma_wait3A_454 : memref<1x1x8x1024xf32, #tpu.memory_space<vmem>> -> memref<8x1024xf32, #tpu.memory_space<vmem>>
      %dma_wait3A_456 = arith.constant 0 : i32
      %dma_wait3A_457 = arith.constant 0 : i32
      %dma_wait3A_458 = tpu.memref_slice %arg3[%dma_wait3A_456, %dma_wait3A_457] : memref<8200x1024xf32, #tpu.memory_space<hbm>> -> memref<8x1024xf32, #tpu.memory_space<hbm>>
      tpu.wait_dma2 semaphore(%arg8 : memref<!tpu.dma_semaphore, #tpu.memory_space<semaphore_mem>>) src(%dma_wait3A_458 : memref<8x1024xf32, #tpu.memory_space<hbm>>) dst(%dma_wait3A_455 : memref<8x1024xf32, #tpu.memory_space<vmem>>)
      %dma_wait3A_459 = arith.constant 0 : i32
      %dma_wait3A_460 = arith.constant 3 : i32
      %dma_wait3A_461 = arith.constant 0 : i32
      %dma_wait3A_462 = arith.constant 0 : i32
      %dma_wait3A_463 = tpu.memref_slice %arg6[%dma_wait3A_459, %dma_wait3A_460, %dma_wait3A_461, %dma_wait3A_462] : memref<2x4x8x1024xf32, #tpu.memory_space<vmem>> -> memref<1x1x8x1024xf32, #tpu.memory_space<vmem>>
      %dma_wait3A_464 = tpu.memref_squeeze %dma_wait3A_463 : memref<1x1x8x1024xf32, #tpu.memory_space<vmem>> -> memref<8x1024xf32, #tpu.memory_space<vmem>>
      %dma_wait3A_465 = arith.constant 0 : i32
      %dma_wait3A_466 = arith.constant 0 : i32
      %dma_wait3A_467 = tpu.memref_slice %arg3[%dma_wait3A_465, %dma_wait3A_466] : memref<8200x1024xf32, #tpu.memory_space<hbm>> -> memref<8x1024xf32, #tpu.memory_space<hbm>>
      %dma_wait3A_468 = arith.constant 0 : i32
      %dma_wait3A_469 = arith.constant 0 : i32
      %dma_wait3A_470 = tpu.memref_slice %arg6[%dma_wait3A_459, %dma_wait3A_460, %dma_wait3A_468, %dma_wait3A_469] : memref<2x4x8x1024xf32, #tpu.memory_space<vmem>> -> memref<1x1x8x1024xf32, #tpu.memory_space<vmem>>
      %dma_wait3A_471 = tpu.memref_squeeze %dma_wait3A_470 : memref<1x1x8x1024xf32, #tpu.memory_space<vmem>> -> memref<8x1024xf32, #tpu.memory_space<vmem>>
      %dma_wait3A_472 = arith.constant 0 : i32
      %dma_wait3A_473 = arith.constant 0 : i32
      %dma_wait3A_474 = tpu.memref_slice %arg3[%dma_wait3A_472, %dma_wait3A_473] : memref<8200x1024xf32, #tpu.memory_space<hbm>> -> memref<8x1024xf32, #tpu.memory_space<hbm>>
      tpu.wait_dma2 semaphore(%arg8 : memref<!tpu.dma_semaphore, #tpu.memory_space<semaphore_mem>>) src(%dma_wait3A_474 : memref<8x1024xf32, #tpu.memory_space<hbm>>) dst(%dma_wait3A_471 : memref<8x1024xf32, #tpu.memory_space<vmem>>)
      %gt3A = arith.constant 0 : i32
      %gt3A_475 = arith.cmpi sgt, %scan3A_409, %gt3A : i32
      %convert_element_type3A = arith.extui %gt3A_475 : i1 to i32
      %cond3A = arith.constant 0 : i32
      %cond3A_476 = arith.cmpi ne, %convert_element_type3A, %cond3A : i32
      scf.if %cond3A_476 {
        %dma_wait3A_675 = arith.constant 0 : i32
        %dma_wait3A_676 = tpu.memref_slice %arg4[%mul3A_2, %dma_wait3A_675] : memref<8192x1024xf32, #tpu.memory_space<hbm>> -> memref<8x1024xf32, #tpu.memory_space<hbm>>
        %dma_wait3A_677 = arith.constant 0 : i32
        %dma_wait3A_678 = tpu.memref_slice %arg4[%mul3A_2, %dma_wait3A_677] : memref<8192x1024xf32, #tpu.memory_space<hbm>> -> memref<8x1024xf32, #tpu.memory_space<hbm>>
        tpu.wait_dma2 semaphore(%arg10 : memref<!tpu.dma_semaphore, #tpu.memory_space<semaphore_mem>>) src(%arg7 : memref<8x1024xf32, #tpu.memory_space<vmem>>) dst(%dma_wait3A_678 : memref<8x1024xf32, #tpu.memory_space<hbm>>)
      } else {
      }
      %scan3A_477 = arith.constant 0 : i32
      %scan3A_478 = arith.constant 0 : i32
      %scan3A_479 = arith.constant 64 : i32
      %scan3A_480 = arith.addi %scan3A_478, %scan3A_479 : i32
      %scan3A_481 = arith.constant 1 : i32
      %scan3A_482 = scf.for %scan3A_675 = %scan3A_478 to %scan3A_480 step %scan3A_481 iter_args(%scan3A_676 = %scan3A_477) -> (i32)  : i32 {
        %mul3A_677 = arith.constant 16 : i32
        %mul3A_678 = arith.muli %scan3A_675, %mul3A_677 : i32
        %get3A = arith.constant 0 : i32
        %get3A_679 = arith.constant 0 : i32
        %get3A_680 = arith.constant 0 : i32
        %get3A_681 = arith.index_cast %get3A : i32 to index
        %get3A_682 = arith.index_cast %get3A_679 : i32 to index
        %get3A_683 = arith.index_cast %get3A_680 : i32 to index
        %get3A_684 = arith.index_cast %mul3A_678 : i32 to index
        %get3A_685 = tpu.vector_load %arg6[%get3A_681, %get3A_682, %get3A_683, %get3A_684] {strides = array<i32>} : memref<2x4x8x1024xf32, #tpu.memory_space<vmem>>, vector<1x1x1x16xf32>,
        %get3A_686 = vector.shape_cast %get3A_685 : vector<1x1x1x16xf32> to vector<16xf32>
        %get3A_687 = arith.constant 0 : i32
        %get3A_688 = arith.constant 1 : i32
        %get3A_689 = arith.constant 0 : i32
        %get3A_690 = arith.index_cast %get3A_687 : i32 to index
        %get3A_691 = arith.index_cast %get3A_688 : i32 to index
        %get3A_692 = arith.index_cast %get3A_689 : i32 to index
        %get3A_693 = arith.index_cast %mul3A_678 : i32 to index
        %get3A_694 = tpu.vector_load %arg6[%get3A_690, %get3A_691, %get3A_692, %get3A_693] {strides = array<i32>} : memref<2x4x8x1024xf32, #tpu.memory_space<vmem>>, vector<1x1x1x16xf32>,
        %get3A_695 = vector.shape_cast %get3A_694 : vector<1x1x1x16xf32> to vector<16xf32>
        %add3A_696 = arith.addf %get3A_686, %get3A_695 : vector<16xf32>
        %get3A_697 = arith.constant 0 : i32
        %get3A_698 = arith.constant 2 : i32
        %get3A_699 = arith.constant 0 : i32
        %get3A_700 = arith.index_cast %get3A_697 : i32 to index
        %get3A_701 = arith.index_cast %get3A_698 : i32 to index
        %get3A_702 = arith.index_cast %get3A_699 : i32 to index
        %get3A_703 = arith.index_cast %mul3A_678 : i32 to index
        %get3A_704 = tpu.vector_load %arg6[%get3A_700, %get3A_701, %get3A_702, %get3A_703] {strides = array<i32>} : memref<2x4x8x1024xf32, #tpu.memory_space<vmem>>, vector<1x1x1x16xf32>,
        %get3A_705 = vector.shape_cast %get3A_704 : vector<1x1x1x16xf32> to vector<16xf32>
        %add3A_706 = arith.addf %add3A_696, %get3A_705 : vector<16xf32>
        %get3A_707 = arith.constant 0 : i32
        %get3A_708 = arith.constant 3 : i32
        %get3A_709 = arith.constant 0 : i32
        %get3A_710 = arith.index_cast %get3A_707 : i32 to index
        %get3A_711 = arith.index_cast %get3A_708 : i32 to index
        %get3A_712 = arith.index_cast %get3A_709 : i32 to index
        %get3A_713 = arith.index_cast %mul3A_678 : i32 to index
        %get3A_714 = tpu.vector_load %arg6[%get3A_710, %get3A_711, %get3A_712, %get3A_713] {strides = array<i32>} : memref<2x4x8x1024xf32, #tpu.memory_space<vmem>>, vector<1x1x1x16xf32>,
        %get3A_715 = vector.shape_cast %get3A_714 : vector<1x1x1x16xf32> to vector<16xf32>
        %add3A_716 = arith.addf %add3A_706, %get3A_715 : vector<16xf32>
        %swap3A = arith.constant 0 : i32
        %swap3A_717 = arith.index_cast %swap3A : i32 to index
        %swap3A_718 = arith.index_cast %mul3A_678 : i32 to index
        %swap3A_719 = tpu.vector_load %arg7[%swap3A_717, %swap3A_718] {strides = array<i32>} : memref<8x1024xf32, #tpu.memory_space<vmem>>, vector<1x16xf32>,
        %swap3A_720 = vector.shape_cast %swap3A_719 : vector<1x16xf32> to vector<16xf32>
        %swap3A_721 = vector.shape_cast %add3A_716 : vector<16xf32> to vector<1x16xf32>
        tpu.vector_store %arg7[%swap3A_717, %swap3A_718], %swap3A_721 {strides = array<i32>} : memref<8x1024xf32, #tpu.memory_space<vmem>>, vector<1x16xf32>,
        %scan3A_722 = arith.constant 0 : i32
        scf.yield %scan3A_722 : i32
      }
      %scan3A_483 = arith.constant 64 : i32
      %scan3A_484 = arith.constant 0 : i32
      %scan3A_485 = arith.constant 0 : i32
      %scan3A_486 = arith.constant 64 : i32
      %scan3A_487 = arith.addi %scan3A_485, %scan3A_486 : i32
      %scan3A_488 = arith.constant 1 : i32
      %scan3A_489 = scf.for %scan3A_675 = %scan3A_485 to %scan3A_487 step %scan3A_488 iter_args(%scan3A_676 = %scan3A_484) -> (i32)  : i32 {
        %mul3A_677 = arith.constant 16 : i32
        %mul3A_678 = arith.muli %scan3A_675, %mul3A_677 : i32
        %get3A = arith.constant 0 : i32
        %get3A_679 = arith.constant 0 : i32
        %get3A_680 = arith.constant 1 : i32
        %get3A_681 = arith.index_cast %get3A : i32 to index
        %get3A_682 = arith.index_cast %get3A_679 : i32 to index
        %get3A_683 = arith.index_cast %get3A_680 : i32 to index
        %get3A_684 = arith.index_cast %mul3A_678 : i32 to index
        %get3A_685 = tpu.vector_load %arg6[%get3A_681, %get3A_682, %get3A_683, %get3A_684] {strides = array<i32>} : memref<2x4x8x1024xf32, #tpu.memory_space<vmem>>, vector<1x1x1x16xf32>,
        %get3A_686 = vector.shape_cast %get3A_685 : vector<1x1x1x16xf32> to vector<16xf32>
        %get3A_687 = arith.constant 0 : i32
        %get3A_688 = arith.constant 1 : i32
        %get3A_689 = arith.constant 1 : i32
        %get3A_690 = arith.index_cast %get3A_687 : i32 to index
        %get3A_691 = arith.index_cast %get3A_688 : i32 to index
        %get3A_692 = arith.index_cast %get3A_689 : i32 to index
        %get3A_693 = arith.index_cast %mul3A_678 : i32 to index
        %get3A_694 = tpu.vector_load %arg6[%get3A_690, %get3A_691, %get3A_692, %get3A_693] {strides = array<i32>} : memref<2x4x8x1024xf32, #tpu.memory_space<vmem>>, vector<1x1x1x16xf32>,
        %get3A_695 = vector.shape_cast %get3A_694 : vector<1x1x1x16xf32> to vector<16xf32>
        %add3A_696 = arith.addf %get3A_686, %get3A_695 : vector<16xf32>
        %get3A_697 = arith.constant 0 : i32
        %get3A_698 = arith.constant 2 : i32
        %get3A_699 = arith.constant 1 : i32
        %get3A_700 = arith.index_cast %get3A_697 : i32 to index
        %get3A_701 = arith.index_cast %get3A_698 : i32 to index
        %get3A_702 = arith.index_cast %get3A_699 : i32 to index
        %get3A_703 = arith.index_cast %mul3A_678 : i32 to index
        %get3A_704 = tpu.vector_load %arg6[%get3A_700, %get3A_701, %get3A_702, %get3A_703] {strides = array<i32>} : memref<2x4x8x1024xf32, #tpu.memory_space<vmem>>, vector<1x1x1x16xf32>,
        %get3A_705 = vector.shape_cast %get3A_704 : vector<1x1x1x16xf32> to vector<16xf32>
        %add3A_706 = arith.addf %add3A_696, %get3A_705 : vector<16xf32>
        %get3A_707 = arith.constant 0 : i32
        %get3A_708 = arith.constant 3 : i32
        %get3A_709 = arith.constant 1 : i32
        %get3A_710 = arith.index_cast %get3A_707 : i32 to index
        %get3A_711 = arith.index_cast %get3A_708 : i32 to index
        %get3A_712 = arith.index_cast %get3A_709 : i32 to index
        %get3A_713 = arith.index_cast %mul3A_678 : i32 to index
        %get3A_714 = tpu.vector_load %arg6[%get3A_710, %get3A_711, %get3A_712, %get3A_713] {strides = array<i32>} : memref<2x4x8x1024xf32, #tpu.memory_space<vmem>>, vector<1x1x1x16xf32>,
        %get3A_715 = vector.shape_cast %get3A_714 : vector<1x1x1x16xf32> to vector<16xf32>
        %add3A_716 = arith.addf %add3A_706, %get3A_715 : vector<16xf32>
        %swap3A = arith.constant 1 : i32
        %swap3A_717 = arith.index_cast %swap3A : i32 to index
        %swap3A_718 = arith.index_cast %mul3A_678 : i32 to index
        %swap3A_719 = tpu.vector_load %arg7[%swap3A_717, %swap3A_718] {strides = array<i32>} : memref<8x1024xf32, #tpu.memory_space<vmem>>, vector<1x16xf32>,
        %swap3A_720 = vector.shape_cast %swap3A_719 : vector<1x16xf32> to vector<16xf32>
        %swap3A_721 = vector.shape_cast %add3A_716 : vector<16xf32> to vector<1x16xf32>
        tpu.vector_store %arg7[%swap3A_717, %swap3A_718], %swap3A_721 {strides = array<i32>} : memref<8x1024xf32, #tpu.memory_space<vmem>>, vector<1x16xf32>,
        %scan3A_722 = arith.constant 0 : i32
        scf.yield %scan3A_722 : i32
      }
      %scan3A_490 = arith.constant 64 : i32
      %scan3A_491 = arith.constant 0 : i32
      %scan3A_492 = arith.constant 0 : i32
      %scan3A_493 = arith.constant 64 : i32
      %scan3A_494 = arith.addi %scan3A_492, %scan3A_493 : i32
      %scan3A_495 = arith.constant 1 : i32
      %scan3A_496 = scf.for %scan3A_675 = %scan3A_492 to %scan3A_494 step %scan3A_495 iter_args(%scan3A_676 = %scan3A_491) -> (i32)  : i32 {
        %mul3A_677 = arith.constant 16 : i32
        %mul3A_678 = arith.muli %scan3A_675, %mul3A_677 : i32
        %get3A = arith.constant 0 : i32
        %get3A_679 = arith.constant 0 : i32
        %get3A_680 = arith.constant 2 : i32
        %get3A_681 = arith.index_cast %get3A : i32 to index
        %get3A_682 = arith.index_cast %get3A_679 : i32 to index
        %get3A_683 = arith.index_cast %get3A_680 : i32 to index
        %get3A_684 = arith.index_cast %mul3A_678 : i32 to index
        %get3A_685 = tpu.vector_load %arg6[%get3A_681, %get3A_682, %get3A_683, %get3A_684] {strides = array<i32>} : memref<2x4x8x1024xf32, #tpu.memory_space<vmem>>, vector<1x1x1x16xf32>,
        %get3A_686 = vector.shape_cast %get3A_685 : vector<1x1x1x16xf32> to vector<16xf32>
        %get3A_687 = arith.constant 0 : i32
        %get3A_688 = arith.constant 1 : i32
        %get3A_689 = arith.constant 2 : i32
        %get3A_690 = arith.index_cast %get3A_687 : i32 to index
        %get3A_691 = arith.index_cast %get3A_688 : i32 to index
        %get3A_692 = arith.index_cast %get3A_689 : i32 to index
        %get3A_693 = arith.index_cast %mul3A_678 : i32 to index
        %get3A_694 = tpu.vector_load %arg6[%get3A_690, %get3A_691, %get3A_692, %get3A_693] {strides = array<i32>} : memref<2x4x8x1024xf32, #tpu.memory_space<vmem>>, vector<1x1x1x16xf32>,
        %get3A_695 = vector.shape_cast %get3A_694 : vector<1x1x1x16xf32> to vector<16xf32>
        %add3A_696 = arith.addf %get3A_686, %get3A_695 : vector<16xf32>
        %get3A_697 = arith.constant 0 : i32
        %get3A_698 = arith.constant 2 : i32
        %get3A_699 = arith.constant 2 : i32
        %get3A_700 = arith.index_cast %get3A_697 : i32 to index
        %get3A_701 = arith.index_cast %get3A_698 : i32 to index
        %get3A_702 = arith.index_cast %get3A_699 : i32 to index
        %get3A_703 = arith.index_cast %mul3A_678 : i32 to index
        %get3A_704 = tpu.vector_load %arg6[%get3A_700, %get3A_701, %get3A_702, %get3A_703] {strides = array<i32>} : memref<2x4x8x1024xf32, #tpu.memory_space<vmem>>, vector<1x1x1x16xf32>,
        %get3A_705 = vector.shape_cast %get3A_704 : vector<1x1x1x16xf32> to vector<16xf32>
        %add3A_706 = arith.addf %add3A_696, %get3A_705 : vector<16xf32>
        %get3A_707 = arith.constant 0 : i32
        %get3A_708 = arith.constant 3 : i32
        %get3A_709 = arith.constant 2 : i32
        %get3A_710 = arith.index_cast %get3A_707 : i32 to index
        %get3A_711 = arith.index_cast %get3A_708 : i32 to index
        %get3A_712 = arith.index_cast %get3A_709 : i32 to index
        %get3A_713 = arith.index_cast %mul3A_678 : i32 to index
        %get3A_714 = tpu.vector_load %arg6[%get3A_710, %get3A_711, %get3A_712, %get3A_713] {strides = array<i32>} : memref<2x4x8x1024xf32, #tpu.memory_space<vmem>>, vector<1x1x1x16xf32>,
        %get3A_715 = vector.shape_cast %get3A_714 : vector<1x1x1x16xf32> to vector<16xf32>
        %add3A_716 = arith.addf %add3A_706, %get3A_715 : vector<16xf32>
        %swap3A = arith.constant 2 : i32
        %swap3A_717 = arith.index_cast %swap3A : i32 to index
        %swap3A_718 = arith.index_cast %mul3A_678 : i32 to index
        %swap3A_719 = tpu.vector_load %arg7[%swap3A_717, %swap3A_718] {strides = array<i32>} : memref<8x1024xf32, #tpu.memory_space<vmem>>, vector<1x16xf32>,
        %swap3A_720 = vector.shape_cast %swap3A_719 : vector<1x16xf32> to vector<16xf32>
        %swap3A_721 = vector.shape_cast %add3A_716 : vector<16xf32> to vector<1x16xf32>
        tpu.vector_store %arg7[%swap3A_717, %swap3A_718], %swap3A_721 {strides = array<i32>} : memref<8x1024xf32, #tpu.memory_space<vmem>>, vector<1x16xf32>,
        %scan3A_722 = arith.constant 0 : i32
        scf.yield %scan3A_722 : i32
      }
      %scan3A_497 = arith.constant 64 : i32
      %scan3A_498 = arith.constant 0 : i32
      %scan3A_499 = arith.constant 0 : i32
      %scan3A_500 = arith.constant 64 : i32
      %scan3A_501 = arith.addi %scan3A_499, %scan3A_500 : i32
      %scan3A_502 = arith.constant 1 : i32
      %scan3A_503 = scf.for %scan3A_675 = %scan3A_499 to %scan3A_501 step %scan3A_502 iter_args(%scan3A_676 = %scan3A_498) -> (i32)  : i32 {
        %mul3A_677 = arith.constant 16 : i32
        %mul3A_678 = arith.muli %scan3A_675, %mul3A_677 : i32
        %get3A = arith.constant 0 : i32
        %get3A_679 = arith.constant 0 : i32
        %get3A_680 = arith.constant 3 : i32
        %get3A_681 = arith.index_cast %get3A : i32 to index
        %get3A_682 = arith.index_cast %get3A_679 : i32 to index
        %get3A_683 = arith.index_cast %get3A_680 : i32 to index
        %get3A_684 = arith.index_cast %mul3A_678 : i32 to index
        %get3A_685 = tpu.vector_load %arg6[%get3A_681, %get3A_682, %get3A_683, %get3A_684] {strides = array<i32>} : memref<2x4x8x1024xf32, #tpu.memory_space<vmem>>, vector<1x1x1x16xf32>,
        %get3A_686 = vector.shape_cast %get3A_685 : vector<1x1x1x16xf32> to vector<16xf32>
        %get3A_687 = arith.constant 0 : i32
        %get3A_688 = arith.constant 1 : i32
        %get3A_689 = arith.constant 3 : i32
        %get3A_690 = arith.index_cast %get3A_687 : i32 to index
        %get3A_691 = arith.index_cast %get3A_688 : i32 to index
        %get3A_692 = arith.index_cast %get3A_689 : i32 to index
        %get3A_693 = arith.index_cast %mul3A_678 : i32 to index
        %get3A_694 = tpu.vector_load %arg6[%get3A_690, %get3A_691, %get3A_692, %get3A_693] {strides = array<i32>} : memref<2x4x8x1024xf32, #tpu.memory_space<vmem>>, vector<1x1x1x16xf32>,
        %get3A_695 = vector.shape_cast %get3A_694 : vector<1x1x1x16xf32> to vector<16xf32>
        %add3A_696 = arith.addf %get3A_686, %get3A_695 : vector<16xf32>
        %get3A_697 = arith.constant 0 : i32
        %get3A_698 = arith.constant 2 : i32
        %get3A_699 = arith.constant 3 : i32
        %get3A_700 = arith.index_cast %get3A_697 : i32 to index
        %get3A_701 = arith.index_cast %get3A_698 : i32 to index
        %get3A_702 = arith.index_cast %get3A_699 : i32 to index
        %get3A_703 = arith.index_cast %mul3A_678 : i32 to index
        %get3A_704 = tpu.vector_load %arg6[%get3A_700, %get3A_701, %get3A_702, %get3A_703] {strides = array<i32>} : memref<2x4x8x1024xf32, #tpu.memory_space<vmem>>, vector<1x1x1x16xf32>,
        %get3A_705 = vector.shape_cast %get3A_704 : vector<1x1x1x16xf32> to vector<16xf32>
        %add3A_706 = arith.addf %add3A_696, %get3A_705 : vector<16xf32>
        %get3A_707 = arith.constant 0 : i32
        %get3A_708 = arith.constant 3 : i32
        %get3A_709 = arith.constant 3 : i32
        %get3A_710 = arith.index_cast %get3A_707 : i32 to index
        %get3A_711 = arith.index_cast %get3A_708 : i32 to index
        %get3A_712 = arith.index_cast %get3A_709 : i32 to index
        %get3A_713 = arith.index_cast %mul3A_678 : i32 to index
        %get3A_714 = tpu.vector_load %arg6[%get3A_710, %get3A_711, %get3A_712, %get3A_713] {strides = array<i32>} : memref<2x4x8x1024xf32, #tpu.memory_space<vmem>>, vector<1x1x1x16xf32>,
        %get3A_715 = vector.shape_cast %get3A_714 : vector<1x1x1x16xf32> to vector<16xf32>
        %add3A_716 = arith.addf %add3A_706, %get3A_715 : vector<16xf32>
        %swap3A = arith.constant 3 : i32
        %swap3A_717 = arith.index_cast %swap3A : i32 to index
        %swap3A_718 = arith.index_cast %mul3A_678 : i32 to index
        %swap3A_719 = tpu.vector_load %arg7[%swap3A_717, %swap3A_718] {strides = array<i32>} : memref<8x1024xf32, #tpu.memory_space<vmem>>, vector<1x16xf32>,
        %swap3A_720 = vector.shape_cast %swap3A_719 : vector<1x16xf32> to vector<16xf32>
        %swap3A_721 = vector.shape_cast %add3A_716 : vector<16xf32> to vector<1x16xf32>
        tpu.vector_store %arg7[%swap3A_717, %swap3A_718], %swap3A_721 {strides = array<i32>} : memref<8x1024xf32, #tpu.memory_space<vmem>>, vector<1x16xf32>,
        %scan3A_722 = arith.constant 0 : i32
        scf.yield %scan3A_722 : i32
      }
      %scan3A_504 = arith.constant 64 : i32
      %scan3A_505 = arith.constant 0 : i32
      %scan3A_506 = arith.constant 0 : i32
      %scan3A_507 = arith.constant 64 : i32
      %scan3A_508 = arith.addi %scan3A_506, %scan3A_507 : i32
      %scan3A_509 = arith.constant 1 : i32
      %scan3A_510 = scf.for %scan3A_675 = %scan3A_506 to %scan3A_508 step %scan3A_509 iter_args(%scan3A_676 = %scan3A_505) -> (i32)  : i32 {
        %mul3A_677 = arith.constant 16 : i32
        %mul3A_678 = arith.muli %scan3A_675, %mul3A_677 : i32
        %get3A = arith.constant 0 : i32
        %get3A_679 = arith.constant 0 : i32
        %get3A_680 = arith.constant 4 : i32
        %get3A_681 = arith.index_cast %get3A : i32 to index
        %get3A_682 = arith.index_cast %get3A_679 : i32 to index
        %get3A_683 = arith.index_cast %get3A_680 : i32 to index
        %get3A_684 = arith.index_cast %mul3A_678 : i32 to index
        %get3A_685 = tpu.vector_load %arg6[%get3A_681, %get3A_682, %get3A_683, %get3A_684] {strides = array<i32>} : memref<2x4x8x1024xf32, #tpu.memory_space<vmem>>, vector<1x1x1x16xf32>,
        %get3A_686 = vector.shape_cast %get3A_685 : vector<1x1x1x16xf32> to vector<16xf32>
        %get3A_687 = arith.constant 0 : i32
        %get3A_688 = arith.constant 1 : i32
        %get3A_689 = arith.constant 4 : i32
        %get3A_690 = arith.index_cast %get3A_687 : i32 to index
        %get3A_691 = arith.index_cast %get3A_688 : i32 to index
        %get3A_692 = arith.index_cast %get3A_689 : i32 to index
        %get3A_693 = arith.index_cast %mul3A_678 : i32 to index
        %get3A_694 = tpu.vector_load %arg6[%get3A_690, %get3A_691, %get3A_692, %get3A_693] {strides = array<i32>} : memref<2x4x8x1024xf32, #tpu.memory_space<vmem>>, vector<1x1x1x16xf32>,
        %get3A_695 = vector.shape_cast %get3A_694 : vector<1x1x1x16xf32> to vector<16xf32>
        %add3A_696 = arith.addf %get3A_686, %get3A_695 : vector<16xf32>
        %get3A_697 = arith.constant 0 : i32
        %get3A_698 = arith.constant 2 : i32
        %get3A_699 = arith.constant 4 : i32
        %get3A_700 = arith.index_cast %get3A_697 : i32 to index
        %get3A_701 = arith.index_cast %get3A_698 : i32 to index
        %get3A_702 = arith.index_cast %get3A_699 : i32 to index
        %get3A_703 = arith.index_cast %mul3A_678 : i32 to index
        %get3A_704 = tpu.vector_load %arg6[%get3A_700, %get3A_701, %get3A_702, %get3A_703] {strides = array<i32>} : memref<2x4x8x1024xf32, #tpu.memory_space<vmem>>, vector<1x1x1x16xf32>,
        %get3A_705 = vector.shape_cast %get3A_704 : vector<1x1x1x16xf32> to vector<16xf32>
        %add3A_706 = arith.addf %add3A_696, %get3A_705 : vector<16xf32>
        %get3A_707 = arith.constant 0 : i32
        %get3A_708 = arith.constant 3 : i32
        %get3A_709 = arith.constant 4 : i32
        %get3A_710 = arith.index_cast %get3A_707 : i32 to index
        %get3A_711 = arith.index_cast %get3A_708 : i32 to index
        %get3A_712 = arith.index_cast %get3A_709 : i32 to index
        %get3A_713 = arith.index_cast %mul3A_678 : i32 to index
        %get3A_714 = tpu.vector_load %arg6[%get3A_710, %get3A_711, %get3A_712, %get3A_713] {strides = array<i32>} : memref<2x4x8x1024xf32, #tpu.memory_space<vmem>>, vector<1x1x1x16xf32>,
        %get3A_715 = vector.shape_cast %get3A_714 : vector<1x1x1x16xf32> to vector<16xf32>
        %add3A_716 = arith.addf %add3A_706, %get3A_715 : vector<16xf32>
        %swap3A = arith.constant 4 : i32
        %swap3A_717 = arith.index_cast %swap3A : i32 to index
        %swap3A_718 = arith.index_cast %mul3A_678 : i32 to index
        %swap3A_719 = tpu.vector_load %arg7[%swap3A_717, %swap3A_718] {strides = array<i32>} : memref<8x1024xf32, #tpu.memory_space<vmem>>, vector<1x16xf32>,
        %swap3A_720 = vector.shape_cast %swap3A_719 : vector<1x16xf32> to vector<16xf32>
        %swap3A_721 = vector.shape_cast %add3A_716 : vector<16xf32> to vector<1x16xf32>
        tpu.vector_store %arg7[%swap3A_717, %swap3A_718], %swap3A_721 {strides = array<i32>} : memref<8x1024xf32, #tpu.memory_space<vmem>>, vector<1x16xf32>,
        %scan3A_722 = arith.constant 0 : i32
        scf.yield %scan3A_722 : i32
      }
      %scan3A_511 = arith.constant 64 : i32
      %scan3A_512 = arith.constant 0 : i32
      %scan3A_513 = arith.constant 0 : i32
      %scan3A_514 = arith.constant 64 : i32
      %scan3A_515 = arith.addi %scan3A_513, %scan3A_514 : i32
      %scan3A_516 = arith.constant 1 : i32
      %scan3A_517 = scf.for %scan3A_675 = %scan3A_513 to %scan3A_515 step %scan3A_516 iter_args(%scan3A_676 = %scan3A_512) -> (i32)  : i32 {
        %mul3A_677 = arith.constant 16 : i32
        %mul3A_678 = arith.muli %scan3A_675, %mul3A_677 : i32
        %get3A = arith.constant 0 : i32
        %get3A_679 = arith.constant 0 : i32
        %get3A_680 = arith.constant 5 : i32
        %get3A_681 = arith.index_cast %get3A : i32 to index
        %get3A_682 = arith.index_cast %get3A_679 : i32 to index
        %get3A_683 = arith.index_cast %get3A_680 : i32 to index
        %get3A_684 = arith.index_cast %mul3A_678 : i32 to index
        %get3A_685 = tpu.vector_load %arg6[%get3A_681, %get3A_682, %get3A_683, %get3A_684] {strides = array<i32>} : memref<2x4x8x1024xf32, #tpu.memory_space<vmem>>, vector<1x1x1x16xf32>,
        %get3A_686 = vector.shape_cast %get3A_685 : vector<1x1x1x16xf32> to vector<16xf32>
        %get3A_687 = arith.constant 0 : i32
        %get3A_688 = arith.constant 1 : i32
        %get3A_689 = arith.constant 5 : i32
        %get3A_690 = arith.index_cast %get3A_687 : i32 to index
        %get3A_691 = arith.index_cast %get3A_688 : i32 to index
        %get3A_692 = arith.index_cast %get3A_689 : i32 to index
        %get3A_693 = arith.index_cast %mul3A_678 : i32 to index
        %get3A_694 = tpu.vector_load %arg6[%get3A_690, %get3A_691, %get3A_692, %get3A_693] {strides = array<i32>} : memref<2x4x8x1024xf32, #tpu.memory_space<vmem>>, vector<1x1x1x16xf32>,
        %get3A_695 = vector.shape_cast %get3A_694 : vector<1x1x1x16xf32> to vector<16xf32>
        %add3A_696 = arith.addf %get3A_686, %get3A_695 : vector<16xf32>
        %get3A_697 = arith.constant 0 : i32
        %get3A_698 = arith.constant 2 : i32
        %get3A_699 = arith.constant 5 : i32
        %get3A_700 = arith.index_cast %get3A_697 : i32 to index
        %get3A_701 = arith.index_cast %get3A_698 : i32 to index
        %get3A_702 = arith.index_cast %get3A_699 : i32 to index
        %get3A_703 = arith.index_cast %mul3A_678 : i32 to index
        %get3A_704 = tpu.vector_load %arg6[%get3A_700, %get3A_701, %get3A_702, %get3A_703] {strides = array<i32>} : memref<2x4x8x1024xf32, #tpu.memory_space<vmem>>, vector<1x1x1x16xf32>,
        %get3A_705 = vector.shape_cast %get3A_704 : vector<1x1x1x16xf32> to vector<16xf32>
        %add3A_706 = arith.addf %add3A_696, %get3A_705 : vector<16xf32>
        %get3A_707 = arith.constant 0 : i32
        %get3A_708 = arith.constant 3 : i32
        %get3A_709 = arith.constant 5 : i32
        %get3A_710 = arith.index_cast %get3A_707 : i32 to index
        %get3A_711 = arith.index_cast %get3A_708 : i32 to index
        %get3A_712 = arith.index_cast %get3A_709 : i32 to index
        %get3A_713 = arith.index_cast %mul3A_678 : i32 to index
        %get3A_714 = tpu.vector_load %arg6[%get3A_710, %get3A_711, %get3A_712, %get3A_713] {strides = array<i32>} : memref<2x4x8x1024xf32, #tpu.memory_space<vmem>>, vector<1x1x1x16xf32>,
        %get3A_715 = vector.shape_cast %get3A_714 : vector<1x1x1x16xf32> to vector<16xf32>
        %add3A_716 = arith.addf %add3A_706, %get3A_715 : vector<16xf32>
        %swap3A = arith.constant 5 : i32
        %swap3A_717 = arith.index_cast %swap3A : i32 to index
        %swap3A_718 = arith.index_cast %mul3A_678 : i32 to index
        %swap3A_719 = tpu.vector_load %arg7[%swap3A_717, %swap3A_718] {strides = array<i32>} : memref<8x1024xf32, #tpu.memory_space<vmem>>, vector<1x16xf32>,
        %swap3A_720 = vector.shape_cast %swap3A_719 : vector<1x16xf32> to vector<16xf32>
        %swap3A_721 = vector.shape_cast %add3A_716 : vector<16xf32> to vector<1x16xf32>
        tpu.vector_store %arg7[%swap3A_717, %swap3A_718], %swap3A_721 {strides = array<i32>} : memref<8x1024xf32, #tpu.memory_space<vmem>>, vector<1x16xf32>,
        %scan3A_722 = arith.constant 0 : i32
        scf.yield %scan3A_722 : i32
      }
      %scan3A_518 = arith.constant 64 : i32
      %scan3A_519 = arith.constant 0 : i32
      %scan3A_520 = arith.constant 0 : i32
      %scan3A_521 = arith.constant 64 : i32
      %scan3A_522 = arith.addi %scan3A_520, %scan3A_521 : i32
      %scan3A_523 = arith.constant 1 : i32
      %scan3A_524 = scf.for %scan3A_675 = %scan3A_520 to %scan3A_522 step %scan3A_523 iter_args(%scan3A_676 = %scan3A_519) -> (i32)  : i32 {
        %mul3A_677 = arith.constant 16 : i32
        %mul3A_678 = arith.muli %scan3A_675, %mul3A_677 : i32
        %get3A = arith.constant 0 : i32
        %get3A_679 = arith.constant 0 : i32
        %get3A_680 = arith.constant 6 : i32
        %get3A_681 = arith.index_cast %get3A : i32 to index
        %get3A_682 = arith.index_cast %get3A_679 : i32 to index
        %get3A_683 = arith.index_cast %get3A_680 : i32 to index
        %get3A_684 = arith.index_cast %mul3A_678 : i32 to index
        %get3A_685 = tpu.vector_load %arg6[%get3A_681, %get3A_682, %get3A_683, %get3A_684] {strides = array<i32>} : memref<2x4x8x1024xf32, #tpu.memory_space<vmem>>, vector<1x1x1x16xf32>,
        %get3A_686 = vector.shape_cast %get3A_685 : vector<1x1x1x16xf32> to vector<16xf32>
        %get3A_687 = arith.constant 0 : i32
        %get3A_688 = arith.constant 1 : i32
        %get3A_689 = arith.constant 6 : i32
        %get3A_690 = arith.index_cast %get3A_687 : i32 to index
        %get3A_691 = arith.index_cast %get3A_688 : i32 to index
        %get3A_692 = arith.index_cast %get3A_689 : i32 to index
        %get3A_693 = arith.index_cast %mul3A_678 : i32 to index
        %get3A_694 = tpu.vector_load %arg6[%get3A_690, %get3A_691, %get3A_692, %get3A_693] {strides = array<i32>} : memref<2x4x8x1024xf32, #tpu.memory_space<vmem>>, vector<1x1x1x16xf32>,
        %get3A_695 = vector.shape_cast %get3A_694 : vector<1x1x1x16xf32> to vector<16xf32>
        %add3A_696 = arith.addf %get3A_686, %get3A_695 : vector<16xf32>
        %get3A_697 = arith.constant 0 : i32
        %get3A_698 = arith.constant 2 : i32
        %get3A_699 = arith.constant 6 : i32
        %get3A_700 = arith.index_cast %get3A_697 : i32 to index
        %get3A_701 = arith.index_cast %get3A_698 : i32 to index
        %get3A_702 = arith.index_cast %get3A_699 : i32 to index
        %get3A_703 = arith.index_cast %mul3A_678 : i32 to index
        %get3A_704 = tpu.vector_load %arg6[%get3A_700, %get3A_701, %get3A_702, %get3A_703] {strides = array<i32>} : memref<2x4x8x1024xf32, #tpu.memory_space<vmem>>, vector<1x1x1x16xf32>,
        %get3A_705 = vector.shape_cast %get3A_704 : vector<1x1x1x16xf32> to vector<16xf32>
        %add3A_706 = arith.addf %add3A_696, %get3A_705 : vector<16xf32>
        %get3A_707 = arith.constant 0 : i32
        %get3A_708 = arith.constant 3 : i32
        %get3A_709 = arith.constant 6 : i32
        %get3A_710 = arith.index_cast %get3A_707 : i32 to index
        %get3A_711 = arith.index_cast %get3A_708 : i32 to index
        %get3A_712 = arith.index_cast %get3A_709 : i32 to index
        %get3A_713 = arith.index_cast %mul3A_678 : i32 to index
        %get3A_714 = tpu.vector_load %arg6[%get3A_710, %get3A_711, %get3A_712, %get3A_713] {strides = array<i32>} : memref<2x4x8x1024xf32, #tpu.memory_space<vmem>>, vector<1x1x1x16xf32>,
        %get3A_715 = vector.shape_cast %get3A_714 : vector<1x1x1x16xf32> to vector<16xf32>
        %add3A_716 = arith.addf %add3A_706, %get3A_715 : vector<16xf32>
        %swap3A = arith.constant 6 : i32
        %swap3A_717 = arith.index_cast %swap3A : i32 to index
        %swap3A_718 = arith.index_cast %mul3A_678 : i32 to index
        %swap3A_719 = tpu.vector_load %arg7[%swap3A_717, %swap3A_718] {strides = array<i32>} : memref<8x1024xf32, #tpu.memory_space<vmem>>, vector<1x16xf32>,
        %swap3A_720 = vector.shape_cast %swap3A_719 : vector<1x16xf32> to vector<16xf32>
        %swap3A_721 = vector.shape_cast %add3A_716 : vector<16xf32> to vector<1x16xf32>
        tpu.vector_store %arg7[%swap3A_717, %swap3A_718], %swap3A_721 {strides = array<i32>} : memref<8x1024xf32, #tpu.memory_space<vmem>>, vector<1x16xf32>,
        %scan3A_722 = arith.constant 0 : i32
        scf.yield %scan3A_722 : i32
      }
      %scan3A_525 = arith.constant 64 : i32
      %scan3A_526 = arith.constant 0 : i32
      %scan3A_527 = arith.constant 0 : i32
      %scan3A_528 = arith.constant 64 : i32
      %scan3A_529 = arith.addi %scan3A_527, %scan3A_528 : i32
      %scan3A_530 = arith.constant 1 : i32
      %scan3A_531 = scf.for %scan3A_675 = %scan3A_527 to %scan3A_529 step %scan3A_530 iter_args(%scan3A_676 = %scan3A_526) -> (i32)  : i32 {
        %mul3A_677 = arith.constant 16 : i32
        %mul3A_678 = arith.muli %scan3A_675, %mul3A_677 : i32
        %get3A = arith.constant 0 : i32
        %get3A_679 = arith.constant 0 : i32
        %get3A_680 = arith.constant 7 : i32
        %get3A_681 = arith.index_cast %get3A : i32 to index
        %get3A_682 = arith.index_cast %get3A_679 : i32 to index
        %get3A_683 = arith.index_cast %get3A_680 : i32 to index
        %get3A_684 = arith.index_cast %mul3A_678 : i32 to index
        %get3A_685 = tpu.vector_load %arg6[%get3A_681, %get3A_682, %get3A_683, %get3A_684] {strides = array<i32>} : memref<2x4x8x1024xf32, #tpu.memory_space<vmem>>, vector<1x1x1x16xf32>,
        %get3A_686 = vector.shape_cast %get3A_685 : vector<1x1x1x16xf32> to vector<16xf32>
        %get3A_687 = arith.constant 0 : i32
        %get3A_688 = arith.constant 1 : i32
        %get3A_689 = arith.constant 7 : i32
        %get3A_690 = arith.index_cast %get3A_687 : i32 to index
        %get3A_691 = arith.index_cast %get3A_688 : i32 to index
        %get3A_692 = arith.index_cast %get3A_689 : i32 to index
        %get3A_693 = arith.index_cast %mul3A_678 : i32 to index
        %get3A_694 = tpu.vector_load %arg6[%get3A_690, %get3A_691, %get3A_692, %get3A_693] {strides = array<i32>} : memref<2x4x8x1024xf32, #tpu.memory_space<vmem>>, vector<1x1x1x16xf32>,
        %get3A_695 = vector.shape_cast %get3A_694 : vector<1x1x1x16xf32> to vector<16xf32>
        %add3A_696 = arith.addf %get3A_686, %get3A_695 : vector<16xf32>
        %get3A_697 = arith.constant 0 : i32
        %get3A_698 = arith.constant 2 : i32
        %get3A_699 = arith.constant 7 : i32
        %get3A_700 = arith.index_cast %get3A_697 : i32 to index
        %get3A_701 = arith.index_cast %get3A_698 : i32 to index
        %get3A_702 = arith.index_cast %get3A_699 : i32 to index
        %get3A_703 = arith.index_cast %mul3A_678 : i32 to index
        %get3A_704 = tpu.vector_load %arg6[%get3A_700, %get3A_701, %get3A_702, %get3A_703] {strides = array<i32>} : memref<2x4x8x1024xf32, #tpu.memory_space<vmem>>, vector<1x1x1x16xf32>,
        %get3A_705 = vector.shape_cast %get3A_704 : vector<1x1x1x16xf32> to vector<16xf32>
        %add3A_706 = arith.addf %add3A_696, %get3A_705 : vector<16xf32>
        %get3A_707 = arith.constant 0 : i32
        %get3A_708 = arith.constant 3 : i32
        %get3A_709 = arith.constant 7 : i32
        %get3A_710 = arith.index_cast %get3A_707 : i32 to index
        %get3A_711 = arith.index_cast %get3A_708 : i32 to index
        %get3A_712 = arith.index_cast %get3A_709 : i32 to index
        %get3A_713 = arith.index_cast %mul3A_678 : i32 to index
        %get3A_714 = tpu.vector_load %arg6[%get3A_710, %get3A_711, %get3A_712, %get3A_713] {strides = array<i32>} : memref<2x4x8x1024xf32, #tpu.memory_space<vmem>>, vector<1x1x1x16xf32>,
        %get3A_715 = vector.shape_cast %get3A_714 : vector<1x1x1x16xf32> to vector<16xf32>
        %add3A_716 = arith.addf %add3A_706, %get3A_715 : vector<16xf32>
        %swap3A = arith.constant 7 : i32
        %swap3A_717 = arith.index_cast %swap3A : i32 to index
        %swap3A_718 = arith.index_cast %mul3A_678 : i32 to index
        %swap3A_719 = tpu.vector_load %arg7[%swap3A_717, %swap3A_718] {strides = array<i32>} : memref<8x1024xf32, #tpu.memory_space<vmem>>, vector<1x16xf32>,
        %swap3A_720 = vector.shape_cast %swap3A_719 : vector<1x16xf32> to vector<16xf32>
        %swap3A_721 = vector.shape_cast %add3A_716 : vector<16xf32> to vector<1x16xf32>
        tpu.vector_store %arg7[%swap3A_717, %swap3A_718], %swap3A_721 {strides = array<i32>} : memref<8x1024xf32, #tpu.memory_space<vmem>>, vector<1x16xf32>,
        %scan3A_722 = arith.constant 0 : i32
        scf.yield %scan3A_722 : i32
      }
      %scan3A_532 = arith.constant 64 : i32
      %add3A_533 = arith.constant 1 : i32
      %add3A_534 = arith.addi %scan3A_409, %add3A_533 : i32
      %lt3A_535 = arith.constant 32 : i32
      %lt3A_536 = arith.cmpi slt, %add3A_534, %lt3A_535 : i32
      %convert_element_type3A_537 = arith.extui %lt3A_536 : i1 to i32
      %cond3A_538 = arith.constant 0 : i32
      %cond3A_539 = arith.cmpi ne, %convert_element_type3A_537, %cond3A_538 : i32
      scf.if %cond3A_539 {
        %add3A_675 = arith.constant 1 : i32
        %add3A_676 = arith.addi %scan3A_409, %add3A_675 : i32
        %mul3A_677 = arith.constant 8 : i32
        %mul3A_678 = arith.muli %add3A_676, %mul3A_677 : i32
        %dma_start3A_679 = arith.constant 0 : i32
        %dma_start3A_680 = arith.constant 0 : i32
        %dma_start3A_681 = arith.constant 0 : i32
        %dma_start3A_682 = arith.constant 0 : i32
        %dma_start3A_683 = arith.constant 0 : i32
        %dma_start3A_684 = tpu.memref_slice %arg6[%dma_start3A_680, %dma_start3A_681, %dma_start3A_682, %dma_start3A_683] : memref<2x4x8x1024xf32, #tpu.memory_space<vmem>> -> memref<1x1x8x1024xf32, #tpu.memory_space<vmem>>
        %dma_start3A_685 = tpu.memref_squeeze %dma_start3A_684 : memref<1x1x8x1024xf32, #tpu.memory_space<vmem>> -> memref<8x1024xf32, #tpu.memory_space<vmem>>
        %dma_start3A_686 = tpu.memref_slice %arg5[%dma_start3A_679, %mul3A_678] : memref<8x256xi32, #tpu.memory_space<vmem>> -> memref<1x8xi32, #tpu.memory_space<vmem>>
        %dma_start3A_687 = tpu.memref_squeeze %dma_start3A_686 : memref<1x8xi32, #tpu.memory_space<vmem>> -> memref<8xi32, #tpu.memory_space<vmem>>
        %dma_start3A_688 = arith.constant 0 : i32
        %dma_start3A_689 = arith.constant 0 : i32
        %dma_start3A_690 = tpu.memref_slice %arg3[%dma_start3A_688, %dma_start3A_689] : memref<8200x1024xf32, #tpu.memory_space<hbm>> -> memref<8200x1024xf32, #tpu.memory_space<hbm>>
        tpu.enqueue_indirect_dma source(%dma_start3A_690 : memref<8200x1024xf32, #tpu.memory_space<hbm>>) target(%dma_start3A_685 : memref<8x1024xf32, #tpu.memory_space<vmem>>) offsets(%dma_start3A_687 : memref<8xi32, #tpu.memory_space<vmem>>) semaphore(%arg8 : memref<!tpu.dma_semaphore, #tpu.memory_space<semaphore_mem>>)
        %mul3A_691 = arith.constant 8 : i32
        %mul3A_692 = arith.muli %add3A_676, %mul3A_691 : i32
        %dma_start3A_693 = arith.constant 1 : i32
        %dma_start3A_694 = arith.constant 0 : i32
        %dma_start3A_695 = arith.constant 1 : i32
        %dma_start3A_696 = arith.constant 0 : i32
        %dma_start3A_697 = arith.constant 0 : i32
        %dma_start3A_698 = tpu.memref_slice %arg6[%dma_start3A_694, %dma_start3A_695, %dma_start3A_696, %dma_start3A_697] : memref<2x4x8x1024xf32, #tpu.memory_space<vmem>> -> memref<1x1x8x1024xf32, #tpu.memory_space<vmem>>
        %dma_start3A_699 = tpu.memref_squeeze %dma_start3A_698 : memref<1x1x8x1024xf32, #tpu.memory_space<vmem>> -> memref<8x1024xf32, #tpu.memory_space<vmem>>
        %dma_start3A_700 = tpu.memref_slice %arg5[%dma_start3A_693, %mul3A_692] : memref<8x256xi32, #tpu.memory_space<vmem>> -> memref<1x8xi32, #tpu.memory_space<vmem>>
        %dma_start3A_701 = tpu.memref_squeeze %dma_start3A_700 : memref<1x8xi32, #tpu.memory_space<vmem>> -> memref<8xi32, #tpu.memory_space<vmem>>
        %dma_start3A_702 = arith.constant 0 : i32
        %dma_start3A_703 = arith.constant 0 : i32
        %dma_start3A_704 = tpu.memref_slice %arg3[%dma_start3A_702, %dma_start3A_703] : memref<8200x1024xf32, #tpu.memory_space<hbm>> -> memref<8200x1024xf32, #tpu.memory_space<hbm>>
        tpu.enqueue_indirect_dma source(%dma_start3A_704 : memref<8200x1024xf32, #tpu.memory_space<hbm>>) target(%dma_start3A_699 : memref<8x1024xf32, #tpu.memory_space<vmem>>) offsets(%dma_start3A_701 : memref<8xi32, #tpu.memory_space<vmem>>) semaphore(%arg8 : memref<!tpu.dma_semaphore, #tpu.memory_space<semaphore_mem>>)
        %mul3A_705 = arith.constant 8 : i32
        %mul3A_706 = arith.muli %add3A_676, %mul3A_705 : i32
        %dma_start3A_707 = arith.constant 2 : i32
        %dma_start3A_708 = arith.constant 0 : i32
        %dma_start3A_709 = arith.constant 2 : i32
        %dma_start3A_710 = arith.constant 0 : i32
        %dma_start3A_711 = arith.constant 0 : i32
        %dma_start3A_712 = tpu.memref_slice %arg6[%dma_start3A_708, %dma_start3A_709, %dma_start3A_710, %dma_start3A_711] : memref<2x4x8x1024xf32, #tpu.memory_space<vmem>> -> memref<1x1x8x1024xf32, #tpu.memory_space<vmem>>
        %dma_start3A_713 = tpu.memref_squeeze %dma_start3A_712 : memref<1x1x8x1024xf32, #tpu.memory_space<vmem>> -> memref<8x1024xf32, #tpu.memory_space<vmem>>
        %dma_start3A_714 = tpu.memref_slice %arg5[%dma_start3A_707, %mul3A_706] : memref<8x256xi32, #tpu.memory_space<vmem>> -> memref<1x8xi32, #tpu.memory_space<vmem>>
        %dma_start3A_715 = tpu.memref_squeeze %dma_start3A_714 : memref<1x8xi32, #tpu.memory_space<vmem>> -> memref<8xi32, #tpu.memory_space<vmem>>
        %dma_start3A_716 = arith.constant 0 : i32
        %dma_start3A_717 = arith.constant 0 : i32
        %dma_start3A_718 = tpu.memref_slice %arg3[%dma_start3A_716, %dma_start3A_717] : memref<8200x1024xf32, #tpu.memory_space<hbm>> -> memref<8200x1024xf32, #tpu.memory_space<hbm>>
        tpu.enqueue_indirect_dma source(%dma_start3A_718 : memref<8200x1024xf32, #tpu.memory_space<hbm>>) target(%dma_start3A_713 : memref<8x1024xf32, #tpu.memory_space<vmem>>) offsets(%dma_start3A_715 : memref<8xi32, #tpu.memory_space<vmem>>) semaphore(%arg8 : memref<!tpu.dma_semaphore, #tpu.memory_space<semaphore_mem>>)
        %mul3A_719 = arith.constant 8 : i32
        %mul3A_720 = arith.muli %add3A_676, %mul3A_719 : i32
        %dma_start3A_721 = arith.constant 3 : i32
        %dma_start3A_722 = arith.constant 0 : i32
        %dma_start3A_723 = arith.constant 3 : i32
        %dma_start3A_724 = arith.constant 0 : i32
        %dma_start3A_725 = arith.constant 0 : i32
        %dma_start3A_726 = tpu.memref_slice %arg6[%dma_start3A_722, %dma_start3A_723, %dma_start3A_724, %dma_start3A_725] : memref<2x4x8x1024xf32, #tpu.memory_space<vmem>> -> memref<1x1x8x1024xf32, #tpu.memory_space<vmem>>
        %dma_start3A_727 = tpu.memref_squeeze %dma_start3A_726 : memref<1x1x8x1024xf32, #tpu.memory_space<vmem>> -> memref<8x1024xf32, #tpu.memory_space<vmem>>
        %dma_start3A_728 = tpu.memref_slice %arg5[%dma_start3A_721, %mul3A_720] : memref<8x256xi32, #tpu.memory_space<vmem>> -> memref<1x8xi32, #tpu.memory_space<vmem>>
        %dma_start3A_729 = tpu.memref_squeeze %dma_start3A_728 : memref<1x8xi32, #tpu.memory_space<vmem>> -> memref<8xi32, #tpu.memory_space<vmem>>
        %dma_start3A_730 = arith.constant 0 : i32
        %dma_start3A_731 = arith.constant 0 : i32
        %dma_start3A_732 = tpu.memref_slice %arg3[%dma_start3A_730, %dma_start3A_731] : memref<8200x1024xf32, #tpu.memory_space<hbm>> -> memref<8200x1024xf32, #tpu.memory_space<hbm>>
        tpu.enqueue_indirect_dma source(%dma_start3A_732 : memref<8200x1024xf32, #tpu.memory_space<hbm>>) target(%dma_start3A_727 : memref<8x1024xf32, #tpu.memory_space<vmem>>) offsets(%dma_start3A_729 : memref<8xi32, #tpu.memory_space<vmem>>) semaphore(%arg8 : memref<!tpu.dma_semaphore, #tpu.memory_space<semaphore_mem>>)
      } else {
      }
      %dma_wait3A_540 = arith.constant 1 : i32
      %dma_wait3A_541 = arith.constant 0 : i32
      %dma_wait3A_542 = arith.constant 0 : i32
      %dma_wait3A_543 = arith.constant 0 : i32
      %dma_wait3A_544 = tpu.memref_slice %arg6[%dma_wait3A_540, %dma_wait3A_541, %dma_wait3A_542, %dma_wait3A_543] : memref<2x4x8x1024xf32, #tpu.memory_space<vmem>> -> memref<1x1x8x1024xf32, #tpu.memory_space<vmem>>
      %dma_wait3A_545 = tpu.memref_squeeze %dma_wait3A_544 : memref<1x1x8x1024xf32, #tpu.memory_space<vmem>> -> memref<8x1024xf32, #tpu.memory_space<vmem>>
      %dma_wait3A_546 = arith.constant 0 : i32
      %dma_wait3A_547 = arith.constant 0 : i32
      %dma_wait3A_548 = tpu.memref_slice %arg3[%dma_wait3A_546, %dma_wait3A_547] : memref<8200x1024xf32, #tpu.memory_space<hbm>> -> memref<8x1024xf32, #tpu.memory_space<hbm>>
      %dma_wait3A_549 = arith.constant 0 : i32
      %dma_wait3A_550 = arith.constant 0 : i32
      %dma_wait3A_551 = tpu.memref_slice %arg6[%dma_wait3A_540, %dma_wait3A_541, %dma_wait3A_549, %dma_wait3A_550] : memref<2x4x8x1024xf32, #tpu.memory_space<vmem>> -> memref<1x1x8x1024xf32, #tpu.memory_space<vmem>>
      %dma_wait3A_552 = tpu.memref_squeeze %dma_wait3A_551 : memref<1x1x8x1024xf32, #tpu.memory_space<vmem>> -> memref<8x1024xf32, #tpu.memory_space<vmem>>
      %dma_wait3A_553 = arith.constant 0 : i32
      %dma_wait3A_554 = arith.constant 0 : i32
      %dma_wait3A_555 = tpu.memref_slice %arg3[%dma_wait3A_553, %dma_wait3A_554] : memref<8200x1024xf32, #tpu.memory_space<hbm>> -> memref<8x1024xf32, #tpu.memory_space<hbm>>
      tpu.wait_dma2 semaphore(%arg9 : memref<!tpu.dma_semaphore, #tpu.memory_space<semaphore_mem>>) src(%dma_wait3A_555 : memref<8x1024xf32, #tpu.memory_space<hbm>>) dst(%dma_wait3A_552 : memref<8x1024xf32, #tpu.memory_space<vmem>>)
      %dma_wait3A_556 = arith.constant 1 : i32
      %dma_wait3A_557 = arith.constant 1 : i32
      %dma_wait3A_558 = arith.constant 0 : i32
      %dma_wait3A_559 = arith.constant 0 : i32
      %dma_wait3A_560 = tpu.memref_slice %arg6[%dma_wait3A_556, %dma_wait3A_557, %dma_wait3A_558, %dma_wait3A_559] : memref<2x4x8x1024xf32, #tpu.memory_space<vmem>> -> memref<1x1x8x1024xf32, #tpu.memory_space<vmem>>
      %dma_wait3A_561 = tpu.memref_squeeze %dma_wait3A_560 : memref<1x1x8x1024xf32, #tpu.memory_space<vmem>> -> memref<8x1024xf32, #tpu.memory_space<vmem>>
      %dma_wait3A_562 = arith.constant 0 : i32
      %dma_wait3A_563 = arith.constant 0 : i32
      %dma_wait3A_564 = tpu.memref_slice %arg3[%dma_wait3A_562, %dma_wait3A_563] : memref<8200x1024xf32, #tpu.memory_space<hbm>> -> memref<8x1024xf32, #tpu.memory_space<hbm>>
      %dma_wait3A_565 = arith.constant 0 : i32
      %dma_wait3A_566 = arith.constant 0 : i32
      %dma_wait3A_567 = tpu.memref_slice %arg6[%dma_wait3A_556, %dma_wait3A_557, %dma_wait3A_565, %dma_wait3A_566] : memref<2x4x8x1024xf32, #tpu.memory_space<vmem>> -> memref<1x1x8x1024xf32, #tpu.memory_space<vmem>>
      %dma_wait3A_568 = tpu.memref_squeeze %dma_wait3A_567 : memref<1x1x8x1024xf32, #tpu.memory_space<vmem>> -> memref<8x1024xf32, #tpu.memory_space<vmem>>
      %dma_wait3A_569 = arith.constant 0 : i32
      %dma_wait3A_570 = arith.constant 0 : i32
      %dma_wait3A_571 = tpu.memref_slice %arg3[%dma_wait3A_569, %dma_wait3A_570] : memref<8200x1024xf32, #tpu.memory_space<hbm>> -> memref<8x1024xf32, #tpu.memory_space<hbm>>
      tpu.wait_dma2 semaphore(%arg9 : memref<!tpu.dma_semaphore, #tpu.memory_space<semaphore_mem>>) src(%dma_wait3A_571 : memref<8x1024xf32, #tpu.memory_space<hbm>>) dst(%dma_wait3A_568 : memref<8x1024xf32, #tpu.memory_space<vmem>>)
      %dma_wait3A_572 = arith.constant 1 : i32
      %dma_wait3A_573 = arith.constant 2 : i32
      %dma_wait3A_574 = arith.constant 0 : i32
      %dma_wait3A_575 = arith.constant 0 : i32
      %dma_wait3A_576 = tpu.memref_slice %arg6[%dma_wait3A_572, %dma_wait3A_573, %dma_wait3A_574, %dma_wait3A_575] : memref<2x4x8x1024xf32, #tpu.memory_space<vmem>> -> memref<1x1x8x1024xf32, #tpu.memory_space<vmem>>
      %dma_wait3A_577 = tpu.memref_squeeze %dma_wait3A_576 : memref<1x1x8x1024xf32, #tpu.memory_space<vmem>> -> memref<8x1024xf32, #tpu.memory_space<vmem>>
      %dma_wait3A_578 = arith.constant 0 : i32
      %dma_wait3A_579 = arith.constant 0 : i32
      %dma_wait3A_580 = tpu.memref_slice %arg3[%dma_wait3A_578, %dma_wait3A_579] : memref<8200x1024xf32, #tpu.memory_space<hbm>> -> memref<8x1024xf32, #tpu.memory_space<hbm>>
      %dma_wait3A_581 = arith.constant 0 : i32
      %dma_wait3A_582 = arith.constant 0 : i32
      %dma_wait3A_583 = tpu.memref_slice %arg6[%dma_wait3A_572, %dma_wait3A_573, %dma_wait3A_581, %dma_wait3A_582] : memref<2x4x8x1024xf32, #tpu.memory_space<vmem>> -> memref<1x1x8x1024xf32, #tpu.memory_space<vmem>>
      %dma_wait3A_584 = tpu.memref_squeeze %dma_wait3A_583 : memref<1x1x8x1024xf32, #tpu.memory_space<vmem>> -> memref<8x1024xf32, #tpu.memory_space<vmem>>
      %dma_wait3A_585 = arith.constant 0 : i32
      %dma_wait3A_586 = arith.constant 0 : i32
      %dma_wait3A_587 = tpu.memref_slice %arg3[%dma_wait3A_585, %dma_wait3A_586] : memref<8200x1024xf32, #tpu.memory_space<hbm>> -> memref<8x1024xf32, #tpu.memory_space<hbm>>
      tpu.wait_dma2 semaphore(%arg9 : memref<!tpu.dma_semaphore, #tpu.memory_space<semaphore_mem>>) src(%dma_wait3A_587 : memref<8x1024xf32, #tpu.memory_space<hbm>>) dst(%dma_wait3A_584 : memref<8x1024xf32, #tpu.memory_space<vmem>>)
      %dma_wait3A_588 = arith.constant 1 : i32
      %dma_wait3A_589 = arith.constant 3 : i32
      %dma_wait3A_590 = arith.constant 0 : i32
      %dma_wait3A_591 = arith.constant 0 : i32
      %dma_wait3A_592 = tpu.memref_slice %arg6[%dma_wait3A_588, %dma_wait3A_589, %dma_wait3A_590, %dma_wait3A_591] : memref<2x4x8x1024xf32, #tpu.memory_space<vmem>> -> memref<1x1x8x1024xf32, #tpu.memory_space<vmem>>
      %dma_wait3A_593 = tpu.memref_squeeze %dma_wait3A_592 : memref<1x1x8x1024xf32, #tpu.memory_space<vmem>> -> memref<8x1024xf32, #tpu.memory_space<vmem>>
      %dma_wait3A_594 = arith.constant 0 : i32
      %dma_wait3A_595 = arith.constant 0 : i32
      %dma_wait3A_596 = tpu.memref_slice %arg3[%dma_wait3A_594, %dma_wait3A_595] : memref<8200x1024xf32, #tpu.memory_space<hbm>> -> memref<8x1024xf32, #tpu.memory_space<hbm>>
      %dma_wait3A_597 = arith.constant 0 : i32
      %dma_wait3A_598 = arith.constant 0 : i32
      %dma_wait3A_599 = tpu.memref_slice %arg6[%dma_wait3A_588, %dma_wait3A_589, %dma_wait3A_597, %dma_wait3A_598] : memref<2x4x8x1024xf32, #tpu.memory_space<vmem>> -> memref<1x1x8x1024xf32, #tpu.memory_space<vmem>>
      %dma_wait3A_600 = tpu.memref_squeeze %dma_wait3A_599 : memref<1x1x8x1024xf32, #tpu.memory_space<vmem>> -> memref<8x1024xf32, #tpu.memory_space<vmem>>
      %dma_wait3A_601 = arith.constant 0 : i32
      %dma_wait3A_602 = arith.constant 0 : i32
      %dma_wait3A_603 = tpu.memref_slice %arg3[%dma_wait3A_601, %dma_wait3A_602] : memref<8200x1024xf32, #tpu.memory_space<hbm>> -> memref<8x1024xf32, #tpu.memory_space<hbm>>
      tpu.wait_dma2 semaphore(%arg9 : memref<!tpu.dma_semaphore, #tpu.memory_space<semaphore_mem>>) src(%dma_wait3A_603 : memref<8x1024xf32, #tpu.memory_space<hbm>>) dst(%dma_wait3A_600 : memref<8x1024xf32, #tpu.memory_space<vmem>>)
      %scan3A_604 = arith.constant 0 : i32
      %scan3A_605 = arith.constant 0 : i32
      %scan3A_606 = arith.constant 64 : i32
      %scan3A_607 = arith.addi %scan3A_605, %scan3A_606 : i32
      %scan3A_608 = arith.constant 1 : i32
      %scan3A_609 = scf.for %scan3A_675 = %scan3A_605 to %scan3A_607 step %scan3A_608 iter_args(%scan3A_676 = %scan3A_604) -> (i32)  : i32 {
        %mul3A_677 = arith.constant 16 : i32
        %mul3A_678 = arith.muli %scan3A_675, %mul3A_677 : i32
        %get3A = arith.constant 0 : i32
        %get3A_679 = arith.index_cast %get3A : i32 to index
        %get3A_680 = arith.index_cast %mul3A_678 : i32 to index
        %get3A_681 = tpu.vector_load %arg7[%get3A_679, %get3A_680] {strides = array<i32>} : memref<8x1024xf32, #tpu.memory_space<vmem>>, vector<1x16xf32>,
        %get3A_682 = vector.shape_cast %get3A_681 : vector<1x16xf32> to vector<16xf32>
        %get3A_683 = arith.constant 1 : i32
        %get3A_684 = arith.constant 0 : i32
        %get3A_685 = arith.constant 0 : i32
        %get3A_686 = arith.index_cast %get3A_683 : i32 to index
        %get3A_687 = arith.index_cast %get3A_684 : i32 to index
        %get3A_688 = arith.index_cast %get3A_685 : i32 to index
        %get3A_689 = arith.index_cast %mul3A_678 : i32 to index
        %get3A_690 = tpu.vector_load %arg6[%get3A_686, %get3A_687, %get3A_688, %get3A_689] {strides = array<i32>} : memref<2x4x8x1024xf32, #tpu.memory_space<vmem>>, vector<1x1x1x16xf32>,
        %get3A_691 = vector.shape_cast %get3A_690 : vector<1x1x1x16xf32> to vector<16xf32>
        %add3A_692 = arith.addf %get3A_682, %get3A_691 : vector<16xf32>
        %get3A_693 = arith.constant 1 : i32
        %get3A_694 = arith.constant 1 : i32
        %get3A_695 = arith.constant 0 : i32
        %get3A_696 = arith.index_cast %get3A_693 : i32 to index
        %get3A_697 = arith.index_cast %get3A_694 : i32 to index
        %get3A_698 = arith.index_cast %get3A_695 : i32 to index
        %get3A_699 = arith.index_cast %mul3A_678 : i32 to index
        %get3A_700 = tpu.vector_load %arg6[%get3A_696, %get3A_697, %get3A_698, %get3A_699] {strides = array<i32>} : memref<2x4x8x1024xf32, #tpu.memory_space<vmem>>, vector<1x1x1x16xf32>,
        %get3A_701 = vector.shape_cast %get3A_700 : vector<1x1x1x16xf32> to vector<16xf32>
        %add3A_702 = arith.addf %add3A_692, %get3A_701 : vector<16xf32>
        %get3A_703 = arith.constant 1 : i32
        %get3A_704 = arith.constant 2 : i32
        %get3A_705 = arith.constant 0 : i32
        %get3A_706 = arith.index_cast %get3A_703 : i32 to index
        %get3A_707 = arith.index_cast %get3A_704 : i32 to index
        %get3A_708 = arith.index_cast %get3A_705 : i32 to index
        %get3A_709 = arith.index_cast %mul3A_678 : i32 to index
        %get3A_710 = tpu.vector_load %arg6[%get3A_706, %get3A_707, %get3A_708, %get3A_709] {strides = array<i32>} : memref<2x4x8x1024xf32, #tpu.memory_space<vmem>>, vector<1x1x1x16xf32>,
        %get3A_711 = vector.shape_cast %get3A_710 : vector<1x1x1x16xf32> to vector<16xf32>
        %add3A_712 = arith.addf %add3A_702, %get3A_711 : vector<16xf32>
        %get3A_713 = arith.constant 1 : i32
        %get3A_714 = arith.constant 3 : i32
        %get3A_715 = arith.constant 0 : i32
        %get3A_716 = arith.index_cast %get3A_713 : i32 to index
        %get3A_717 = arith.index_cast %get3A_714 : i32 to index
        %get3A_718 = arith.index_cast %get3A_715 : i32 to index
        %get3A_719 = arith.index_cast %mul3A_678 : i32 to index
        %get3A_720 = tpu.vector_load %arg6[%get3A_716, %get3A_717, %get3A_718, %get3A_719] {strides = array<i32>} : memref<2x4x8x1024xf32, #tpu.memory_space<vmem>>, vector<1x1x1x16xf32>,
        %get3A_721 = vector.shape_cast %get3A_720 : vector<1x1x1x16xf32> to vector<16xf32>
        %add3A_722 = arith.addf %add3A_712, %get3A_721 : vector<16xf32>
        %swap3A = arith.constant 0 : i32
        %swap3A_723 = arith.index_cast %swap3A : i32 to index
        %swap3A_724 = arith.index_cast %mul3A_678 : i32 to index
        %swap3A_725 = tpu.vector_load %arg7[%swap3A_723, %swap3A_724] {strides = array<i32>} : memref<8x1024xf32, #tpu.memory_space<vmem>>, vector<1x16xf32>,
        %swap3A_726 = vector.shape_cast %swap3A_725 : vector<1x16xf32> to vector<16xf32>
        %swap3A_727 = vector.shape_cast %add3A_722 : vector<16xf32> to vector<1x16xf32>
        tpu.vector_store %arg7[%swap3A_723, %swap3A_724], %swap3A_727 {strides = array<i32>} : memref<8x1024xf32, #tpu.memory_space<vmem>>, vector<1x16xf32>,
        %scan3A_728 = arith.constant 0 : i32
        scf.yield %scan3A_728 : i32
      }
      %scan3A_610 = arith.constant 64 : i32
      %scan3A_611 = arith.constant 0 : i32
      %scan3A_612 = arith.constant 0 : i32
      %scan3A_613 = arith.constant 64 : i32
      %scan3A_614 = arith.addi %scan3A_612, %scan3A_613 : i32
      %scan3A_615 = arith.constant 1 : i32
      %scan3A_616 = scf.for %scan3A_675 = %scan3A_612 to %scan3A_614 step %scan3A_615 iter_args(%scan3A_676 = %scan3A_611) -> (i32)  : i32 {
        %mul3A_677 = arith.constant 16 : i32
        %mul3A_678 = arith.muli %scan3A_675, %mul3A_677 : i32
        %get3A = arith.constant 1 : i32
        %get3A_679 = arith.index_cast %get3A : i32 to index
        %get3A_680 = arith.index_cast %mul3A_678 : i32 to index
        %get3A_681 = tpu.vector_load %arg7[%get3A_679, %get3A_680] {strides = array<i32>} : memref<8x1024xf32, #tpu.memory_space<vmem>>, vector<1x16xf32>,
        %get3A_682 = vector.shape_cast %get3A_681 : vector<1x16xf32> to vector<16xf32>
        %get3A_683 = arith.constant 1 : i32
        %get3A_684 = arith.constant 0 : i32
        %get3A_685 = arith.constant 1 : i32
        %get3A_686 = arith.index_cast %get3A_683 : i32 to index
        %get3A_687 = arith.index_cast %get3A_684 : i32 to index
        %get3A_688 = arith.index_cast %get3A_685 : i32 to index
        %get3A_689 = arith.index_cast %mul3A_678 : i32 to index
        %get3A_690 = tpu.vector_load %arg6[%get3A_686, %get3A_687, %get3A_688, %get3A_689] {strides = array<i32>} : memref<2x4x8x1024xf32, #tpu.memory_space<vmem>>, vector<1x1x1x16xf32>,
        %get3A_691 = vector.shape_cast %get3A_690 : vector<1x1x1x16xf32> to vector<16xf32>
        %add3A_692 = arith.addf %get3A_682, %get3A_691 : vector<16xf32>
        %get3A_693 = arith.constant 1 : i32
        %get3A_694 = arith.constant 1 : i32
        %get3A_695 = arith.constant 1 : i32
        %get3A_696 = arith.index_cast %get3A_693 : i32 to index
        %get3A_697 = arith.index_cast %get3A_694 : i32 to index
        %get3A_698 = arith.index_cast %get3A_695 : i32 to index
        %get3A_699 = arith.index_cast %mul3A_678 : i32 to index
        %get3A_700 = tpu.vector_load %arg6[%get3A_696, %get3A_697, %get3A_698, %get3A_699] {strides = array<i32>} : memref<2x4x8x1024xf32, #tpu.memory_space<vmem>>, vector<1x1x1x16xf32>,
        %get3A_701 = vector.shape_cast %get3A_700 : vector<1x1x1x16xf32> to vector<16xf32>
        %add3A_702 = arith.addf %add3A_692, %get3A_701 : vector<16xf32>
        %get3A_703 = arith.constant 1 : i32
        %get3A_704 = arith.constant 2 : i32
        %get3A_705 = arith.constant 1 : i32
        %get3A_706 = arith.index_cast %get3A_703 : i32 to index
        %get3A_707 = arith.index_cast %get3A_704 : i32 to index
        %get3A_708 = arith.index_cast %get3A_705 : i32 to index
        %get3A_709 = arith.index_cast %mul3A_678 : i32 to index
        %get3A_710 = tpu.vector_load %arg6[%get3A_706, %get3A_707, %get3A_708, %get3A_709] {strides = array<i32>} : memref<2x4x8x1024xf32, #tpu.memory_space<vmem>>, vector<1x1x1x16xf32>,
        %get3A_711 = vector.shape_cast %get3A_710 : vector<1x1x1x16xf32> to vector<16xf32>
        %add3A_712 = arith.addf %add3A_702, %get3A_711 : vector<16xf32>
        %get3A_713 = arith.constant 1 : i32
        %get3A_714 = arith.constant 3 : i32
        %get3A_715 = arith.constant 1 : i32
        %get3A_716 = arith.index_cast %get3A_713 : i32 to index
        %get3A_717 = arith.index_cast %get3A_714 : i32 to index
        %get3A_718 = arith.index_cast %get3A_715 : i32 to index
        %get3A_719 = arith.index_cast %mul3A_678 : i32 to index
        %get3A_720 = tpu.vector_load %arg6[%get3A_716, %get3A_717, %get3A_718, %get3A_719] {strides = array<i32>} : memref<2x4x8x1024xf32, #tpu.memory_space<vmem>>, vector<1x1x1x16xf32>,
        %get3A_721 = vector.shape_cast %get3A_720 : vector<1x1x1x16xf32> to vector<16xf32>
        %add3A_722 = arith.addf %add3A_712, %get3A_721 : vector<16xf32>
        %swap3A = arith.constant 1 : i32
        %swap3A_723 = arith.index_cast %swap3A : i32 to index
        %swap3A_724 = arith.index_cast %mul3A_678 : i32 to index
        %swap3A_725 = tpu.vector_load %arg7[%swap3A_723, %swap3A_724] {strides = array<i32>} : memref<8x1024xf32, #tpu.memory_space<vmem>>, vector<1x16xf32>,
        %swap3A_726 = vector.shape_cast %swap3A_725 : vector<1x16xf32> to vector<16xf32>
        %swap3A_727 = vector.shape_cast %add3A_722 : vector<16xf32> to vector<1x16xf32>
        tpu.vector_store %arg7[%swap3A_723, %swap3A_724], %swap3A_727 {strides = array<i32>} : memref<8x1024xf32, #tpu.memory_space<vmem>>, vector<1x16xf32>,
        %scan3A_728 = arith.constant 0 : i32
        scf.yield %scan3A_728 : i32
      }
      %scan3A_617 = arith.constant 64 : i32
      %scan3A_618 = arith.constant 0 : i32
      %scan3A_619 = arith.constant 0 : i32
      %scan3A_620 = arith.constant 64 : i32
      %scan3A_621 = arith.addi %scan3A_619, %scan3A_620 : i32
      %scan3A_622 = arith.constant 1 : i32
      %scan3A_623 = scf.for %scan3A_675 = %scan3A_619 to %scan3A_621 step %scan3A_622 iter_args(%scan3A_676 = %scan3A_618) -> (i32)  : i32 {
        %mul3A_677 = arith.constant 16 : i32
        %mul3A_678 = arith.muli %scan3A_675, %mul3A_677 : i32
        %get3A = arith.constant 2 : i32
        %get3A_679 = arith.index_cast %get3A : i32 to index
        %get3A_680 = arith.index_cast %mul3A_678 : i32 to index
        %get3A_681 = tpu.vector_load %arg7[%get3A_679, %get3A_680] {strides = array<i32>} : memref<8x1024xf32, #tpu.memory_space<vmem>>, vector<1x16xf32>,
        %get3A_682 = vector.shape_cast %get3A_681 : vector<1x16xf32> to vector<16xf32>
        %get3A_683 = arith.constant 1 : i32
        %get3A_684 = arith.constant 0 : i32
        %get3A_685 = arith.constant 2 : i32
        %get3A_686 = arith.index_cast %get3A_683 : i32 to index
        %get3A_687 = arith.index_cast %get3A_684 : i32 to index
        %get3A_688 = arith.index_cast %get3A_685 : i32 to index
        %get3A_689 = arith.index_cast %mul3A_678 : i32 to index
        %get3A_690 = tpu.vector_load %arg6[%get3A_686, %get3A_687, %get3A_688, %get3A_689] {strides = array<i32>} : memref<2x4x8x1024xf32, #tpu.memory_space<vmem>>, vector<1x1x1x16xf32>,
        %get3A_691 = vector.shape_cast %get3A_690 : vector<1x1x1x16xf32> to vector<16xf32>
        %add3A_692 = arith.addf %get3A_682, %get3A_691 : vector<16xf32>
        %get3A_693 = arith.constant 1 : i32
        %get3A_694 = arith.constant 1 : i32
        %get3A_695 = arith.constant 2 : i32
        %get3A_696 = arith.index_cast %get3A_693 : i32 to index
        %get3A_697 = arith.index_cast %get3A_694 : i32 to index
        %get3A_698 = arith.index_cast %get3A_695 : i32 to index
        %get3A_699 = arith.index_cast %mul3A_678 : i32 to index
        %get3A_700 = tpu.vector_load %arg6[%get3A_696, %get3A_697, %get3A_698, %get3A_699] {strides = array<i32>} : memref<2x4x8x1024xf32, #tpu.memory_space<vmem>>, vector<1x1x1x16xf32>,
        %get3A_701 = vector.shape_cast %get3A_700 : vector<1x1x1x16xf32> to vector<16xf32>
        %add3A_702 = arith.addf %add3A_692, %get3A_701 : vector<16xf32>
        %get3A_703 = arith.constant 1 : i32
        %get3A_704 = arith.constant 2 : i32
        %get3A_705 = arith.constant 2 : i32
        %get3A_706 = arith.index_cast %get3A_703 : i32 to index
        %get3A_707 = arith.index_cast %get3A_704 : i32 to index
        %get3A_708 = arith.index_cast %get3A_705 : i32 to index
        %get3A_709 = arith.index_cast %mul3A_678 : i32 to index
        %get3A_710 = tpu.vector_load %arg6[%get3A_706, %get3A_707, %get3A_708, %get3A_709] {strides = array<i32>} : memref<2x4x8x1024xf32, #tpu.memory_space<vmem>>, vector<1x1x1x16xf32>,
        %get3A_711 = vector.shape_cast %get3A_710 : vector<1x1x1x16xf32> to vector<16xf32>
        %add3A_712 = arith.addf %add3A_702, %get3A_711 : vector<16xf32>
        %get3A_713 = arith.constant 1 : i32
        %get3A_714 = arith.constant 3 : i32
        %get3A_715 = arith.constant 2 : i32
        %get3A_716 = arith.index_cast %get3A_713 : i32 to index
        %get3A_717 = arith.index_cast %get3A_714 : i32 to index
        %get3A_718 = arith.index_cast %get3A_715 : i32 to index
        %get3A_719 = arith.index_cast %mul3A_678 : i32 to index
        %get3A_720 = tpu.vector_load %arg6[%get3A_716, %get3A_717, %get3A_718, %get3A_719] {strides = array<i32>} : memref<2x4x8x1024xf32, #tpu.memory_space<vmem>>, vector<1x1x1x16xf32>,
        %get3A_721 = vector.shape_cast %get3A_720 : vector<1x1x1x16xf32> to vector<16xf32>
        %add3A_722 = arith.addf %add3A_712, %get3A_721 : vector<16xf32>
        %swap3A = arith.constant 2 : i32
        %swap3A_723 = arith.index_cast %swap3A : i32 to index
        %swap3A_724 = arith.index_cast %mul3A_678 : i32 to index
        %swap3A_725 = tpu.vector_load %arg7[%swap3A_723, %swap3A_724] {strides = array<i32>} : memref<8x1024xf32, #tpu.memory_space<vmem>>, vector<1x16xf32>,
        %swap3A_726 = vector.shape_cast %swap3A_725 : vector<1x16xf32> to vector<16xf32>
        %swap3A_727 = vector.shape_cast %add3A_722 : vector<16xf32> to vector<1x16xf32>
        tpu.vector_store %arg7[%swap3A_723, %swap3A_724], %swap3A_727 {strides = array<i32>} : memref<8x1024xf32, #tpu.memory_space<vmem>>, vector<1x16xf32>,
        %scan3A_728 = arith.constant 0 : i32
        scf.yield %scan3A_728 : i32
      }
      %scan3A_624 = arith.constant 64 : i32
      %scan3A_625 = arith.constant 0 : i32
      %scan3A_626 = arith.constant 0 : i32
      %scan3A_627 = arith.constant 64 : i32
      %scan3A_628 = arith.addi %scan3A_626, %scan3A_627 : i32
      %scan3A_629 = arith.constant 1 : i32
      %scan3A_630 = scf.for %scan3A_675 = %scan3A_626 to %scan3A_628 step %scan3A_629 iter_args(%scan3A_676 = %scan3A_625) -> (i32)  : i32 {
        %mul3A_677 = arith.constant 16 : i32
        %mul3A_678 = arith.muli %scan3A_675, %mul3A_677 : i32
        %get3A = arith.constant 3 : i32
        %get3A_679 = arith.index_cast %get3A : i32 to index
        %get3A_680 = arith.index_cast %mul3A_678 : i32 to index
        %get3A_681 = tpu.vector_load %arg7[%get3A_679, %get3A_680] {strides = array<i32>} : memref<8x1024xf32, #tpu.memory_space<vmem>>, vector<1x16xf32>,
        %get3A_682 = vector.shape_cast %get3A_681 : vector<1x16xf32> to vector<16xf32>
        %get3A_683 = arith.constant 1 : i32
        %get3A_684 = arith.constant 0 : i32
        %get3A_685 = arith.constant 3 : i32
        %get3A_686 = arith.index_cast %get3A_683 : i32 to index
        %get3A_687 = arith.index_cast %get3A_684 : i32 to index
        %get3A_688 = arith.index_cast %get3A_685 : i32 to index
        %get3A_689 = arith.index_cast %mul3A_678 : i32 to index
        %get3A_690 = tpu.vector_load %arg6[%get3A_686, %get3A_687, %get3A_688, %get3A_689] {strides = array<i32>} : memref<2x4x8x1024xf32, #tpu.memory_space<vmem>>, vector<1x1x1x16xf32>,
        %get3A_691 = vector.shape_cast %get3A_690 : vector<1x1x1x16xf32> to vector<16xf32>
        %add3A_692 = arith.addf %get3A_682, %get3A_691 : vector<16xf32>
        %get3A_693 = arith.constant 1 : i32
        %get3A_694 = arith.constant 1 : i32
        %get3A_695 = arith.constant 3 : i32
        %get3A_696 = arith.index_cast %get3A_693 : i32 to index
        %get3A_697 = arith.index_cast %get3A_694 : i32 to index
        %get3A_698 = arith.index_cast %get3A_695 : i32 to index
        %get3A_699 = arith.index_cast %mul3A_678 : i32 to index
        %get3A_700 = tpu.vector_load %arg6[%get3A_696, %get3A_697, %get3A_698, %get3A_699] {strides = array<i32>} : memref<2x4x8x1024xf32, #tpu.memory_space<vmem>>, vector<1x1x1x16xf32>,
        %get3A_701 = vector.shape_cast %get3A_700 : vector<1x1x1x16xf32> to vector<16xf32>
        %add3A_702 = arith.addf %add3A_692, %get3A_701 : vector<16xf32>
        %get3A_703 = arith.constant 1 : i32
        %get3A_704 = arith.constant 2 : i32
        %get3A_705 = arith.constant 3 : i32
        %get3A_706 = arith.index_cast %get3A_703 : i32 to index
        %get3A_707 = arith.index_cast %get3A_704 : i32 to index
        %get3A_708 = arith.index_cast %get3A_705 : i32 to index
        %get3A_709 = arith.index_cast %mul3A_678 : i32 to index
        %get3A_710 = tpu.vector_load %arg6[%get3A_706, %get3A_707, %get3A_708, %get3A_709] {strides = array<i32>} : memref<2x4x8x1024xf32, #tpu.memory_space<vmem>>, vector<1x1x1x16xf32>,
        %get3A_711 = vector.shape_cast %get3A_710 : vector<1x1x1x16xf32> to vector<16xf32>
        %add3A_712 = arith.addf %add3A_702, %get3A_711 : vector<16xf32>
        %get3A_713 = arith.constant 1 : i32
        %get3A_714 = arith.constant 3 : i32
        %get3A_715 = arith.constant 3 : i32
        %get3A_716 = arith.index_cast %get3A_713 : i32 to index
        %get3A_717 = arith.index_cast %get3A_714 : i32 to index
        %get3A_718 = arith.index_cast %get3A_715 : i32 to index
        %get3A_719 = arith.index_cast %mul3A_678 : i32 to index
        %get3A_720 = tpu.vector_load %arg6[%get3A_716, %get3A_717, %get3A_718, %get3A_719] {strides = array<i32>} : memref<2x4x8x1024xf32, #tpu.memory_space<vmem>>, vector<1x1x1x16xf32>,
        %get3A_721 = vector.shape_cast %get3A_720 : vector<1x1x1x16xf32> to vector<16xf32>
        %add3A_722 = arith.addf %add3A_712, %get3A_721 : vector<16xf32>
        %swap3A = arith.constant 3 : i32
        %swap3A_723 = arith.index_cast %swap3A : i32 to index
        %swap3A_724 = arith.index_cast %mul3A_678 : i32 to index
        %swap3A_725 = tpu.vector_load %arg7[%swap3A_723, %swap3A_724] {strides = array<i32>} : memref<8x1024xf32, #tpu.memory_space<vmem>>, vector<1x16xf32>,
        %swap3A_726 = vector.shape_cast %swap3A_725 : vector<1x16xf32> to vector<16xf32>
        %swap3A_727 = vector.shape_cast %add3A_722 : vector<16xf32> to vector<1x16xf32>
        tpu.vector_store %arg7[%swap3A_723, %swap3A_724], %swap3A_727 {strides = array<i32>} : memref<8x1024xf32, #tpu.memory_space<vmem>>, vector<1x16xf32>,
        %scan3A_728 = arith.constant 0 : i32
        scf.yield %scan3A_728 : i32
      }
      %scan3A_631 = arith.constant 64 : i32
      %scan3A_632 = arith.constant 0 : i32
      %scan3A_633 = arith.constant 0 : i32
      %scan3A_634 = arith.constant 64 : i32
      %scan3A_635 = arith.addi %scan3A_633, %scan3A_634 : i32
      %scan3A_636 = arith.constant 1 : i32
      %scan3A_637 = scf.for %scan3A_675 = %scan3A_633 to %scan3A_635 step %scan3A_636 iter_args(%scan3A_676 = %scan3A_632) -> (i32)  : i32 {
        %mul3A_677 = arith.constant 16 : i32
        %mul3A_678 = arith.muli %scan3A_675, %mul3A_677 : i32
        %get3A = arith.constant 4 : i32
        %get3A_679 = arith.index_cast %get3A : i32 to index
        %get3A_680 = arith.index_cast %mul3A_678 : i32 to index
        %get3A_681 = tpu.vector_load %arg7[%get3A_679, %get3A_680] {strides = array<i32>} : memref<8x1024xf32, #tpu.memory_space<vmem>>, vector<1x16xf32>,
        %get3A_682 = vector.shape_cast %get3A_681 : vector<1x16xf32> to vector<16xf32>
        %get3A_683 = arith.constant 1 : i32
        %get3A_684 = arith.constant 0 : i32
        %get3A_685 = arith.constant 4 : i32
        %get3A_686 = arith.index_cast %get3A_683 : i32 to index
        %get3A_687 = arith.index_cast %get3A_684 : i32 to index
        %get3A_688 = arith.index_cast %get3A_685 : i32 to index
        %get3A_689 = arith.index_cast %mul3A_678 : i32 to index
        %get3A_690 = tpu.vector_load %arg6[%get3A_686, %get3A_687, %get3A_688, %get3A_689] {strides = array<i32>} : memref<2x4x8x1024xf32, #tpu.memory_space<vmem>>, vector<1x1x1x16xf32>,
        %get3A_691 = vector.shape_cast %get3A_690 : vector<1x1x1x16xf32> to vector<16xf32>
        %add3A_692 = arith.addf %get3A_682, %get3A_691 : vector<16xf32>
        %get3A_693 = arith.constant 1 : i32
        %get3A_694 = arith.constant 1 : i32
        %get3A_695 = arith.constant 4 : i32
        %get3A_696 = arith.index_cast %get3A_693 : i32 to index
        %get3A_697 = arith.index_cast %get3A_694 : i32 to index
        %get3A_698 = arith.index_cast %get3A_695 : i32 to index
        %get3A_699 = arith.index_cast %mul3A_678 : i32 to index
        %get3A_700 = tpu.vector_load %arg6[%get3A_696, %get3A_697, %get3A_698, %get3A_699] {strides = array<i32>} : memref<2x4x8x1024xf32, #tpu.memory_space<vmem>>, vector<1x1x1x16xf32>,
        %get3A_701 = vector.shape_cast %get3A_700 : vector<1x1x1x16xf32> to vector<16xf32>
        %add3A_702 = arith.addf %add3A_692, %get3A_701 : vector<16xf32>
        %get3A_703 = arith.constant 1 : i32
        %get3A_704 = arith.constant 2 : i32
        %get3A_705 = arith.constant 4 : i32
        %get3A_706 = arith.index_cast %get3A_703 : i32 to index
        %get3A_707 = arith.index_cast %get3A_704 : i32 to index
        %get3A_708 = arith.index_cast %get3A_705 : i32 to index
        %get3A_709 = arith.index_cast %mul3A_678 : i32 to index
        %get3A_710 = tpu.vector_load %arg6[%get3A_706, %get3A_707, %get3A_708, %get3A_709] {strides = array<i32>} : memref<2x4x8x1024xf32, #tpu.memory_space<vmem>>, vector<1x1x1x16xf32>,
        %get3A_711 = vector.shape_cast %get3A_710 : vector<1x1x1x16xf32> to vector<16xf32>
        %add3A_712 = arith.addf %add3A_702, %get3A_711 : vector<16xf32>
        %get3A_713 = arith.constant 1 : i32
        %get3A_714 = arith.constant 3 : i32
        %get3A_715 = arith.constant 4 : i32
        %get3A_716 = arith.index_cast %get3A_713 : i32 to index
        %get3A_717 = arith.index_cast %get3A_714 : i32 to index
        %get3A_718 = arith.index_cast %get3A_715 : i32 to index
        %get3A_719 = arith.index_cast %mul3A_678 : i32 to index
        %get3A_720 = tpu.vector_load %arg6[%get3A_716, %get3A_717, %get3A_718, %get3A_719] {strides = array<i32>} : memref<2x4x8x1024xf32, #tpu.memory_space<vmem>>, vector<1x1x1x16xf32>,
        %get3A_721 = vector.shape_cast %get3A_720 : vector<1x1x1x16xf32> to vector<16xf32>
        %add3A_722 = arith.addf %add3A_712, %get3A_721 : vector<16xf32>
        %swap3A = arith.constant 4 : i32
        %swap3A_723 = arith.index_cast %swap3A : i32 to index
        %swap3A_724 = arith.index_cast %mul3A_678 : i32 to index
        %swap3A_725 = tpu.vector_load %arg7[%swap3A_723, %swap3A_724] {strides = array<i32>} : memref<8x1024xf32, #tpu.memory_space<vmem>>, vector<1x16xf32>,
        %swap3A_726 = vector.shape_cast %swap3A_725 : vector<1x16xf32> to vector<16xf32>
        %swap3A_727 = vector.shape_cast %add3A_722 : vector<16xf32> to vector<1x16xf32>
        tpu.vector_store %arg7[%swap3A_723, %swap3A_724], %swap3A_727 {strides = array<i32>} : memref<8x1024xf32, #tpu.memory_space<vmem>>, vector<1x16xf32>,
        %scan3A_728 = arith.constant 0 : i32
        scf.yield %scan3A_728 : i32
      }
      %scan3A_638 = arith.constant 64 : i32
      %scan3A_639 = arith.constant 0 : i32
      %scan3A_640 = arith.constant 0 : i32
      %scan3A_641 = arith.constant 64 : i32
      %scan3A_642 = arith.addi %scan3A_640, %scan3A_641 : i32
      %scan3A_643 = arith.constant 1 : i32
      %scan3A_644 = scf.for %scan3A_675 = %scan3A_640 to %scan3A_642 step %scan3A_643 iter_args(%scan3A_676 = %scan3A_639) -> (i32)  : i32 {
        %mul3A_677 = arith.constant 16 : i32
        %mul3A_678 = arith.muli %scan3A_675, %mul3A_677 : i32
        %get3A = arith.constant 5 : i32
        %get3A_679 = arith.index_cast %get3A : i32 to index
        %get3A_680 = arith.index_cast %mul3A_678 : i32 to index
        %get3A_681 = tpu.vector_load %arg7[%get3A_679, %get3A_680] {strides = array<i32>} : memref<8x1024xf32, #tpu.memory_space<vmem>>, vector<1x16xf32>,
        %get3A_682 = vector.shape_cast %get3A_681 : vector<1x16xf32> to vector<16xf32>
        %get3A_683 = arith.constant 1 : i32
        %get3A_684 = arith.constant 0 : i32
        %get3A_685 = arith.constant 5 : i32
        %get3A_686 = arith.index_cast %get3A_683 : i32 to index
        %get3A_687 = arith.index_cast %get3A_684 : i32 to index
        %get3A_688 = arith.index_cast %get3A_685 : i32 to index
        %get3A_689 = arith.index_cast %mul3A_678 : i32 to index
        %get3A_690 = tpu.vector_load %arg6[%get3A_686, %get3A_687, %get3A_688, %get3A_689] {strides = array<i32>} : memref<2x4x8x1024xf32, #tpu.memory_space<vmem>>, vector<1x1x1x16xf32>,
        %get3A_691 = vector.shape_cast %get3A_690 : vector<1x1x1x16xf32> to vector<16xf32>
        %add3A_692 = arith.addf %get3A_682, %get3A_691 : vector<16xf32>
        %get3A_693 = arith.constant 1 : i32
        %get3A_694 = arith.constant 1 : i32
        %get3A_695 = arith.constant 5 : i32
        %get3A_696 = arith.index_cast %get3A_693 : i32 to index
        %get3A_697 = arith.index_cast %get3A_694 : i32 to index
        %get3A_698 = arith.index_cast %get3A_695 : i32 to index
        %get3A_699 = arith.index_cast %mul3A_678 : i32 to index
        %get3A_700 = tpu.vector_load %arg6[%get3A_696, %get3A_697, %get3A_698, %get3A_699] {strides = array<i32>} : memref<2x4x8x1024xf32, #tpu.memory_space<vmem>>, vector<1x1x1x16xf32>,
        %get3A_701 = vector.shape_cast %get3A_700 : vector<1x1x1x16xf32> to vector<16xf32>
        %add3A_702 = arith.addf %add3A_692, %get3A_701 : vector<16xf32>
        %get3A_703 = arith.constant 1 : i32
        %get3A_704 = arith.constant 2 : i32
        %get3A_705 = arith.constant 5 : i32
        %get3A_706 = arith.index_cast %get3A_703 : i32 to index
        %get3A_707 = arith.index_cast %get3A_704 : i32 to index
        %get3A_708 = arith.index_cast %get3A_705 : i32 to index
        %get3A_709 = arith.index_cast %mul3A_678 : i32 to index
        %get3A_710 = tpu.vector_load %arg6[%get3A_706, %get3A_707, %get3A_708, %get3A_709] {strides = array<i32>} : memref<2x4x8x1024xf32, #tpu.memory_space<vmem>>, vector<1x1x1x16xf32>,
        %get3A_711 = vector.shape_cast %get3A_710 : vector<1x1x1x16xf32> to vector<16xf32>
        %add3A_712 = arith.addf %add3A_702, %get3A_711 : vector<16xf32>
        %get3A_713 = arith.constant 1 : i32
        %get3A_714 = arith.constant 3 : i32
        %get3A_715 = arith.constant 5 : i32
        %get3A_716 = arith.index_cast %get3A_713 : i32 to index
        %get3A_717 = arith.index_cast %get3A_714 : i32 to index
        %get3A_718 = arith.index_cast %get3A_715 : i32 to index
        %get3A_719 = arith.index_cast %mul3A_678 : i32 to index
        %get3A_720 = tpu.vector_load %arg6[%get3A_716, %get3A_717, %get3A_718, %get3A_719] {strides = array<i32>} : memref<2x4x8x1024xf32, #tpu.memory_space<vmem>>, vector<1x1x1x16xf32>,
        %get3A_721 = vector.shape_cast %get3A_720 : vector<1x1x1x16xf32> to vector<16xf32>
        %add3A_722 = arith.addf %add3A_712, %get3A_721 : vector<16xf32>
        %swap3A = arith.constant 5 : i32
        %swap3A_723 = arith.index_cast %swap3A : i32 to index
        %swap3A_724 = arith.index_cast %mul3A_678 : i32 to index
        %swap3A_725 = tpu.vector_load %arg7[%swap3A_723, %swap3A_724] {strides = array<i32>} : memref<8x1024xf32, #tpu.memory_space<vmem>>, vector<1x16xf32>,
        %swap3A_726 = vector.shape_cast %swap3A_725 : vector<1x16xf32> to vector<16xf32>
        %swap3A_727 = vector.shape_cast %add3A_722 : vector<16xf32> to vector<1x16xf32>
        tpu.vector_store %arg7[%swap3A_723, %swap3A_724], %swap3A_727 {strides = array<i32>} : memref<8x1024xf32, #tpu.memory_space<vmem>>, vector<1x16xf32>,
        %scan3A_728 = arith.constant 0 : i32
        scf.yield %scan3A_728 : i32
      }
      %scan3A_645 = arith.constant 64 : i32
      %scan3A_646 = arith.constant 0 : i32
      %scan3A_647 = arith.constant 0 : i32
      %scan3A_648 = arith.constant 64 : i32
      %scan3A_649 = arith.addi %scan3A_647, %scan3A_648 : i32
      %scan3A_650 = arith.constant 1 : i32
      %scan3A_651 = scf.for %scan3A_675 = %scan3A_647 to %scan3A_649 step %scan3A_650 iter_args(%scan3A_676 = %scan3A_646) -> (i32)  : i32 {
        %mul3A_677 = arith.constant 16 : i32
        %mul3A_678 = arith.muli %scan3A_675, %mul3A_677 : i32
        %get3A = arith.constant 6 : i32
        %get3A_679 = arith.index_cast %get3A : i32 to index
        %get3A_680 = arith.index_cast %mul3A_678 : i32 to index
        %get3A_681 = tpu.vector_load %arg7[%get3A_679, %get3A_680] {strides = array<i32>} : memref<8x1024xf32, #tpu.memory_space<vmem>>, vector<1x16xf32>,
        %get3A_682 = vector.shape_cast %get3A_681 : vector<1x16xf32> to vector<16xf32>
        %get3A_683 = arith.constant 1 : i32
        %get3A_684 = arith.constant 0 : i32
        %get3A_685 = arith.constant 6 : i32
        %get3A_686 = arith.index_cast %get3A_683 : i32 to index
        %get3A_687 = arith.index_cast %get3A_684 : i32 to index
        %get3A_688 = arith.index_cast %get3A_685 : i32 to index
        %get3A_689 = arith.index_cast %mul3A_678 : i32 to index
        %get3A_690 = tpu.vector_load %arg6[%get3A_686, %get3A_687, %get3A_688, %get3A_689] {strides = array<i32>} : memref<2x4x8x1024xf32, #tpu.memory_space<vmem>>, vector<1x1x1x16xf32>,
        %get3A_691 = vector.shape_cast %get3A_690 : vector<1x1x1x16xf32> to vector<16xf32>
        %add3A_692 = arith.addf %get3A_682, %get3A_691 : vector<16xf32>
        %get3A_693 = arith.constant 1 : i32
        %get3A_694 = arith.constant 1 : i32
        %get3A_695 = arith.constant 6 : i32
        %get3A_696 = arith.index_cast %get3A_693 : i32 to index
        %get3A_697 = arith.index_cast %get3A_694 : i32 to index
        %get3A_698 = arith.index_cast %get3A_695 : i32 to index
        %get3A_699 = arith.index_cast %mul3A_678 : i32 to index
        %get3A_700 = tpu.vector_load %arg6[%get3A_696, %get3A_697, %get3A_698, %get3A_699] {strides = array<i32>} : memref<2x4x8x1024xf32, #tpu.memory_space<vmem>>, vector<1x1x1x16xf32>,
        %get3A_701 = vector.shape_cast %get3A_700 : vector<1x1x1x16xf32> to vector<16xf32>
        %add3A_702 = arith.addf %add3A_692, %get3A_701 : vector<16xf32>
        %get3A_703 = arith.constant 1 : i32
        %get3A_704 = arith.constant 2 : i32
        %get3A_705 = arith.constant 6 : i32
        %get3A_706 = arith.index_cast %get3A_703 : i32 to index
        %get3A_707 = arith.index_cast %get3A_704 : i32 to index
        %get3A_708 = arith.index_cast %get3A_705 : i32 to index
        %get3A_709 = arith.index_cast %mul3A_678 : i32 to index
        %get3A_710 = tpu.vector_load %arg6[%get3A_706, %get3A_707, %get3A_708, %get3A_709] {strides = array<i32>} : memref<2x4x8x1024xf32, #tpu.memory_space<vmem>>, vector<1x1x1x16xf32>,
        %get3A_711 = vector.shape_cast %get3A_710 : vector<1x1x1x16xf32> to vector<16xf32>
        %add3A_712 = arith.addf %add3A_702, %get3A_711 : vector<16xf32>
        %get3A_713 = arith.constant 1 : i32
        %get3A_714 = arith.constant 3 : i32
        %get3A_715 = arith.constant 6 : i32
        %get3A_716 = arith.index_cast %get3A_713 : i32 to index
        %get3A_717 = arith.index_cast %get3A_714 : i32 to index
        %get3A_718 = arith.index_cast %get3A_715 : i32 to index
        %get3A_719 = arith.index_cast %mul3A_678 : i32 to index
        %get3A_720 = tpu.vector_load %arg6[%get3A_716, %get3A_717, %get3A_718, %get3A_719] {strides = array<i32>} : memref<2x4x8x1024xf32, #tpu.memory_space<vmem>>, vector<1x1x1x16xf32>,
        %get3A_721 = vector.shape_cast %get3A_720 : vector<1x1x1x16xf32> to vector<16xf32>
        %add3A_722 = arith.addf %add3A_712, %get3A_721 : vector<16xf32>
        %swap3A = arith.constant 6 : i32
        %swap3A_723 = arith.index_cast %swap3A : i32 to index
        %swap3A_724 = arith.index_cast %mul3A_678 : i32 to index
        %swap3A_725 = tpu.vector_load %arg7[%swap3A_723, %swap3A_724] {strides = array<i32>} : memref<8x1024xf32, #tpu.memory_space<vmem>>, vector<1x16xf32>,
        %swap3A_726 = vector.shape_cast %swap3A_725 : vector<1x16xf32> to vector<16xf32>
        %swap3A_727 = vector.shape_cast %add3A_722 : vector<16xf32> to vector<1x16xf32>
        tpu.vector_store %arg7[%swap3A_723, %swap3A_724], %swap3A_727 {strides = array<i32>} : memref<8x1024xf32, #tpu.memory_space<vmem>>, vector<1x16xf32>,
        %scan3A_728 = arith.constant 0 : i32
        scf.yield %scan3A_728 : i32
      }
      %scan3A_652 = arith.constant 64 : i32
      %scan3A_653 = arith.constant 0 : i32
      %scan3A_654 = arith.constant 0 : i32
      %scan3A_655 = arith.constant 64 : i32
      %scan3A_656 = arith.addi %scan3A_654, %scan3A_655 : i32
      %scan3A_657 = arith.constant 1 : i32
      %scan3A_658 = scf.for %scan3A_675 = %scan3A_654 to %scan3A_656 step %scan3A_657 iter_args(%scan3A_676 = %scan3A_653) -> (i32)  : i32 {
        %mul3A_677 = arith.constant 16 : i32
        %mul3A_678 = arith.muli %scan3A_675, %mul3A_677 : i32
        %get3A = arith.constant 7 : i32
        %get3A_679 = arith.index_cast %get3A : i32 to index
        %get3A_680 = arith.index_cast %mul3A_678 : i32 to index
        %get3A_681 = tpu.vector_load %arg7[%get3A_679, %get3A_680] {strides = array<i32>} : memref<8x1024xf32, #tpu.memory_space<vmem>>, vector<1x16xf32>,
        %get3A_682 = vector.shape_cast %get3A_681 : vector<1x16xf32> to vector<16xf32>
        %get3A_683 = arith.constant 1 : i32
        %get3A_684 = arith.constant 0 : i32
        %get3A_685 = arith.constant 7 : i32
        %get3A_686 = arith.index_cast %get3A_683 : i32 to index
        %get3A_687 = arith.index_cast %get3A_684 : i32 to index
        %get3A_688 = arith.index_cast %get3A_685 : i32 to index
        %get3A_689 = arith.index_cast %mul3A_678 : i32 to index
        %get3A_690 = tpu.vector_load %arg6[%get3A_686, %get3A_687, %get3A_688, %get3A_689] {strides = array<i32>} : memref<2x4x8x1024xf32, #tpu.memory_space<vmem>>, vector<1x1x1x16xf32>,
        %get3A_691 = vector.shape_cast %get3A_690 : vector<1x1x1x16xf32> to vector<16xf32>
        %add3A_692 = arith.addf %get3A_682, %get3A_691 : vector<16xf32>
        %get3A_693 = arith.constant 1 : i32
        %get3A_694 = arith.constant 1 : i32
        %get3A_695 = arith.constant 7 : i32
        %get3A_696 = arith.index_cast %get3A_693 : i32 to index
        %get3A_697 = arith.index_cast %get3A_694 : i32 to index
        %get3A_698 = arith.index_cast %get3A_695 : i32 to index
        %get3A_699 = arith.index_cast %mul3A_678 : i32 to index
        %get3A_700 = tpu.vector_load %arg6[%get3A_696, %get3A_697, %get3A_698, %get3A_699] {strides = array<i32>} : memref<2x4x8x1024xf32, #tpu.memory_space<vmem>>, vector<1x1x1x16xf32>,
        %get3A_701 = vector.shape_cast %get3A_700 : vector<1x1x1x16xf32> to vector<16xf32>
        %add3A_702 = arith.addf %add3A_692, %get3A_701 : vector<16xf32>
        %get3A_703 = arith.constant 1 : i32
        %get3A_704 = arith.constant 2 : i32
        %get3A_705 = arith.constant 7 : i32
        %get3A_706 = arith.index_cast %get3A_703 : i32 to index
        %get3A_707 = arith.index_cast %get3A_704 : i32 to index
        %get3A_708 = arith.index_cast %get3A_705 : i32 to index
        %get3A_709 = arith.index_cast %mul3A_678 : i32 to index
        %get3A_710 = tpu.vector_load %arg6[%get3A_706, %get3A_707, %get3A_708, %get3A_709] {strides = array<i32>} : memref<2x4x8x1024xf32, #tpu.memory_space<vmem>>, vector<1x1x1x16xf32>,
        %get3A_711 = vector.shape_cast %get3A_710 : vector<1x1x1x16xf32> to vector<16xf32>
        %add3A_712 = arith.addf %add3A_702, %get3A_711 : vector<16xf32>
        %get3A_713 = arith.constant 1 : i32
        %get3A_714 = arith.constant 3 : i32
        %get3A_715 = arith.constant 7 : i32
        %get3A_716 = arith.index_cast %get3A_713 : i32 to index
        %get3A_717 = arith.index_cast %get3A_714 : i32 to index
        %get3A_718 = arith.index_cast %get3A_715 : i32 to index
        %get3A_719 = arith.index_cast %mul3A_678 : i32 to index
        %get3A_720 = tpu.vector_load %arg6[%get3A_716, %get3A_717, %get3A_718, %get3A_719] {strides = array<i32>} : memref<2x4x8x1024xf32, #tpu.memory_space<vmem>>, vector<1x1x1x16xf32>,
        %get3A_721 = vector.shape_cast %get3A_720 : vector<1x1x1x16xf32> to vector<16xf32>
        %add3A_722 = arith.addf %add3A_712, %get3A_721 : vector<16xf32>
        %swap3A = arith.constant 7 : i32
        %swap3A_723 = arith.index_cast %swap3A : i32 to index
        %swap3A_724 = arith.index_cast %mul3A_678 : i32 to index
        %swap3A_725 = tpu.vector_load %arg7[%swap3A_723, %swap3A_724] {strides = array<i32>} : memref<8x1024xf32, #tpu.memory_space<vmem>>, vector<1x16xf32>,
        %swap3A_726 = vector.shape_cast %swap3A_725 : vector<1x16xf32> to vector<16xf32>
        %swap3A_727 = vector.shape_cast %add3A_722 : vector<16xf32> to vector<1x16xf32>
        tpu.vector_store %arg7[%swap3A_723, %swap3A_724], %swap3A_727 {strides = array<i32>} : memref<8x1024xf32, #tpu.memory_space<vmem>>, vector<1x16xf32>,
        %scan3A_728 = arith.constant 0 : i32
        scf.yield %scan3A_728 : i32
      }
      %scan3A_659 = arith.constant 64 : i32
      %add3A_660 = arith.constant 1 : i32
      %add3A_661 = arith.addi %scan3A_409, %add3A_660 : i32
      %lt3A_662 = arith.constant 32 : i32
      %lt3A_663 = arith.cmpi slt, %add3A_661, %lt3A_662 : i32
      %convert_element_type3A_664 = arith.extui %lt3A_663 : i1 to i32
      %cond3A_665 = arith.constant 0 : i32
      %cond3A_666 = arith.cmpi ne, %convert_element_type3A_664, %cond3A_665 : i32
      scf.if %cond3A_666 {
        %add3A_675 = arith.constant 1 : i32
        %add3A_676 = arith.addi %scan3A_409, %add3A_675 : i32
        %mul3A_677 = arith.constant 8 : i32
        %mul3A_678 = arith.muli %add3A_676, %mul3A_677 : i32
        %dma_start3A_679 = arith.constant 4 : i32
        %dma_start3A_680 = arith.constant 1 : i32
        %dma_start3A_681 = arith.constant 0 : i32
        %dma_start3A_682 = arith.constant 0 : i32
        %dma_start3A_683 = arith.constant 0 : i32
        %dma_start3A_684 = tpu.memref_slice %arg6[%dma_start3A_680, %dma_start3A_681, %dma_start3A_682, %dma_start3A_683] : memref<2x4x8x1024xf32, #tpu.memory_space<vmem>> -> memref<1x1x8x1024xf32, #tpu.memory_space<vmem>>
        %dma_start3A_685 = tpu.memref_squeeze %dma_start3A_684 : memref<1x1x8x1024xf32, #tpu.memory_space<vmem>> -> memref<8x1024xf32, #tpu.memory_space<vmem>>
        %dma_start3A_686 = tpu.memref_slice %arg5[%dma_start3A_679, %mul3A_678] : memref<8x256xi32, #tpu.memory_space<vmem>> -> memref<1x8xi32, #tpu.memory_space<vmem>>
        %dma_start3A_687 = tpu.memref_squeeze %dma_start3A_686 : memref<1x8xi32, #tpu.memory_space<vmem>> -> memref<8xi32, #tpu.memory_space<vmem>>
        %dma_start3A_688 = arith.constant 0 : i32
        %dma_start3A_689 = arith.constant 0 : i32
        %dma_start3A_690 = tpu.memref_slice %arg3[%dma_start3A_688, %dma_start3A_689] : memref<8200x1024xf32, #tpu.memory_space<hbm>> -> memref<8200x1024xf32, #tpu.memory_space<hbm>>
        tpu.enqueue_indirect_dma source(%dma_start3A_690 : memref<8200x1024xf32, #tpu.memory_space<hbm>>) target(%dma_start3A_685 : memref<8x1024xf32, #tpu.memory_space<vmem>>) offsets(%dma_start3A_687 : memref<8xi32, #tpu.memory_space<vmem>>) semaphore(%arg9 : memref<!tpu.dma_semaphore, #tpu.memory_space<semaphore_mem>>)
        %mul3A_691 = arith.constant 8 : i32
        %mul3A_692 = arith.muli %add3A_676, %mul3A_691 : i32
        %dma_start3A_693 = arith.constant 5 : i32
        %dma_start3A_694 = arith.constant 1 : i32
        %dma_start3A_695 = arith.constant 1 : i32
        %dma_start3A_696 = arith.constant 0 : i32
        %dma_start3A_697 = arith.constant 0 : i32
        %dma_start3A_698 = tpu.memref_slice %arg6[%dma_start3A_694, %dma_start3A_695, %dma_start3A_696, %dma_start3A_697] : memref<2x4x8x1024xf32, #tpu.memory_space<vmem>> -> memref<1x1x8x1024xf32, #tpu.memory_space<vmem>>
        %dma_start3A_699 = tpu.memref_squeeze %dma_start3A_698 : memref<1x1x8x1024xf32, #tpu.memory_space<vmem>> -> memref<8x1024xf32, #tpu.memory_space<vmem>>
        %dma_start3A_700 = tpu.memref_slice %arg5[%dma_start3A_693, %mul3A_692] : memref<8x256xi32, #tpu.memory_space<vmem>> -> memref<1x8xi32, #tpu.memory_space<vmem>>
        %dma_start3A_701 = tpu.memref_squeeze %dma_start3A_700 : memref<1x8xi32, #tpu.memory_space<vmem>> -> memref<8xi32, #tpu.memory_space<vmem>>
        %dma_start3A_702 = arith.constant 0 : i32
        %dma_start3A_703 = arith.constant 0 : i32
        %dma_start3A_704 = tpu.memref_slice %arg3[%dma_start3A_702, %dma_start3A_703] : memref<8200x1024xf32, #tpu.memory_space<hbm>> -> memref<8200x1024xf32, #tpu.memory_space<hbm>>
        tpu.enqueue_indirect_dma source(%dma_start3A_704 : memref<8200x1024xf32, #tpu.memory_space<hbm>>) target(%dma_start3A_699 : memref<8x1024xf32, #tpu.memory_space<vmem>>) offsets(%dma_start3A_701 : memref<8xi32, #tpu.memory_space<vmem>>) semaphore(%arg9 : memref<!tpu.dma_semaphore, #tpu.memory_space<semaphore_mem>>)
        %mul3A_705 = arith.constant 8 : i32
        %mul3A_706 = arith.muli %add3A_676, %mul3A_705 : i32
        %dma_start3A_707 = arith.constant 6 : i32
        %dma_start3A_708 = arith.constant 1 : i32
        %dma_start3A_709 = arith.constant 2 : i32
        %dma_start3A_710 = arith.constant 0 : i32
        %dma_start3A_711 = arith.constant 0 : i32
        %dma_start3A_712 = tpu.memref_slice %arg6[%dma_start3A_708, %dma_start3A_709, %dma_start3A_710, %dma_start3A_711] : memref<2x4x8x1024xf32, #tpu.memory_space<vmem>> -> memref<1x1x8x1024xf32, #tpu.memory_space<vmem>>
        %dma_start3A_713 = tpu.memref_squeeze %dma_start3A_712 : memref<1x1x8x1024xf32, #tpu.memory_space<vmem>> -> memref<8x1024xf32, #tpu.memory_space<vmem>>
        %dma_start3A_714 = tpu.memref_slice %arg5[%dma_start3A_707, %mul3A_706] : memref<8x256xi32, #tpu.memory_space<vmem>> -> memref<1x8xi32, #tpu.memory_space<vmem>>
        %dma_start3A_715 = tpu.memref_squeeze %dma_start3A_714 : memref<1x8xi32, #tpu.memory_space<vmem>> -> memref<8xi32, #tpu.memory_space<vmem>>
        %dma_start3A_716 = arith.constant 0 : i32
        %dma_start3A_717 = arith.constant 0 : i32
        %dma_start3A_718 = tpu.memref_slice %arg3[%dma_start3A_716, %dma_start3A_717] : memref<8200x1024xf32, #tpu.memory_space<hbm>> -> memref<8200x1024xf32, #tpu.memory_space<hbm>>
        tpu.enqueue_indirect_dma source(%dma_start3A_718 : memref<8200x1024xf32, #tpu.memory_space<hbm>>) target(%dma_start3A_713 : memref<8x1024xf32, #tpu.memory_space<vmem>>) offsets(%dma_start3A_715 : memref<8xi32, #tpu.memory_space<vmem>>) semaphore(%arg9 : memref<!tpu.dma_semaphore, #tpu.memory_space<semaphore_mem>>)
        %mul3A_719 = arith.constant 8 : i32
        %mul3A_720 = arith.muli %add3A_676, %mul3A_719 : i32
        %dma_start3A_721 = arith.constant 7 : i32
        %dma_start3A_722 = arith.constant 1 : i32
        %dma_start3A_723 = arith.constant 3 : i32
        %dma_start3A_724 = arith.constant 0 : i32
        %dma_start3A_725 = arith.constant 0 : i32
        %dma_start3A_726 = tpu.memref_slice %arg6[%dma_start3A_722, %dma_start3A_723, %dma_start3A_724, %dma_start3A_725] : memref<2x4x8x1024xf32, #tpu.memory_space<vmem>> -> memref<1x1x8x1024xf32, #tpu.memory_space<vmem>>
        %dma_start3A_727 = tpu.memref_squeeze %dma_start3A_726 : memref<1x1x8x1024xf32, #tpu.memory_space<vmem>> -> memref<8x1024xf32, #tpu.memory_space<vmem>>
        %dma_start3A_728 = tpu.memref_slice %arg5[%dma_start3A_721, %mul3A_720] : memref<8x256xi32, #tpu.memory_space<vmem>> -> memref<1x8xi32, #tpu.memory_space<vmem>>
        %dma_start3A_729 = tpu.memref_squeeze %dma_start3A_728 : memref<1x8xi32, #tpu.memory_space<vmem>> -> memref<8xi32, #tpu.memory_space<vmem>>
        %dma_start3A_730 = arith.constant 0 : i32
        %dma_start3A_731 = arith.constant 0 : i32
        %dma_start3A_732 = tpu.memref_slice %arg3[%dma_start3A_730, %dma_start3A_731] : memref<8200x1024xf32, #tpu.memory_space<hbm>> -> memref<8200x1024xf32, #tpu.memory_space<hbm>>
        tpu.enqueue_indirect_dma source(%dma_start3A_732 : memref<8200x1024xf32, #tpu.memory_space<hbm>>) target(%dma_start3A_727 : memref<8x1024xf32, #tpu.memory_space<vmem>>) offsets(%dma_start3A_729 : memref<8xi32, #tpu.memory_space<vmem>>) semaphore(%arg9 : memref<!tpu.dma_semaphore, #tpu.memory_space<semaphore_mem>>)
      } else {
      }
      %mul3A_667 = arith.constant 8 : i32
      %mul3A_668 = arith.muli %scan3A_409, %mul3A_667 : i32
      %add3A_669 = arith.addi %mul3A_2, %mul3A_668 : i32
      %dma_start3A_670 = arith.constant 0 : i32
      %dma_start3A_671 = tpu.memref_slice %arg4[%add3A_669, %dma_start3A_670] : memref<8192x1024xf32, #tpu.memory_space<hbm>> -> memref<8x1024xf32, #tpu.memory_space<hbm>>
      %dma_start3A_672 = arith.constant 0 : i32
      %dma_start3A_673 = tpu.memref_slice %arg4[%add3A_669, %dma_start3A_672] : memref<8192x1024xf32, #tpu.memory_space<hbm>> -> memref<8x1024xf32, #tpu.memory_space<hbm>>
      tpu.enqueue_dma source(%arg7 : memref<8x1024xf32, #tpu.memory_space<vmem>>) target(%dma_start3A_673 : memref<8x1024xf32, #tpu.memory_space<hbm>>) target_semaphore(%arg10 : memref<!tpu.dma_semaphore, #tpu.memory_space<semaphore_mem>>)
      %scan3A_674 = arith.constant 0 : i32
      scf.yield %scan3A_674 : i32
    }
    %scan3A_404 = arith.constant 32 : i32
    %dma_wait3A_405 = arith.constant 0 : i32
    %dma_wait3A_406 = tpu.memref_slice %arg4[%mul3A_2, %dma_wait3A_405] : memref<8192x1024xf32, #tpu.memory_space<hbm>> -> memref<8x1024xf32, #tpu.memory_space<hbm>>
    %dma_wait3A_407 = arith.constant 0 : i32
    %dma_wait3A_408 = tpu.memref_slice %arg4[%mul3A_2, %dma_wait3A_407] : memref<8192x1024xf32, #tpu.memory_space<hbm>> -> memref<8x1024xf32, #tpu.memory_space<hbm>>
    tpu.wait_dma2 semaphore(%arg10 : memref<!tpu.dma_semaphore, #tpu.memory_space<semaphore_mem>>) src(%arg7 : memref<8x1024xf32, #tpu.memory_space<vmem>>) dst(%dma_wait3A_408 : memref<8x1024xf32, #tpu.memory_space<hbm>>)
    return
  }
}

module attributes {stable_mosaic.version = 14 : i64} {
  func.func @_proj_body(%arg0: i32, %arg1: memref<1x1025x1024xf32, #tpu.memory_space<vmem>>, %arg2: memref<1x1x1024xf32, #tpu.memory_space<vmem>>, %arg3: memref<1024x1024xf32, #tpu.memory_space<vmem>>, %arg4: memref<1x1024xf32, #tpu.memory_space<vmem>>, %arg5: memref<1x1025x1024xf32, #tpu.memory_space<vmem>>) attributes {dimension_semantics = [#tpu.dimension_semantics<arbitrary>], iteration_bounds = array<i64: 8>, scalar_prefetch = 0 : i64, scratch_operands = 0 : i64, tpu.core_type = #tpu.core_type<tc>, window_params = [{transform_indices = @transform_0, window_bounds = array<i64: 1, 1025, 1024>}, {transform_indices = @transform_1, window_bounds = array<i64: 1, 1, 1024>}, {transform_indices = @transform_2, window_bounds = array<i64: 1024, 1024>}, {pipeline_mode = #tpu.pipeline_mode<synchronous>, transform_indices = @transform_3, window_bounds = array<i64: 1, 1024>}, {transform_indices = @transform_4, window_bounds = array<i64: 1, 1025, 1024>}]} {
    %get3A = arith.constant 0 : index
    %get3A_0 = arith.constant 0 : index
    %get3A_1 = arith.constant 0 : index
    %get3A_2 = vector.load %arg1[%get3A, %get3A_0, %get3A_1] : memref<1x1025x1024xf32, #tpu.memory_space<vmem>>, vector<1x1025x1024xf32>
    %get3A_3 = vector.shape_cast %get3A_2 : vector<1x1025x1024xf32> to vector<1025x1024xf32>
    %iota3A = tpu.iota {dimensions = array<i32: 0>} : vector<1025x1xi32>
    %eq3A = arith.constant 1024 : i32
    %eq3A_4 = vector.broadcast %eq3A : i32 to vector<1025x1xi32>
    %eq3A_5 = arith.cmpi eq, %iota3A, %eq3A_4 : vector<1025x1xi32>
    %get3A_6 = arith.constant 0 : index
    %get3A_7 = arith.constant 0 : index
    %get3A_8 = arith.constant 0 : index
    %get3A_9 = vector.load %arg2[%get3A_6, %get3A_7, %get3A_8] : memref<1x1x1024xf32, #tpu.memory_space<vmem>>, vector<1x1x1024xf32>
    %get3A_10 = vector.shape_cast %get3A_9 : vector<1x1x1024xf32> to vector<1x1024xf32>
    %broadcast_in_dim3A = vector.shape_cast %eq3A_5 : vector<1025x1xi1> to vector<1025x1xi1>
    %broadcast_in_dim3A_11 = vector.broadcast %broadcast_in_dim3A : vector<1025x1xi1> to vector<1025x1024xi1>
    %broadcast_in_dim3A_12 = vector.shape_cast %get3A_10 : vector<1x1024xf32> to vector<1x1024xf32>
    %broadcast_in_dim3A_13 = vector.broadcast %broadcast_in_dim3A_12 : vector<1x1024xf32> to vector<1025x1024xf32>
    %select_n3A = arith.select %broadcast_in_dim3A_11, %broadcast_in_dim3A_13, %get3A_3 : vector<1025x1024xi1>, vector<1025x1024xf32>
    %get3A_14 = arith.constant 0 : index
    %get3A_15 = arith.constant 0 : index
    %get3A_16 = vector.load %arg3[%get3A_14, %get3A_15] : memref<1024x1024xf32, #tpu.memory_space<vmem>>, vector<1024x1024xf32>
    %dot_general3A = arith.constant dense<0.000000e+00> : vector<1025x1024xf32>
    %dot_general3A_17 = tpu.matmul %select_n3A, %get3A_16, %dot_general3A {dimension_numbers = #tpu.dot_dimension_numbers<[1], [1], [0], [0], [0, 0, 1, 0], [], []>, transpose_lhs_hint = false} : vector<1025x1024xf32>, vector<1024x1024xf32>, vector<1025x1024xf32> -> vector<1025x1024xf32>
    %add3A = arith.constant 6 : i32
    %add3A_18 = arith.addi %arg0, %add3A : i32
    %eq3A_19 = arith.constant 0 : i32
    %eq3A_20 = arith.cmpi eq, %add3A_18, %eq3A_19 : i32
    %get3A_21 = arith.constant 0 : index
    %get3A_22 = arith.constant 0 : index
    %get3A_23 = vector.load %arg4[%get3A_21, %get3A_22] : memref<1x1024xf32, #tpu.memory_space<vmem>>, vector<1x1024xf32>
    %jit3A = arith.constant 0.000000e+00 : f32
    %broadcast_in_dim3A_24 = vector.broadcast %jit3A : f32 to vector<1x1024xf32>
    %select_n3A_25 = arith.select %eq3A_20, %get3A_23, %broadcast_in_dim3A_24 : vector<1x1024xf32>
    %add3A_26 = vector.broadcast %select_n3A_25 : vector<1x1024xf32> to vector<1025x1024xf32>
    %add3A_27 = arith.addf %dot_general3A_17, %add3A_26 : vector<1025x1024xf32>
    %swap3A = arith.constant 0 : index
    %swap3A_28 = arith.constant 0 : index
    %swap3A_29 = arith.constant 0 : index
    %swap3A_30 = vector.load %arg5[%swap3A, %swap3A_28, %swap3A_29] : memref<1x1025x1024xf32, #tpu.memory_space<vmem>>, vector<1x1025x1024xf32>
    %swap3A_31 = vector.shape_cast %swap3A_30 : vector<1x1025x1024xf32> to vector<1025x1024xf32>
    %swap3A_32 = vector.shape_cast %add3A_27 : vector<1025x1024xf32> to vector<1x1025x1024xf32>
    tpu.vector_store %arg5[%swap3A, %swap3A_28, %swap3A_29], %swap3A_32 {strides = array<i32>} : memref<1x1025x1024xf32, #tpu.memory_space<vmem>>, vector<1x1025x1024xf32>,
    return
  }
  func.func @transform_0(%arg0: i32) -> (i32, i32, i32) {
    %add3A = arith.constant 6 : i32
    %add3A_0 = arith.addi %arg0, %add3A : i32
    %c0_i32 = arith.constant 0 : i32
    %c0_i32_1 = arith.constant 0 : i32
    %c0_i32_2 = arith.constant 0 : i32
    return %add3A_0, %c0_i32, %c0_i32_1 : i32, i32, i32
  }
  func.func @transform_1(%arg0: i32) -> (i32, i32, i32) {
    %add3A = arith.constant 6 : i32
    %add3A_0 = arith.addi %arg0, %add3A : i32
    %c0_i32 = arith.constant 0 : i32
    %c0_i32_1 = arith.constant 0 : i32
    %c0_i32_2 = arith.constant 0 : i32
    return %add3A_0, %c0_i32, %c0_i32_1 : i32, i32, i32
  }
  func.func @transform_2(%arg0: i32) -> (i32, i32) {
    %add3A = arith.constant 6 : i32
    %add3A_0 = arith.addi %arg0, %add3A : i32
    %c0_i32 = arith.constant 0 : i32
    %c0_i32_1 = arith.constant 0 : i32
    return %c0_i32, %add3A_0 : i32, i32
  }
  func.func @transform_3(%arg0: i32) -> (i32, i32) {
    %c0_i32 = arith.constant 0 : i32
    %c0_i32_0 = arith.constant 0 : i32
    %c0_i32_1 = arith.constant 0 : i32
    return %c0_i32, %c0_i32_0 : i32, i32
  }
  func.func @transform_4(%arg0: i32) -> (i32, i32, i32) {
    %c0_i32 = arith.constant 0 : i32
    %c0_i32_0 = arith.constant 0 : i32
    %c0_i32_1 = arith.constant 0 : i32
    return %arg0, %c0_i32, %c0_i32_0 : i32, i32, i32
  }
}

module attributes {stable_mosaic.version = 14 : i64} {
  func.func @_proj_body(%arg0: i32, %arg1: memref<1x1025x1024xf32, #tpu.memory_space<vmem>>, %arg2: memref<1x1x1024xf32, #tpu.memory_space<vmem>>, %arg3: memref<1024x1024xf32, #tpu.memory_space<vmem>>, %arg4: memref<1x1024xf32, #tpu.memory_space<vmem>>, %arg5: memref<1x1025x1024xf32, #tpu.memory_space<vmem>>) attributes {dimension_semantics = [#tpu.dimension_semantics<arbitrary>], iteration_bounds = array<i64: 6>, scalar_prefetch = 0 : i64, scratch_operands = 0 : i64, tpu.core_type = #tpu.core_type<tc>, window_params = [{transform_indices = @transform_0, window_bounds = array<i64: 1, 1025, 1024>}, {transform_indices = @transform_1, window_bounds = array<i64: 1, 1, 1024>}, {transform_indices = @transform_2, window_bounds = array<i64: 1024, 1024>}, {pipeline_mode = #tpu.pipeline_mode<synchronous>, transform_indices = @transform_3, window_bounds = array<i64: 1, 1024>}, {transform_indices = @transform_4, window_bounds = array<i64: 1, 1025, 1024>}]} {
    %get3A = arith.constant 0 : index
    %get3A_0 = arith.constant 0 : index
    %get3A_1 = arith.constant 0 : index
    %get3A_2 = vector.load %arg1[%get3A, %get3A_0, %get3A_1] : memref<1x1025x1024xf32, #tpu.memory_space<vmem>>, vector<1x1025x1024xf32>
    %get3A_3 = vector.shape_cast %get3A_2 : vector<1x1025x1024xf32> to vector<1025x1024xf32>
    %iota3A = tpu.iota {dimensions = array<i32: 0>} : vector<1025x1xi32>
    %eq3A = arith.constant 1024 : i32
    %eq3A_4 = vector.broadcast %eq3A : i32 to vector<1025x1xi32>
    %eq3A_5 = arith.cmpi eq, %iota3A, %eq3A_4 : vector<1025x1xi32>
    %get3A_6 = arith.constant 0 : index
    %get3A_7 = arith.constant 0 : index
    %get3A_8 = arith.constant 0 : index
    %get3A_9 = vector.load %arg2[%get3A_6, %get3A_7, %get3A_8] : memref<1x1x1024xf32, #tpu.memory_space<vmem>>, vector<1x1x1024xf32>
    %get3A_10 = vector.shape_cast %get3A_9 : vector<1x1x1024xf32> to vector<1x1024xf32>
    %broadcast_in_dim3A = vector.shape_cast %eq3A_5 : vector<1025x1xi1> to vector<1025x1xi1>
    %broadcast_in_dim3A_11 = vector.broadcast %broadcast_in_dim3A : vector<1025x1xi1> to vector<1025x1024xi1>
    %broadcast_in_dim3A_12 = vector.shape_cast %get3A_10 : vector<1x1024xf32> to vector<1x1024xf32>
    %broadcast_in_dim3A_13 = vector.broadcast %broadcast_in_dim3A_12 : vector<1x1024xf32> to vector<1025x1024xf32>
    %select_n3A = arith.select %broadcast_in_dim3A_11, %broadcast_in_dim3A_13, %get3A_3 : vector<1025x1024xi1>, vector<1025x1024xf32>
    %get3A_14 = arith.constant 0 : index
    %get3A_15 = arith.constant 0 : index
    %get3A_16 = vector.load %arg3[%get3A_14, %get3A_15] : memref<1024x1024xf32, #tpu.memory_space<vmem>>, vector<1024x1024xf32>
    %dot_general3A = arith.constant dense<0.000000e+00> : vector<1025x1024xf32>
    %dot_general3A_17 = tpu.matmul %select_n3A, %get3A_16, %dot_general3A {dimension_numbers = #tpu.dot_dimension_numbers<[1], [1], [0], [0], [0, 0, 1, 0], [], []>, transpose_lhs_hint = false} : vector<1025x1024xf32>, vector<1024x1024xf32>, vector<1025x1024xf32> -> vector<1025x1024xf32>
    %add3A = arith.constant 0 : i32
    %add3A_18 = arith.addi %arg0, %add3A : i32
    %eq3A_19 = arith.constant 0 : i32
    %eq3A_20 = arith.cmpi eq, %add3A_18, %eq3A_19 : i32
    %get3A_21 = arith.constant 0 : index
    %get3A_22 = arith.constant 0 : index
    %get3A_23 = vector.load %arg4[%get3A_21, %get3A_22] : memref<1x1024xf32, #tpu.memory_space<vmem>>, vector<1x1024xf32>
    %jit3A = arith.constant 0.000000e+00 : f32
    %broadcast_in_dim3A_24 = vector.broadcast %jit3A : f32 to vector<1x1024xf32>
    %select_n3A_25 = arith.select %eq3A_20, %get3A_23, %broadcast_in_dim3A_24 : vector<1x1024xf32>
    %add3A_26 = vector.broadcast %select_n3A_25 : vector<1x1024xf32> to vector<1025x1024xf32>
    %add3A_27 = arith.addf %dot_general3A_17, %add3A_26 : vector<1025x1024xf32>
    %swap3A = arith.constant 0 : index
    %swap3A_28 = arith.constant 0 : index
    %swap3A_29 = arith.constant 0 : index
    %swap3A_30 = vector.load %arg5[%swap3A, %swap3A_28, %swap3A_29] : memref<1x1025x1024xf32, #tpu.memory_space<vmem>>, vector<1x1025x1024xf32>
    %swap3A_31 = vector.shape_cast %swap3A_30 : vector<1x1025x1024xf32> to vector<1025x1024xf32>
    %swap3A_32 = vector.shape_cast %add3A_27 : vector<1025x1024xf32> to vector<1x1025x1024xf32>
    tpu.vector_store %arg5[%swap3A, %swap3A_28, %swap3A_29], %swap3A_32 {strides = array<i32>} : memref<1x1025x1024xf32, #tpu.memory_space<vmem>>, vector<1x1025x1024xf32>,
    return
  }
  func.func @transform_0(%arg0: i32) -> (i32, i32, i32) {
    %add3A = arith.constant 0 : i32
    %add3A_0 = arith.addi %arg0, %add3A : i32
    %c0_i32 = arith.constant 0 : i32
    %c0_i32_1 = arith.constant 0 : i32
    %c0_i32_2 = arith.constant 0 : i32
    return %add3A_0, %c0_i32, %c0_i32_1 : i32, i32, i32
  }
  func.func @transform_1(%arg0: i32) -> (i32, i32, i32) {
    %add3A = arith.constant 0 : i32
    %add3A_0 = arith.addi %arg0, %add3A : i32
    %c0_i32 = arith.constant 0 : i32
    %c0_i32_1 = arith.constant 0 : i32
    %c0_i32_2 = arith.constant 0 : i32
    return %add3A_0, %c0_i32, %c0_i32_1 : i32, i32, i32
  }
  func.func @transform_2(%arg0: i32) -> (i32, i32) {
    %add3A = arith.constant 0 : i32
    %add3A_0 = arith.addi %arg0, %add3A : i32
    %c0_i32 = arith.constant 0 : i32
    %c0_i32_1 = arith.constant 0 : i32
    return %c0_i32, %add3A_0 : i32, i32
  }
  func.func @transform_3(%arg0: i32) -> (i32, i32) {
    %c0_i32 = arith.constant 0 : i32
    %c0_i32_0 = arith.constant 0 : i32
    %c0_i32_1 = arith.constant 0 : i32
    return %c0_i32, %c0_i32_0 : i32, i32
  }
  func.func @transform_4(%arg0: i32) -> (i32, i32, i32) {
    %c0_i32 = arith.constant 0 : i32
    %c0_i32_0 = arith.constant 0 : i32
    %c0_i32_1 = arith.constant 0 : i32
    return %arg0, %c0_i32, %c0_i32_0 : i32, i32, i32
  }
}

module attributes {stable_mosaic.version = 14 : i64} {
  func.func @_oh_body(%arg0: i32, %arg1: i32, %arg2: memref<1x1x1024xi32, #tpu.memory_space<vmem>>, %arg3: memref<1x1025x1024xf32, #tpu.memory_space<vmem>>, %arg4: memref<1024x1024xf32, #tpu.memory_space<vmem>>) attributes {dimension_semantics = [#tpu.dimension_semantics<arbitrary>, #tpu.dimension_semantics<arbitrary>], iteration_bounds = array<i64: 8, 6>, scalar_prefetch = 0 : i64, scratch_operands = 0 : i64, tpu.core_type = #tpu.core_type<tc>, window_params = [{transform_indices = @transform_0, window_bounds = array<i64: 1, 1, 1024>}, {transform_indices = @transform_1, window_bounds = array<i64: 1, 1025, 1024>}, {transform_indices = @transform_2, window_bounds = array<i64: 1024, 1024>}]} {
    %get3A = arith.constant 0 : index
    %get3A_0 = arith.constant 0 : index
    %get3A_1 = arith.constant 0 : index
    %get3A_2 = vector.load %arg2[%get3A, %get3A_0, %get3A_1] : memref<1x1x1024xi32, #tpu.memory_space<vmem>>, vector<1x1x1024xi32>
    %get3A_3 = vector.shape_cast %get3A_2 : vector<1x1x1024xi32> to vector<1x1024xi32>
    %reshape3A = vector.shape_cast %get3A_3 : vector<1x1024xi32> to vector<1024x1xi32>
    %iota3A = tpu.iota {dimensions = array<i32: 1>} : vector<1024x1025xi32>
    %eq3A = vector.broadcast %reshape3A : vector<1024x1xi32> to vector<1024x1025xi32>
    %eq3A_4 = arith.cmpi eq, %eq3A, %iota3A : vector<1024x1025xi32>
    %convert_element_type3A = arith.extui %eq3A_4 : vector<1024x1025xi1> to vector<1024x1025xi32>
    %convert_element_type3A_5 = arith.sitofp %convert_element_type3A : vector<1024x1025xi32> to vector<1024x1025xf32>
    %get3A_6 = arith.constant 0 : index
    %get3A_7 = arith.constant 0 : index
    %get3A_8 = arith.constant 0 : index
    %get3A_9 = vector.load %arg3[%get3A_6, %get3A_7, %get3A_8] : memref<1x1025x1024xf32, #tpu.memory_space<vmem>>, vector<1x1025x1024xf32>
    %get3A_10 = vector.shape_cast %get3A_9 : vector<1x1025x1024xf32> to vector<1025x1024xf32>
    %dot_general3A = arith.constant dense<0.000000e+00> : vector<1024x1024xf32>
    %dot_general3A_11 = tpu.matmul %convert_element_type3A_5, %get3A_10, %dot_general3A {dimension_numbers = #tpu.dot_dimension_numbers<[1], [0], [0], [1], [0, 0, 1, 1], [], []>, transpose_lhs_hint = false} : vector<1024x1025xf32>, vector<1025x1024xf32>, vector<1024x1024xf32> -> vector<1024x1024xf32>
    %eq3A_12 = arith.constant 0 : i32
    %eq3A_13 = arith.cmpi eq, %arg1, %eq3A_12 : i32
    %convert_element_type3A_14 = arith.extui %eq3A_13 : i1 to i32
    %cond3A = arith.constant 0 : i32
    %cond3A_15 = arith.cmpi ne, %convert_element_type3A_14, %cond3A : i32
    scf.if %cond3A_15 {
      %swap3A = arith.constant 0 : index
      %swap3A_20 = arith.constant 0 : index
      %swap3A_21 = vector.load %arg4[%swap3A, %swap3A_20] : memref<1024x1024xf32, #tpu.memory_space<vmem>>, vector<1024x1024xf32>
      tpu.vector_store %arg4[%swap3A, %swap3A_20], %dot_general3A_11 {strides = array<i32>} : memref<1024x1024xf32, #tpu.memory_space<vmem>>, vector<1024x1024xf32>,
    } else {
    }
    %gt3A = arith.constant 0 : i32
    %gt3A_16 = arith.cmpi sgt, %arg1, %gt3A : i32
    %convert_element_type3A_17 = arith.extui %gt3A_16 : i1 to i32
    %cond3A_18 = arith.constant 0 : i32
    %cond3A_19 = arith.cmpi ne, %convert_element_type3A_17, %cond3A_18 : i32
    scf.if %cond3A_19 {
      %get3A_20 = arith.constant 0 : index
      %get3A_21 = arith.constant 0 : index
      %get3A_22 = vector.load %arg4[%get3A_20, %get3A_21] : memref<1024x1024xf32, #tpu.memory_space<vmem>>, vector<1024x1024xf32>
      %add3A = arith.addf %get3A_22, %dot_general3A_11 : vector<1024x1024xf32>
      %swap3A = arith.constant 0 : index
      %swap3A_23 = arith.constant 0 : index
      %swap3A_24 = vector.load %arg4[%swap3A, %swap3A_23] : memref<1024x1024xf32, #tpu.memory_space<vmem>>, vector<1024x1024xf32>
      tpu.vector_store %arg4[%swap3A, %swap3A_23], %add3A {strides = array<i32>} : memref<1024x1024xf32, #tpu.memory_space<vmem>>, vector<1024x1024xf32>,
    } else {
    }
    return
  }
  func.func @transform_0(%arg0: i32, %arg1: i32) -> (i32, i32, i32) {
    %c0_i32 = arith.constant 0 : i32
    %c0_i32_0 = arith.constant 0 : i32
    return %arg1, %c0_i32, %arg0 : i32, i32, i32
  }
  func.func @transform_1(%arg0: i32, %arg1: i32) -> (i32, i32, i32) {
    %c0_i32 = arith.constant 0 : i32
    %c0_i32_0 = arith.constant 0 : i32
    %c0_i32_1 = arith.constant 0 : i32
    return %arg1, %c0_i32, %c0_i32_0 : i32, i32, i32
  }
  func.func @transform_2(%arg0: i32, %arg1: i32) -> (i32, i32) {
    %c0_i32 = arith.constant 0 : i32
    %c0_i32_0 = arith.constant 0 : i32
    return %arg0, %c0_i32 : i32, i32
  }
}

module attributes {stable_mosaic.version = 14 : i64} {
  func.func @_add_body(%arg0: i32, %arg1: memref<512x1024xf32, #tpu.memory_space<vmem>>, %arg2: memref<512x1024xf32, #tpu.memory_space<vmem>>, %arg3: memref<512x1024xf32, #tpu.memory_space<vmem>>) attributes {dimension_semantics = [#tpu.dimension_semantics<arbitrary>], iteration_bounds = array<i64: 16>, scalar_prefetch = 0 : i64, scratch_operands = 0 : i64, tpu.core_type = #tpu.core_type<tc>, window_params = [{transform_indices = @transform_0, window_bounds = array<i64: 512, 1024>}, {transform_indices = @transform_1, window_bounds = array<i64: 512, 1024>}, {transform_indices = @transform_2, window_bounds = array<i64: 512, 1024>}]} {
    %get3A = arith.constant 0 : index
    %get3A_0 = arith.constant 0 : index
    %get3A_1 = vector.load %arg1[%get3A, %get3A_0] : memref<512x1024xf32, #tpu.memory_space<vmem>>, vector<512x1024xf32>
    %get3A_2 = arith.constant 0 : index
    %get3A_3 = arith.constant 0 : index
    %get3A_4 = vector.load %arg2[%get3A_2, %get3A_3] : memref<512x1024xf32, #tpu.memory_space<vmem>>, vector<512x1024xf32>
    %add3A = arith.addf %get3A_1, %get3A_4 : vector<512x1024xf32>
    %swap3A = arith.constant 0 : index
    %swap3A_5 = arith.constant 0 : index
    %swap3A_6 = vector.load %arg3[%swap3A, %swap3A_5] : memref<512x1024xf32, #tpu.memory_space<vmem>>, vector<512x1024xf32>
    tpu.vector_store %arg3[%swap3A, %swap3A_5], %add3A {strides = array<i32>} : memref<512x1024xf32, #tpu.memory_space<vmem>>, vector<512x1024xf32>,
    return
  }
  func.func @transform_0(%arg0: i32) -> (i32, i32) {
    %c0_i32 = arith.constant 0 : i32
    %c0_i32_0 = arith.constant 0 : i32
    return %arg0, %c0_i32 : i32, i32
  }
  func.func @transform_1(%arg0: i32) -> (i32, i32) {
    %c0_i32 = arith.constant 0 : i32
    %c0_i32_0 = arith.constant 0 : i32
    return %arg0, %c0_i32 : i32, i32
  }
  func.func @transform_2(%arg0: i32) -> (i32, i32) {
    %c0_i32 = arith.constant 0 : i32
    %c0_i32_0 = arith.constant 0 : i32
    return %arg0, %c0_i32 : i32, i32
  }
}

</mosaic_0001>

<sc_bundles>
// kernel: kernel.7.cloned.1.call-start
scs
__scs_entry_jumppad:
0x0: {  	(pc) =	sbr.rel $0x88, $3  }
0x1: {  	(tag) =	ssettag $0x0;
	lr =	simm.s32 $0x1  }
0x2: {  	[smem:$0x3F9C] =	sst lr;
	_ =	strace $0xD0000000  }
0x3: {  	_ = 	snop  }
0x4: {  	_ = 	snop  }
0x5: {  	_ = 	snop  }
0x6: {  	_ = 	snop  }
0x7: {  	_ = 	snop  }
__scs_overlays_trampoline_lowered:
0x8: {  	[smem:$0x3FAB] =	sst s0  }
0x9: {  	[smem:$0x3FAC] =	sst s1  }
0xa: {  	[smem:$0x3FAD] =	sst s2  }
0xb: {  	[smem:$0x3FAE] =	sst s3  }
0xc: {  	[smem:$0x3FAF] =	sst s4  }
0xd: {  	[smem:$0x3FB0] =	sst s5  }
0xe: {  	[smem:$0x3FB1] =	sst s6  }
0xf: {  	[smem:$0x3FB2] =	sst s7  }
0x10: {  	[smem:$0x3FB3] =	sst s8  }
0x11: {  	[smem:$0x3FB4] =	sst s9;
	s0 =	simm.s32 @!p0 $0x0  }
0x12: {  	s1 =	sld [smem:$0x3F9A];
	s0 =	simm.s32 @p0 $0x1  }
0x13: {  	[smem:$0x3FB5] =	sst s0;
	s0 =	simm.s32 @!p1 $0x0  }
0x14: {  	s2 =	sld [smem:$0x3F99];
	s0 =	simm.s32 @p1 $0x1  }
0x15: {  	[smem:$0x3FB6] =	sst s0;
	s0 =	simm.s32 @!p2 $0x0  }
0x16: {  	s3 =	sld [smem:$0x3FDB];
	s0 =	simm.s32 @p2 $0x1  }
0x17: {  	s4 =	simm.s32 $0x1BF5;
	[smem:$0x3FB8] =	sst s0  }
0x18: {  	s0 =	sld [smem:$0x3F9B];
	_ =	swait.ge [sflag:s4], $0x0  }
0x19: {  	s7 =	sld [smem:$0x3F9C]  }
0x1a: {  	s8 =	sadd.s32 $0xFFFFE003, lr  }
0x1b: {  	s9 =	sadd.s32 $0xFFFFFEF7, lr;
	s5 =	simm.s32 $0xFFFFFFFF;
	p2 =	slt.u32 s8, $0xFFFFF086  }
0x1c: {  	p1 =	slt.u32 s9, $0xF7A;
	s5 =	simm.s32 @!p2 $0x0  }
0x1d: {  	s5 =	simm.s32 @p1 $0x1;
	p0 =	seq.s32 s7, s2  }
0x1e: {  	s7 =	smul.u32 @!p0 $0xF7A, s2;
	p2 =	seq.s32 @!p0 s5, $0x0  }
0x1f: {  	s9 =	smul.u32 $0xF7A, s1;
	s8 =	simm.s32 @!p0 $0x1BF5;
	p2 =	por !p2, p0  }
0x20: {  	[sflag:s8] =	ssyncset.s32 @!p0 $0xFFFFF086;
	s6 =	sadd.s32 @!p0 s3, s7;
	s7 =	simm.s32 @!p0 $0x108  }
0x21: {  	s3 =	sadd.s32 s3, s9;
	s6 =	sadd.s32 @!p0 $0x88, s6;
	s7 =	simm.s32 @p2 $0x1082  }
0x22: {  	[simem:s7], [sflag:s8] =	dma.local @!p0 [hbm:s6], $0xF7A  }
0x23: {  	s9 =	sor.u32 $0xD0000000, s2;
	s6 =	simm.s32 $0x108;
	_ =	swait.ge @!p0 [sflag:s8], $0x0  }
0x24: {  	s3 =	sadd.s32 $0x88, s3;
	s6 =	simm.s32 @!p1 $0x1082;
	[sflag:s4] =	ssyncset.s32 $0xFFFFF086  }
0x25: {  	[simem:s6], [sflag:s4] =	dma.local [hbm:s3], $0xF7A  }
0x26: {  	[smem:$0x3F9C] =	sst s1;
	(tag) =	ssettag s2;
	_ =	strace s9  }
0x27: {  	s1 =	sld [smem:$0x3FAC]  }
0x28: {  	s2 =	sld [smem:$0x3FAD]  }
0x29: {  	s4 =	sld [smem:$0x3FAF]  }
0x2a: {  	p0 =	seq.s32 s5, $0x0;
	s5 =	sld [smem:$0x3FB0]  }
0x2b: {  	s6 =	sld [smem:$0x3FB1]  }
0x2c: {  	s7 =	sld [smem:$0x3FB2]  }
0x2d: {  	s3 =	simm.s32 $0x108;
	s8 =	sld [smem:$0x3FB3]  }
0x2e: {  	s3 =	simm.s32 @!p0 $0x1082;
	s9 =	sld [smem:$0x3FB4]  }
0x2f: {  	lr =	sadd.s32 s0, s3;
	s0 =	sld [smem:$0x3FAB]  }
0x30: {  	s3 =	sld [smem:$0x3FAE]  }
0x31: {  	[smem:$0x3FB7] =	sst s10  }
0x32: {  	s10 =	sld [smem:$0x3FB5];
	_ =	sdelay $0x3  }
0x33: {  	p0 =	seq.s32 s10, $0x1;
	s10 =	sld [smem:$0x3FB7];
	_ =	sdelay $0x3  }
0x34: {  	[smem:$0x3FB7] =	sst s10  }
0x35: {  	s10 =	sld [smem:$0x3FB6];
	_ =	sdelay $0x3  }
0x36: {  	p1 =	seq.s32 s10, $0x1;
	s10 =	sld [smem:$0x3FB7];
	_ =	sdelay $0x3  }
0x37: {  	[smem:$0x3FB7] =	sst s10  }
0x38: {  	s10 =	sld [smem:$0x3FB8]  }
0x39: {  	_ = 	snop;
	(pc) =	sbr.ind lr, $3  }
0x3a: {  	_ = 	snop  }
0x3b: {  	_ = 	snop  }
0x3c: {  	p2 =	seq.s32 s10, $0x1;
	s10 =	sld [smem:$0x3FB7]  }
0x3d: {  	_ =	shalt  }
0x3e: {  	_ =	shalt  }
0x3f: {  	_ =	shalt  }
0x40: {  	_ =	shalt  }
0x41: {  	_ =	shalt  }
0x42: {  	_ =	shalt  }
0x43: {  	_ =	shalt  }
0x44: {  	_ =	shalt  }
0x45: {  	_ =	shalt  }
0x46: {  	_ =	shalt  }
0x47: {  	_ =	shalt  }
0x48: {  	_ =	shalt  }
0x49: {  	_ =	shalt  }
0x4a: {  	_ =	shalt  }
0x4b: {  	_ =	shalt  }
0x4c: {  	_ =	shalt  }
0x4d: {  	_ =	shalt  }
0x4e: {  	_ =	shalt  }
0x4f: {  	_ =	shalt  }
0x50: {  	_ =	shalt  }
0x51: {  	_ =	shalt  }
0x52: {  	_ =	shalt  }
0x53: {  	_ =	shalt  }
0x54: {  	_ =	shalt  }
0x55: {  	_ =	shalt  }
0x56: {  	_ =	shalt  }
0x57: {  	_ =	shalt  }
0x58: {  	_ =	shalt  }
0x59: {  	_ =	shalt  }
0x5a: {  	_ =	shalt  }
0x5b: {  	_ =	shalt  }
0x5c: {  	_ =	shalt  }
0x5d: {  	_ =	shalt  }
0x5e: {  	_ =	shalt  }
0x5f: {  	_ =	shalt  }
0x60: {  	_ =	shalt  }
0x61: {  	_ =	shalt  }
0x62: {  	_ =	shalt  }
0x63: {  	_ =	shalt  }
0x64: {  	_ =	shalt  }
0x65: {  	_ =	shalt  }
0x66: {  	_ =	shalt  }
0x67: {  	_ =	shalt  }
0x68: {  	_ =	shalt  }
0x69: {  	_ =	shalt  }
0x6a: {  	_ =	shalt  }
0x6b: {  	_ =	shalt  }
0x6c: {  	_ =	shalt  }
0x6d: {  	_ =	shalt  }
0x6e: {  	_ =	shalt  }
0x6f: {  	_ =	shalt  }
0x70: {  	_ =	shalt  }
0x71: {  	_ =	shalt  }
0x72: {  	_ =	shalt  }
0x73: {  	_ =	shalt  }
0x74: {  	_ =	shalt  }
0x75: {  	_ =	shalt  }
0x76: {  	_ =	shalt  }
0x77: {  	_ =	shalt  }
0x78: {  	_ =	shalt  }
0x79: {  	_ =	shalt  }
0x7a: {  	_ =	shalt  }
0x7b: {  	_ =	shalt  }
0x7c: {  	_ =	shalt  }
0x7d: {  	_ =	shalt  }
0x7e: {  	_ =	shalt  }
0x7f: {  	_ =	shalt  }
0x80: {  	_ =	shalt  }
0x81: {  	_ =	shalt  }
0x82: {  	_ =	shalt  }
0x83: {  	_ =	shalt  }
0x84: {  	_ =	shalt  }
0x85: {  	_ =	shalt  }
0x86: {  	_ =	shalt  }
0x87: {  	_ =	shalt  }
.Lfunc_end0:
.L_simem_size_0:
called_computation_lowered:
.L_overlay_start_0:
0x88: {  	s2 =	sld [smem:$0x3FD9]  }
0x89: {  	s3 =	sld [smem:$0x3FFE];
	_ =	sdelay $0x1  }
0x8a: {  	s1 =	srdreg.scid  }
0x8b: {  	s0 =	sand.u32 $0x1, s1  }
0x8c: {  	s16 =	sshll.u32 s0, $0xA;
	s2 =	sadd.s32 s3, s2  }
0x8d: {  	s2 =	sadd.s32 s2, s16  }
0x8e: {  	[smem:$0x3FC3] =	sst s2  }
0x8f: {  	_ = 	snop  }
0x90: {  	(tm) =	ssettm $0x1  }
0x91: {  	s17 =	sld [smem:$0x3FFB];
	_ =	sdelay $0x3  }
0x92: {  	_ =	strace s17  }
0x93: {  	s2 =	sld [smem:$0x3FFC];
	_ =	sdelay $0x3  }
0x94: {  	_ =	strace s2  }
0x95: {  	s2 =	sld [smem:$0x3FFD];
	_ =	sdelay $0x3  }
0x96: {  	_ =	strace s2  }
0x97: {  	_ =	strace $0x8FFFFFFF  }
0x98: {  	s18 =	sld [smem:$0x3FDB];
	_ =	sdelay $0x1  }
0x99: {  	s19 =	simm.s32 $_scs_section_size  }
0x9a: {  	s4 =	simm.s32 $_size__tile_overlayer_lowered;
	s5 =	simm.s32 $_tile_overlayer_lowered  }
0x9b: {  	s22 =	simm.s32 $0x1BFF;
	s21 =	sshll.u32 s5, $0x1;
	s2 =	sadd.s32 s19, s18  }
0x9c: {  	s6 =	simm.s32 $0x0;
	s20 =	sshll.u32 s4, $0x1;
	s4 =	sadd.s32 s21, s2  }
0x9d: {  	[timem:s6], [sflag:s22] =	dma.local [hbm:s4], s20  }
0x9e: {  	_ =	swait.ge [sflag:s22], s20  }
0x9f: {  	s3 =	ssub.s32 $0x0, s20;
	[sflag:s22] =	ssyncset.done $0x0  }
0xa0: {  	[sflag:s22] =	ssyncadd.s32 s3;
	_ =	sdelay $0x1  }
0xa1: {  	s23 =	simm.s32 $0x1B8B  }
0xa2: {  	_ =	swait.ge [sflag:s23], $0x1  }
0xa3: {  	[sflag:s23] =	ssyncset.done $0x0  }
0xa4: {  	s25 =	simm.s32 $0x1B8E;
	s24 =	sld [smem:$0x3FFE];
	[sflag:s23] =	ssyncadd.s32 $0xFFFFFFFF  }
0xa5: {  	s26 =	simm.s32 $execute0_lowered;
	[smem:$0x3FD2] =	sst s25  }
0xa6: {  	s4 =	sshll.u32 s26, $0x1;
	_ =	strace $0x80000046;
	[dreg:$0x1] =	wrdreg $0xFFFFFFFF  }
0xa7: {  	s28 =	simm.s32 $_size_execute0_lowered;
	s2 =	sadd.s32 s2, s4;
	[dreg:$0x0] =	wrdreg $0x0  }
0xa8: {  	s4 =	sshll.u32 s28, $0x1;
	[dreg:$0x2] =	wrdreg s2  }
0xa9: {  	[dreg:$0x3] =	wrdreg s4  }
0xaa: {  	[dreg:$0x4] =	wrdreg $0xC0  }
0xab: {  	_ =	task [dreg:s6], $0x5FFFF  }
0xac: {  	[dreg:$0x1] =	wrdreg $0xFFFFFFFF  }
0xad: {  	[dreg:$0x0] =	wrdreg $0x60  }
0xae: {  	[dreg:$0x2] =	wrdreg s24  }
0xaf: {  	[dreg:$0x3] =	wrdreg $0x9  }
0xb0: {  	_ =	task.clear_ibuf [dreg:s6], $0x4FFFF;
	_ =	strace $0x90000046  }
0xb1: {  	s29 =	simm.s32 $0x9;
	_ =	strace $0x80000048  }
0xb2: {  	_ =	swait.ge [sflag:s29], $0x1  }
0xb3: {  	[sflag:s29] =	ssyncadd.s32 $0xFFFFFFFF  }
0xb4: {  	_ =	strace $0x90000048  }
0xb5: {  	_ =	sfence  }
0xb6: {  	s30 =	sld [smem:$0x0];
	_ =	sdelay $0x2  }
0xb7: {  	s31 =	sshll.u32 s1, $0xD;
	s1 =	sshrl.u32 s1, $0x2  }
0xb8: {  	s3 =	sand.u32 $0x4000, s31;
	s1 =	sadd.s32 s1, s30  }
0xb9: {  	s0 =	sor.u32 s3, s0;
	s1 =	sshll.u32 s1, $0x11  }
0xba: {  	s0 =	sor.u32 s1, s0  }
0xbb: {  	s0 =	sadd.s32 $0x8F2B, s0  }
0xbc: {  	[sflag:s0] =	ssyncadd.remote.s32 $0x1  }
0xbd: {  	_ =	sfence.sel $0xFFFF  }
0xbe: {  	[dreg:$0x0] =	wrdreg $0xFFFFFFFF;
	(pc) =	sbr.abs _section_cstart, $3  }
0xbf: {  	[dreg:$0x1] =	wrdreg $0xFFFFFFFF  }
0xc0: {  	_ =	task.clear_ibuf [dreg:s6], $0x2FFFF;
	_ =	strace $0x9FFFFFFF  }
0xc1: {  	(tm) =	ssettm $0x7FFFFFFF  }
tec
execute0_lowered:
.L_overlay_start_1:
0x0: {  	(tag) =	ssettag $0x1  }
0x1: {  	s0 =	rddreg [dreg:$0x0];
	s1 =	simm.s32 $0x0;
	s3 =	srdreg.scid  }
0x2: {  	s7 =	stileid.u32;
	s28 =	simm.s32 $0x3;
	s29 =	simm.s32 $0xC000  }
0x3: {  	s30 =	simm.s32 $0xC800;
	s31 =	simm.s32 $0xD000;
	[smem:$0x7FF] =	sst s1  }
0x4: {  	s2 =	sadd.s32 $0x800, s0;
	s4 =	sshll.u32 s7, $0x9;
	s7 =	sshrl.u32 s7, $0x2  }
0x5: {  	s6 =	sand.u32 $0x1, s3;
	s3 =	sadd.s32 $0x102800, s0;
	s8 =	smul.u32 $0xE, s7  }
0x6: {  	_ =	strace $0x80000047;
	s5 =	sshll.u32 s6, $0x8;
	s21 =	smul.u32 $0x7000, s7  }
0x7: {  	s6 =	ssub.s32 $0x2, s6;
	s7 =	smul.u32 $0x300, s7;
	s5 =	sor.u32 s5, s4  }
0x8: {  	s4 =	sadd.s32 $0x202C00, s0;
	s10 =	sshrl.u32 s6, $0x1;
	s9 =	sshll.u32 s5, $0x3  }
0x9: {  	s11 =	sadd.s32 $0x6, s8;
	s13 =	sadd.s32 $0x7, s8;
	s6 =	ssub.s32 s6, s10  }
0xa: {  	s7 =	sor.u32 s7, s21;
	s25 =	sadd.s32 $0x9, s8;
	s9 =	sand.u32 $0x3800, s9  }
0xb: {  	s12 =	sshll.u32 s11, $0xB;
	s11 =	sshll.u32 s11, $0x7;
	s20 =	sshll.u32 s13, $0xB  }
0xc: {  	s13 =	sshll.u32 s13, $0x7;
	s7 =	sand.u32 $0x1C300, s7;
	s26 =	sshll.u32 s25, $0xB  }
0xd: {  	s10 =	sshll.u32 s25, $0x7;
	s11 =	sor.u32 s12, s11;
	s12 =	sor.u32 s20, s13  }
0xe: {  	s7 =	sor.u32 s9, s7;
	s10 =	sor.u32 s26, s10;
	s20 =	sadd.s32 $0xB, s8  }
0xf: {  	s11 =	sand.u32 $0x3C300, s11;
	s12 =	sand.u32 $0x3C380, s12;
	s7 =	sadd.s32 $0x4000, s7  }
0x10: {  	s10 =	sand.u32 $0x3C380, s10;
	s21 =	sshll.u32 s20, $0xB;
	s11 =	sor.u32 s9, s11  }
0x11: {  	s23 =	sor.u32 s9, s12;
	s12 =	sadd.s32 $0xA, s8;
	s7 =	sshrl.u32 s7, $0x3  }
0x12: {  	s10 =	sor.u32 s9, s10;
	s22 =	sshrl.u32 s11, $0x3;
	s24 =	sshrl.u32 s23, $0x3  }
0x13: {  	s13 =	sshll.u32 s12, $0xB;
	s11 =	sshll.u32 s12, $0x7;
	s12 =	sadd.s32 s2, s7  }
0x14: {  	s14 =	sshrl.u32 s10, $0x3;
	s10 =	sshll.u32 s20, $0x7;
	s23 =	sadd.s32 $0xC, s8  }
0x15: {  	s8 =	sadd.s32 $0xD, s8;
	s17 =	sadd.s32 s2, s22;
	s18 =	sadd.s32 s2, s24  }
0x16: {  	s11 =	sor.u32 s13, s11;
	s19 =	sadd.s32 s2, s14;
	s22 =	sor.u32 s21, s10  }
0x17: {  	s24 =	sshll.u32 s23, $0xB;
	s10 =	sshll.u32 s23, $0x7;
	s25 =	sshll.u32 s8, $0xB  }
0x18: {  	s8 =	sshll.u32 s8, $0x7;
	s13 =	sadd.s32 $0x102900, s0;
	[dreg:$0x4] =	wrdreg s12  }
0x19: {  	s14 =	sadd.s32 $0x102A00, s0;
	s21 =	sadd.s32 $0x80, s12;
	[dreg:$0x2] =	wrdreg s17  }
0x1a: {  	s15 =	sand.u32 $0x3C300, s11;
	s10 =	sor.u32 s24, s10;
	[dreg:$0x3] =	wrdreg s18  }
0x1b: {  	s8 =	sor.u32 s25, s8;
	s11 =	smax.u32 s6, $0x1;
	[dreg:$0xd] =	wrdreg s21  }
0x1c: {  	s17 =	sadd.s32 $0x80, s17;
	s18 =	sadd.s32 $0x80, s18;
	[dreg:$0x5] =	wrdreg s19  }
0x1d: {  	s6 =	simm.s32 $0xF800;
	s16 =	sor.u32 s9, s15;
	[dreg:$0xa] =	wrdreg s11  }
0x1e: {  	s10 =	sand.u32 $0x3C300, s10;
	s8 =	sand.u32 $0x3C380, s8;
	[dreg:$0xb] =	wrdreg s17  }
0x1f: {  	s15 =	sadd.s32 $0x102B00, s0;
	[dreg:$0xc] =	wrdreg s18;
	s0 =	simm.s32 $0xD800  }
0x20: {  	s17 =	simm.s32 $0x10000;
	s18 =	simm.s32 $0x1;
	s7 =	sshrl.u32 s16, $0x3  }
0x21: {  	s10 =	sor.u32 s9, s10;
	s8 =	sor.u32 s9, s8;
	s16 =	sshrl.u32 s5, $0x3  }
0x22: {  	s20 =	sadd.s32 s2, s7;
	s7 =	sand.u32 $0x3C380, s22;
	s22 =	sadd.s32 $0x80, s19  }
0x23: {  	s5 =	simm.s32 $0xF000;
	s10 =	sshrl.u32 s10, $0x3;
	[dreg:$0xe] =	wrdreg s22  }
0x24: {  	s8 =	sshrl.u32 s8, $0x3;
	[dreg:$0x6] =	wrdreg s20;
	s23 =	sadd.s32 $0x80, s20  }
0x25: {  	s7 =	sor.u32 s9, s7;
	s10 =	sadd.s32 s2, s10;
	[dreg:$0xf] =	wrdreg s23  }
0x26: {  	s7 =	sshrl.u32 s7, $0x3;
	[dreg:$0x8] =	wrdreg s10;
	s25 =	sadd.s32 $0x80, s10  }
.Ltmp0:
0x27: {  	s26 =	sadd.s32 s2, s7;
	[dreg:$0x11] =	wrdreg s25;
	(pc) =	sbr.rel .LBB2_1-.Ltmp0, $4  }
0x28: {  	s19 =	simm.s32 $0x2;
	s2 =	sadd.s32 s2, s8;
	[dreg:$0x7] =	wrdreg s26  }
0x29: {  	v0 =	vlaneseq.u32;
	s20 =	simm.s32 $0x10800;
	s24 =	sadd.s32 $0x80, s26;
	[dreg:$0x9] =	wrdreg s2  }
0x2a: {  	v1 =	vshrl.u32 v0, $0x3;
	s8 =	simm.s32 $0x0;
	s26 =	sadd.s32 $0x80, s2;
	[dreg:$0x10] =	wrdreg s24  }
0x2b: {  	vm0 =	vmmov $0xffff;
	v0 =	vand.u32 $0x7, v0;
	v1 =	vmul.u32 $0x8, v1;
	s2 =	simm.s32 $0xE000;
	[dreg:$0x12] =	wrdreg s26;
	s26 =	simm.s32 $0xE800  }
.LBB2_51:
0x2c: {  	_ =	swait.ge [sflag:s28], $0x2000  }
0x2d: {  	s8 =	rddreg [dreg:$0x13]  }
0x2e: {  	s7 =	rddreg [dreg:$0xa];
	s8 =	sadd.s32 $0x1, s8  }
0x2f: {  	p0 =	sne.s32 s8, s7  }
.Ltmp1:
0x30: {  	_ = 	snop;
	(pc) =	sbr.rel @!p0 .LBB2_52-.Ltmp1, $3  }
0x31: {  	_ =	sdelay $0x1  }
0x32: {  	[sflag:s28] =	ssyncset.done $0x0  }
0x33: {  	[sflag:s28] =	ssyncadd.s32 $0xFFFFE000  }
.LBB2_1:
0x34: {  	[dreg:$0x13] =	wrdreg s8  }
0x35: {  	s7 =	rddreg [dreg:$0x2]  }
0x36: {  	[tilespmem:s1], [sflag:$0x3] =	stream.linear.gather [hbm4b:s7+s1], $0x80, $0x38;
	[tilespmem:$0x12800] =	vst v63  }
0x37: {  	s24 =	rddreg [dreg:$0xb];
	s25 =	simm.s32 $0x400  }
0x38: {  	[tilespmem:s25], [sflag:$0x3] =	stream.linear.gather [hbm4b:s24+s1], $0x80, $0x38;
	[tilespmem:$0x12800] =	vst v63  }
0x39: {  	s8 =	rddreg [dreg:$0x3];
	s9 =	simm.s32 $0x80  }
0x3a: {  	[tilespmem:s9], [sflag:$0x3] =	stream.linear.gather [hbm4b:s8+s1], $0x80, $0x38;
	[tilespmem:$0x12800] =	vst v63  }
0x3b: {  	s10 =	rddreg [dreg:$0xc];
	s11 =	simm.s32 $0x480  }
0x3c: {  	[tilespmem:s11], [sflag:$0x3] =	stream.linear.gather [hbm4b:s10+s1], $0x80, $0x38;
	[tilespmem:$0x12800] =	vst v63  }
0x3d: {  	s12 =	rddreg [dreg:$0x4];
	s21 =	simm.s32 $0x100  }
0x3e: {  	[tilespmem:s21], [sflag:$0x3] =	stream.linear.gather [hbm4b:s12+s1], $0x80, $0x38;
	[tilespmem:$0x12800] =	vst v63  }
0x3f: {  	s22 =	rddreg [dreg:$0xd];
	s23 =	simm.s32 $0x500  }
0x40: {  	[tilespmem:s23], [sflag:$0x3] =	stream.linear.gather [hbm4b:s22+s1], $0x80, $0x38;
	[tilespmem:$0x12800] =	vst v63  }
0x41: {  	s24 =	rddreg [dreg:$0x5];
	s25 =	simm.s32 $0x180  }
0x42: {  	[tilespmem:s25], [sflag:$0x3] =	stream.linear.gather [hbm4b:s24+s1], $0x80, $0x38;
	[tilespmem:$0x12800] =	vst v63  }
0x43: {  	s8 =	rddreg [dreg:$0xe];
	s9 =	simm.s32 $0x580  }
0x44: {  	[tilespmem:s9], [sflag:$0x3] =	stream.linear.gather [hbm4b:s8+s1], $0x80, $0x38;
	[tilespmem:$0x12800] =	vst v63  }
0x45: {  	s10 =	rddreg [dreg:$0x6];
	s11 =	simm.s32 $0x200  }
0x46: {  	[tilespmem:s11], [sflag:$0x3] =	stream.linear.gather [hbm4b:s10+s1], $0x80, $0x38;
	[tilespmem:$0x12800] =	vst v63  }
0x47: {  	s12 =	rddreg [dreg:$0xf];
	s21 =	simm.s32 $0x600  }
0x48: {  	[tilespmem:s21], [sflag:$0x3] =	stream.linear.gather [hbm4b:s12+s1], $0x80, $0x38;
	[tilespmem:$0x12800] =	vst v63  }
0x49: {  	s22 =	rddreg [dreg:$0x7];
	s23 =	simm.s32 $0x280  }
0x4a: {  	[tilespmem:s23], [sflag:$0x3] =	stream.linear.gather [hbm4b:s22+s1], $0x80, $0x38;
	[tilespmem:$0x12800] =	vst v63  }
0x4b: {  	s24 =	rddreg [dreg:$0x10];
	s25 =	simm.s32 $0x680  }
0x4c: {  	[tilespmem:s25], [sflag:$0x3] =	stream.linear.gather [hbm4b:s24+s1], $0x80, $0x38;
	[tilespmem:$0x12800] =	vst v63  }
0x4d: {  	s8 =	rddreg [dreg:$0x8];
	s9 =	simm.s32 $0x300  }
0x4e: {  	[tilespmem:s9], [sflag:$0x3] =	stream.linear.gather [hbm4b:s8+s1], $0x80, $0x38;
	[tilespmem:$0x12800] =	vst v63  }
0x4f: {  	s10 =	rddreg [dreg:$0x11];
	s11 =	simm.s32 $0x700  }
0x50: {  	[tilespmem:s11], [sflag:$0x3] =	stream.linear.gather [hbm4b:s10+s1], $0x80, $0x38;
	[tilespmem:$0x12800] =	vst v63  }
0x51: {  	s12 =	rddreg [dreg:$0x9];
	s21 =	simm.s32 $0x380  }
0x52: {  	[tilespmem:s21], [sflag:$0x3] =	stream.linear.gather [hbm4b:s12+s1], $0x80, $0x38;
	[tilespmem:$0x12800] =	vst v63  }
0x53: {  	s22 =	rddreg [dreg:$0x12];
	s23 =	simm.s32 $0x780  }
0x54: {  	[tilespmem:s23], [sflag:$0x3] =	stream.linear.gather [hbm4b:s22+s1], $0x80, $0x38;
	[tilespmem:$0x12800] =	vst v63  }
0x55: {  	_ =	swait.ge [sflag:s28], $0x100  }
0x56: {  	[sflag:s28] =	ssyncset.done $0x0  }
0x57: {  	[sflag:s28] =	ssyncadd.s32 $0xFFFFFF00  }
0x58: {  	_ =	swait.ge [sflag:s28], $0x100  }
0x59: {  	[sflag:s28] =	ssyncset.done $0x0  }
0x5a: {  	[sflag:s28] =	ssyncadd.s32 $0xFFFFFF00  }
0x5b: {  	_ =	swait.ge [sflag:s28], $0x100  }
0x5c: {  	[sflag:s28] =	ssyncset.done $0x0  }
0x5d: {  	[sflag:s28] =	ssyncadd.s32 $0xFFFFFF00  }
0x5e: {  	_ =	swait.ge [sflag:s28], $0x100  }
0x5f: {  	[sflag:s28] =	ssyncset.done $0x0  }
0x60: {  	[sflag:s28] =	ssyncadd.s32 $0xFFFFFF00  }
0x61: {  	_ =	swait.ge [sflag:s28], $0x100  }
0x62: {  	[sflag:s28] =	ssyncset.done $0x0  }
0x63: {  	[sflag:s28] =	ssyncadd.s32 $0xFFFFFF00  }
0x64: {  	_ =	swait.ge [sflag:s28], $0x100  }
0x65: {  	[sflag:s28] =	ssyncset.done $0x0  }
0x66: {  	[sflag:s28] =	ssyncadd.s32 $0xFFFFFF00  }
0x67: {  	_ =	swait.ge [sflag:s28], $0x100  }
0x68: {  	[sflag:s28] =	ssyncset.done $0x0  }
0x69: {  	[sflag:s28] =	ssyncadd.s32 $0xFFFFFF00  }
0x6a: {  	_ =	swait.ge [sflag:s28], $0x100  }
0x6b: {  	s24 =	sand.u32 $0x70, s1;
	s25 =	sand.u32 $0x400, s1;
	[sflag:s28] =	ssyncset.done $0x0  }
0x6c: {  	s7 =	sor.u32 s24, s25;
	[sflag:s28] =	ssyncadd.s32 $0xFFFFFF00  }
0x6d: {  	v2 =	vld [tilespmem:s7+$0x80];
	_ =	sdelay $0x3  }
0x6e: {  	s9 =	simm.s32 $0x10;
	s8 =	simm.s32 $0x80  }
0x6f: {  	s10 =	sand.u32 $0x70, s9;
	s11 =	sand.u32 $0x400, s8;
	s9 =	simm.s32 $0x20;
	v2 =	vadd.s32 $0x401, v2  }
.LBB2_2:
0x70: {  	p0 =	sne.s32 s9, $0xF0;
	[tilespmem:s7+$0x80] =	vst v2;
	s7 =	sor.u32 s10, s11  }
0x71: {  	v2 =	vld [tilespmem:s7+$0x80]  }
.Ltmp2:
0x72: {  	(pc) =	sbr.rel @p0 .LBB2_2-.Ltmp2, $3  }
0x73: {  	_ =	sdelay $0x1  }
0x74: {  	s8 =	sadd.s32 $0x80, s8  }
0x75: {  	s10 =	sand.u32 $0x70, s9;
	s9 =	sadd.s32 $0x10, s9;
	s11 =	sand.u32 $0x400, s8;
	v2 =	vadd.s32 $0x401, v2  }
0x76: {  	s9 =	sor.u32 s10, s11;
	[tilespmem:s7+$0x80] =	vst v2  }
0x77: {  	v2 =	vld [tilespmem:s9+$0x80];
	_ =	sdelay $0x3  }
0x78: {  	s8 =	simm.s32 $0x0  }
0x79: {  	s7 =	sand.u32 $0x70, s8;
	s8 =	sand.u32 $0x400, s8;
	v2 =	vadd.s32 $0x401, v2  }
0x7a: {  	s10 =	sor.u32 s7, s8;
	[tilespmem:s9+$0x80] =	vst v2  }
0x7b: {  	v2 =	vld [tilespmem:s10+$0x100];
	_ =	sdelay $0x3  }
0x7c: {  	s21 =	simm.s32 $0x80;
	s9 =	simm.s32 $0x10  }
0x7d: {  	s11 =	simm.s32 $0x20;
	s23 =	sand.u32 $0x400, s21;
	s22 =	sand.u32 $0x70, s9;
	v2 =	vadd.s32 $0x802, v2  }
.LBB2_4:
0x7e: {  	p0 =	sne.s32 s11, $0xF0;
	[tilespmem:s10+$0x100] =	vst v2;
	s10 =	sor.u32 s22, s23  }
0x7f: {  	v2 =	vld [tilespmem:s10+$0x100]  }
.Ltmp3:
0x80: {  	(pc) =	sbr.rel @p0 .LBB2_4-.Ltmp3, $3  }
0x81: {  	_ =	sdelay $0x1  }
0x82: {  	s21 =	sadd.s32 $0x80, s21  }
0x83: {  	s22 =	sand.u32 $0x70, s11;
	s11 =	sadd.s32 $0x10, s11;
	s23 =	sand.u32 $0x400, s21;
	v2 =	vadd.s32 $0x802, v2  }
0x84: {  	s11 =	sor.u32 s22, s23;
	[tilespmem:s10+$0x100] =	vst v2  }
0x85: {  	v2 =	vld [tilespmem:s11+$0x100];
	_ =	sdelay $0x4  }
0x86: {  	v2 =	vadd.s32 $0x802, v2  }
0x87: {  	s7 =	sor.u32 s7, s8;
	[tilespmem:s11+$0x100] =	vst v2  }
0x88: {  	v2 =	vld [tilespmem:s7+$0x180];
	_ =	sdelay $0x3  }
0x89: {  	s8 =	simm.s32 $0x80  }
0x8a: {  	s10 =	sand.u32 $0x70, s9;
	s9 =	simm.s32 $0x20;
	s11 =	sand.u32 $0x400, s8;
	v2 =	vadd.s32 $0xC03, v2  }
.LBB2_6:
0x8b: {  	p0 =	sne.s32 s9, $0xF0;
	[tilespmem:s7+$0x180] =	vst v2;
	s7 =	sor.u32 s10, s11  }
0x8c: {  	v2 =	vld [tilespmem:s7+$0x180]  }
.Ltmp4:
0x8d: {  	(pc) =	sbr.rel @p0 .LBB2_6-.Ltmp4, $3  }
0x8e: {  	_ =	sdelay $0x1  }
0x8f: {  	s8 =	sadd.s32 $0x80, s8  }
0x90: {  	s10 =	sand.u32 $0x70, s9;
	s9 =	sadd.s32 $0x10, s9;
	s11 =	sand.u32 $0x400, s8;
	v2 =	vadd.s32 $0xC03, v2  }
0x91: {  	s9 =	sor.u32 s10, s11;
	[tilespmem:s7+$0x180] =	vst v2  }
0x92: {  	v2 =	vld [tilespmem:s9+$0x180];
	_ =	sdelay $0x3  }
0x93: {  	s8 =	simm.s32 $0x0  }
0x94: {  	s7 =	sand.u32 $0x70, s8;
	s8 =	sand.u32 $0x400, s8;
	v2 =	vadd.s32 $0xC03, v2  }
0x95: {  	s10 =	sor.u32 s7, s8;
	[tilespmem:s9+$0x180] =	vst v2  }
0x96: {  	v2 =	vld [tilespmem:s10+$0x200];
	_ =	sdelay $0x3  }
0x97: {  	s21 =	simm.s32 $0x80;
	s9 =	simm.s32 $0x10  }
0x98: {  	s11 =	simm.s32 $0x20;
	s23 =	sand.u32 $0x400, s21;
	s22 =	sand.u32 $0x70, s9;
	v2 =	vadd.s32 $0x1004, v2  }
.LBB2_8:
0x99: {  	p0 =	sne.s32 s11, $0xF0;
	[tilespmem:s10+$0x200] =	vst v2;
	s10 =	sor.u32 s22, s23  }
0x9a: {  	v2 =	vld [tilespmem:s10+$0x200]  }
.Ltmp5:
0x9b: {  	(pc) =	sbr.rel @p0 .LBB2_8-.Ltmp5, $3  }
0x9c: {  	_ =	sdelay $0x1  }
0x9d: {  	s21 =	sadd.s32 $0x80, s21  }
0x9e: {  	s22 =	sand.u32 $0x70, s11;
	s11 =	sadd.s32 $0x10, s11;
	s23 =	sand.u32 $0x400, s21;
	v2 =	vadd.s32 $0x1004, v2  }
0x9f: {  	s11 =	sor.u32 s22, s23;
	[tilespmem:s10+$0x200] =	vst v2  }
0xa0: {  	v2 =	vld [tilespmem:s11+$0x200];
	_ =	sdelay $0x4  }
0xa1: {  	v2 =	vadd.s32 $0x1004, v2  }
0xa2: {  	s7 =	sor.u32 s7, s8;
	[tilespmem:s11+$0x200] =	vst v2  }
0xa3: {  	v2 =	vld [tilespmem:s7+$0x280];
	_ =	sdelay $0x3  }
0xa4: {  	s8 =	simm.s32 $0x80  }
0xa5: {  	s10 =	sand.u32 $0x70, s9;
	s9 =	simm.s32 $0x20;
	s11 =	sand.u32 $0x400, s8;
	v2 =	vadd.s32 $0x1405, v2  }
.LBB2_10:
0xa6: {  	p0 =	sne.s32 s9, $0xF0;
	[tilespmem:s7+$0x280] =	vst v2;
	s7 =	sor.u32 s10, s11  }
0xa7: {  	v2 =	vld [tilespmem:s7+$0x280]  }
.Ltmp6:
0xa8: {  	(pc) =	sbr.rel @p0 .LBB2_10-.Ltmp6, $3  }
0xa9: {  	_ =	sdelay $0x1  }
0xaa: {  	s8 =	sadd.s32 $0x80, s8  }
0xab: {  	s10 =	sand.u32 $0x70, s9;
	s9 =	sadd.s32 $0x10, s9;
	s11 =	sand.u32 $0x400, s8;
	v2 =	vadd.s32 $0x1405, v2  }
0xac: {  	s8 =	sor.u32 s10, s11;
	[tilespmem:s7+$0x280] =	vst v2  }
0xad: {  	v2 =	vld [tilespmem:s8+$0x280];
	_ =	sdelay $0x3  }
0xae: {  	s24 =	simm.s32 $0x0  }
0xaf: {  	s9 =	sand.u32 $0x70, s24;
	s7 =	sand.u32 $0x400, s24;
	v2 =	vadd.s32 $0x1405, v2  }
0xb0: {  	s7 =	sor.u32 s9, s7;
	[tilespmem:s8+$0x280] =	vst v2  }
0xb1: {  	v2 =	vld [tilespmem:s7+$0x300];
	_ =	sdelay $0x3  }
0xb2: {  	s25 =	simm.s32 $0x10;
	s8 =	simm.s32 $0x80  }
0xb3: {  	s10 =	sand.u32 $0x70, s25;
	s9 =	simm.s32 $0x20;
	s11 =	sand.u32 $0x400, s8;
	v2 =	vadd.s32 $0x1806, v2  }
.LBB2_12:
0xb4: {  	p0 =	sne.s32 s9, $0xF0;
	[tilespmem:s7+$0x300] =	vst v2;
	s7 =	sor.u32 s10, s11  }
0xb5: {  	v2 =	vld [tilespmem:s7+$0x300]  }
.Ltmp7:
0xb6: {  	(pc) =	sbr.rel @p0 .LBB2_12-.Ltmp7, $3  }
0xb7: {  	_ =	sdelay $0x1  }
0xb8: {  	s8 =	sadd.s32 $0x80, s8  }
0xb9: {  	s10 =	sand.u32 $0x70, s9;
	s9 =	sadd.s32 $0x10, s9;
	s11 =	sand.u32 $0x400, s8;
	v2 =	vadd.s32 $0x1806, v2  }
0xba: {  	s8 =	sor.u32 s10, s11;
	[tilespmem:s7+$0x300] =	vst v2  }
0xbb: {  	v2 =	vld [tilespmem:s8+$0x300];
	_ =	sdelay $0x4  }
0xbc: {  	v2 =	vadd.s32 $0x1806, v2  }
0xbd: {  	[tilespmem:s8+$0x300] =	vst v2  }
0xbe: {  	v2 =	vld [tilespmem:$0x380]  }
0xbf: {  	v3 =	vld [tilespmem:$0x390]  }
0xc0: {  	v4 =	vld [tilespmem:$0x3A0]  }
0xc1: {  	v5 =	vld [tilespmem:$0x3B0]  }
0xc2: {  	v6 =	vld [tilespmem:$0x3C0]  }
0xc3: {  	v7 =	vld [tilespmem:$0x3D0]  }
0xc4: {  	v8 =	vld [tilespmem:$0x3E0];
	v2 =	vadd.s32 $0x1C07, v2  }
0xc5: {  	v56 =	vld.msk [tilespmem:$0x0], $0xff;
	[tilespmem:$0x380] =	vst v2;
	v2 =	vadd.s32 $0x1C07, v3  }
0xc6: {  	v3 =	vld [tilespmem:$0x3F0];
	[tilespmem:$0x390] =	vst v2;
	v2 =	vadd.s32 $0x1C07, v4  }
0xc7: {  	v57 =	vld [tilespmem:$0x780];
	[tilespmem:$0x3A0] =	vst v2;
	v2 =	vadd.s32 $0x1C07, v5  }
0xc8: {  	v58 =	vld [tilespmem:$0x790];
	[tilespmem:$0x3B0] =	vst v2;
	v2 =	vadd.s32 $0x1C07, v6  }
0xc9: {  	v59 =	vld [tilespmem:$0x7A0];
	[tilespmem:$0x3C0] =	vst v2;
	v2 =	vadd.s32 $0x1C07, v7  }
0xca: {  	v60 =	vld [tilespmem:$0x7B0];
	[tilespmem:$0x3D0] =	vst v2;
	v2 =	vadd.s32 $0x1C07, v8  }
0xcb: {  	v9 =	vshll.u32 v56, $0x3;
	[tilespmem:$0x3E0] =	vst v2;
	v2 =	vadd.s32 $0x1C07, v3;
	v3 =	vld [tilespmem:$0x7C0]  }
0xcc: {  	v61 =	vld [tilespmem:$0x7D0];
	v9 =	vand.u32 $0xFFFFFFC0, v9;
	v4 =	vand.u32 $0x7, v56;
	[tilespmem:$0x3F0] =	vst v2;
	v2 =	vadd.s32 $0x1C07, v57  }
0xcd: {  	v62 =	vld [tilespmem:$0x7E0];
	v4 =	vor.u32 v4, v9;
	[tilespmem:$0x780] =	vst v2;
	v2 =	vadd.s32 $0x1C07, v58  }
0xce: {  	v63 =	vld [tilespmem:$0x7F0];
	v4 =	vperm.xlane v4, v0;
	[tilespmem:$0x790] =	vst v2;
	v2 =	vadd.s32 $0x1C07, v59  }
0xcf: {  	[tilespmem:$0x7A0] =	vst v2;
	v2 =	vadd.s32 $0x1C07, v60  }
0xd0: {  	[tilespmem:$0x7B0] =	vst v2;
	v2 =	vadd.s32 $0x1C07, v3;
	v3 =	vadd.s32 v1, v4  }
0xd1: {  	[tilespmem:$0x7C0] =	vst v2;
	v2 =	vadd.s32 $0x1C07, v61  }
0xd2: {  	[tilespmem:$0x7D0] =	vst v2;
	v2 =	vadd.s32 $0x1C07, v62  }
0xd3: {  	[tilespmem:$0x7E0] =	vst v2;
	v2 =	vadd.s32 $0x1C07, v63  }
0xd4: {  	s21 =	simm.s32 $0x0;
	s12 =	simm.s32 $0x800;
	[tilespmem:$0x7F0] =	vst v2  }
0xd5: {  	[tilespmem:s12], [sflag:$0x1] =	stream.indirect_vreg.gather [hbm4b:s3+s21], $0x80, v3, vm0, $0xb8;
	[tilespmem:$0x12800] =	vst v63  }
0xd6: {  	s22 =	simm.s32 $0x1000  }
0xd7: {  	[tilespmem:s22], [sflag:$0x1] =	stream.indirect_vreg.gather [hbm4b:s13+s21], $0x80, v3, vm0, $0xb8;
	[tilespmem:$0x12800] =	vst v63  }
0xd8: {  	s23 =	simm.s32 $0x1800  }
0xd9: {  	[tilespmem:s23], [sflag:$0x1] =	stream.indirect_vreg.gather [hbm4b:s14+s21], $0x80, v3, vm0, $0xb8;
	[tilespmem:$0x12800] =	vst v63  }
0xda: {  	s24 =	simm.s32 $0x2000  }
0xdb: {  	[tilespmem:s24], [sflag:$0x1] =	stream.indirect_vreg.gather [hbm4b:s15+s21], $0x80, v3, vm0, $0xb8;
	[tilespmem:$0x12800] =	vst v63  }
0xdc: {  	v2 =	vld.msk [tilespmem:$0x80], $0xff;
	_ =	sdelay $0x4  }
0xdd: {  	v3 =	vshll.u32 v2, $0x3  }
0xde: {  	v2 =	vand.u32 $0x7, v2;
	v3 =	vand.u32 $0xFFFFFFC0, v3  }
0xdf: {  	v2 =	vor.u32 v2, v3  }
0xe0: {  	v2 =	vperm.xlane v2, v0;
	_ =	sdelay $0x1  }
0xe1: {  	v2 =	vadd.s32 v1, v2;
	_ =	sdelay $0x3  }
0xe2: {  	s25 =	simm.s32 $0x2800  }
0xe3: {  	[tilespmem:s25], [sflag:$0x1] =	stream.indirect_vreg.gather [hbm4b:s3+s21], $0x80, v2, vm0, $0xb8;
	[tilespmem:$0x12800] =	vst v63  }
0xe4: {  	s8 =	simm.s32 $0x3000  }
0xe5: {  	[tilespmem:s8], [sflag:$0x1] =	stream.indirect_vreg.gather [hbm4b:s13+s21], $0x80, v2, vm0, $0xb8;
	[tilespmem:$0x12800] =	vst v63  }
0xe6: {  	s9 =	simm.s32 $0x3800  }
0xe7: {  	[tilespmem:s9], [sflag:$0x1] =	stream.indirect_vreg.gather [hbm4b:s14+s21], $0x80, v2, vm0, $0xb8;
	[tilespmem:$0x12800] =	vst v63  }
0xe8: {  	s10 =	simm.s32 $0x4000  }
0xe9: {  	[tilespmem:s10], [sflag:$0x1] =	stream.indirect_vreg.gather [hbm4b:s15+s21], $0x80, v2, vm0, $0xb8;
	[tilespmem:$0x12800] =	vst v63  }
0xea: {  	v2 =	vld.msk [tilespmem:$0x100], $0xff;
	_ =	sdelay $0x4  }
0xeb: {  	v3 =	vshll.u32 v2, $0x3  }
0xec: {  	v2 =	vand.u32 $0x7, v2;
	v3 =	vand.u32 $0xFFFFFFC0, v3  }
0xed: {  	v2 =	vor.u32 v2, v3  }
0xee: {  	v2 =	vperm.xlane v2, v0;
	_ =	sdelay $0x1  }
0xef: {  	v2 =	vadd.s32 v1, v2;
	_ =	sdelay $0x3  }
0xf0: {  	s11 =	simm.s32 $0x4800  }
0xf1: {  	[tilespmem:s11], [sflag:$0x1] =	stream.indirect_vreg.gather [hbm4b:s3+s21], $0x80, v2, vm0, $0xb8;
	[tilespmem:$0x12800] =	vst v63  }
0xf2: {  	s12 =	simm.s32 $0x5000  }
0xf3: {  	[tilespmem:s12], [sflag:$0x1] =	stream.indirect_vreg.gather [hbm4b:s13+s21], $0x80, v2, vm0, $0xb8;
	[tilespmem:$0x12800] =	vst v63  }
0xf4: {  	s22 =	simm.s32 $0x5800  }
0xf5: {  	[tilespmem:s22], [sflag:$0x1] =	stream.indirect_vreg.gather [hbm4b:s14+s21], $0x80, v2, vm0, $0xb8;
	[tilespmem:$0x12800] =	vst v63  }
0xf6: {  	s23 =	simm.s32 $0x6000  }
0xf7: {  	[tilespmem:s23], [sflag:$0x1] =	stream.indirect_vreg.gather [hbm4b:s15+s21], $0x80, v2, vm0, $0xb8;
	[tilespmem:$0x12800] =	vst v63  }
0xf8: {  	v2 =	vld.msk [tilespmem:$0x180], $0xff;
	_ =	sdelay $0x4  }
0xf9: {  	v3 =	vshll.u32 v2, $0x3  }
0xfa: {  	v2 =	vand.u32 $0x7, v2;
	v3 =	vand.u32 $0xFFFFFFC0, v3  }
0xfb: {  	v2 =	vor.u32 v2, v3  }
0xfc: {  	v2 =	vperm.xlane v2, v0;
	_ =	sdelay $0x1  }
0xfd: {  	v2 =	vadd.s32 v1, v2;
	_ =	sdelay $0x3  }
0xfe: {  	s24 =	simm.s32 $0x6800  }
0xff: {  	[tilespmem:s24], [sflag:$0x1] =	stream.indirect_vreg.gather [hbm4b:s3+s21], $0x80, v2, vm0, $0xb8;
	[tilespmem:$0x12800] =	vst v63  }
0x100: {  	s25 =	simm.s32 $0x7000  }
0x101: {  	[tilespmem:s25], [sflag:$0x1] =	stream.indirect_vreg.gather [hbm4b:s13+s21], $0x80, v2, vm0, $0xb8;
	[tilespmem:$0x12800] =	vst v63  }
0x102: {  	s8 =	simm.s32 $0x7800  }
0x103: {  	[tilespmem:s8], [sflag:$0x1] =	stream.indirect_vreg.gather [hbm4b:s14+s21], $0x80, v2, vm0, $0xb8;
	[tilespmem:$0x12800] =	vst v63  }
0x104: {  	s9 =	simm.s32 $0x8000  }
0x105: {  	[tilespmem:s9], [sflag:$0x1] =	stream.indirect_vreg.gather [hbm4b:s15+s21], $0x80, v2, vm0, $0xb8;
	[tilespmem:$0x12800] =	vst v63  }
0x106: {  	v2 =	vld.msk [tilespmem:$0x200], $0xff;
	_ =	sdelay $0x4  }
0x107: {  	v3 =	vshll.u32 v2, $0x3  }
0x108: {  	v2 =	vand.u32 $0x7, v2;
	v3 =	vand.u32 $0xFFFFFFC0, v3  }
0x109: {  	v2 =	vor.u32 v2, v3  }
0x10a: {  	v2 =	vperm.xlane v2, v0;
	_ =	sdelay $0x1  }
0x10b: {  	v2 =	vadd.s32 v1, v2;
	_ =	sdelay $0x3  }
0x10c: {  	s10 =	simm.s32 $0x8800  }
0x10d: {  	[tilespmem:s10], [sflag:$0x2] =	stream.indirect_vreg.gather [hbm4b:s3+s21], $0x80, v2, vm0, $0xb8;
	[tilespmem:$0x12800] =	vst v63  }
0x10e: {  	s11 =	simm.s32 $0x9000  }
0x10f: {  	[tilespmem:s11], [sflag:$0x2] =	stream.indirect_vreg.gather [hbm4b:s13+s21], $0x80, v2, vm0, $0xb8;
	[tilespmem:$0x12800] =	vst v63  }
0x110: {  	s12 =	simm.s32 $0x9800  }
0x111: {  	[tilespmem:s12], [sflag:$0x2] =	stream.indirect_vreg.gather [hbm4b:s14+s21], $0x80, v2, vm0, $0xb8;
	[tilespmem:$0x12800] =	vst v63  }
0x112: {  	s22 =	simm.s32 $0xA000  }
0x113: {  	[tilespmem:s22], [sflag:$0x2] =	stream.indirect_vreg.gather [hbm4b:s15+s21], $0x80, v2, vm0, $0xb8;
	[tilespmem:$0x12800] =	vst v63  }
0x114: {  	v2 =	vld.msk [tilespmem:$0x280], $0xff;
	_ =	sdelay $0x4  }
0x115: {  	v3 =	vshll.u32 v2, $0x3  }
0x116: {  	v2 =	vand.u32 $0x7, v2;
	v3 =	vand.u32 $0xFFFFFFC0, v3  }
0x117: {  	v2 =	vor.u32 v2, v3  }
0x118: {  	v2 =	vperm.xlane v2, v0;
	_ =	sdelay $0x1  }
0x119: {  	v2 =	vadd.s32 v1, v2;
	_ =	sdelay $0x3  }
0x11a: {  	s23 =	simm.s32 $0xA800  }
0x11b: {  	[tilespmem:s23], [sflag:$0x2] =	stream.indirect_vreg.gather [hbm4b:s3+s21], $0x80, v2, vm0, $0xb8;
	[tilespmem:$0x12800] =	vst v63  }
0x11c: {  	s24 =	simm.s32 $0xB000  }
0x11d: {  	[tilespmem:s24], [sflag:$0x2] =	stream.indirect_vreg.gather [hbm4b:s13+s21], $0x80, v2, vm0, $0xb8;
	[tilespmem:$0x12800] =	vst v63  }
0x11e: {  	s25 =	simm.s32 $0xB800  }
0x11f: {  	[tilespmem:s25], [sflag:$0x2] =	stream.indirect_vreg.gather [hbm4b:s14+s21], $0x80, v2, vm0, $0xb8;
	[tilespmem:$0x12800] =	vst v63  }
0x120: {  	_ = 	snop  }
0x121: {  	[tilespmem:s29], [sflag:$0x2] =	stream.indirect_vreg.gather [hbm4b:s15+s21], $0x80, v2, vm0, $0xb8;
	[tilespmem:$0x12800] =	vst v63  }
0x122: {  	v2 =	vld.msk [tilespmem:$0x300], $0xff;
	_ =	sdelay $0x4  }
0x123: {  	v3 =	vshll.u32 v2, $0x3  }
0x124: {  	v2 =	vand.u32 $0x7, v2;
	v3 =	vand.u32 $0xFFFFFFC0, v3  }
0x125: {  	v2 =	vor.u32 v2, v3  }
0x126: {  	v2 =	vperm.xlane v2, v0;
	_ =	sdelay $0x1  }
0x127: {  	v2 =	vadd.s32 v1, v2;
	_ =	sdelay $0x4  }
0x128: {  	[tilespmem:s30], [sflag:$0x2] =	stream.indirect_vreg.gather [hbm4b:s3+s21], $0x80, v2, vm0, $0xb8;
	[tilespmem:$0x12800] =	vst v63  }
0x129: {  	_ = 	snop  }
0x12a: {  	[tilespmem:s31], [sflag:$0x2] =	stream.indirect_vreg.gather [hbm4b:s13+s21], $0x80, v2, vm0, $0xb8;
	[tilespmem:$0x12800] =	vst v63  }
0x12b: {  	_ = 	snop  }
0x12c: {  	[tilespmem:s0], [sflag:$0x2] =	stream.indirect_vreg.gather [hbm4b:s14+s21], $0x80, v2, vm0, $0xb8;
	[tilespmem:$0x12800] =	vst v63  }
0x12d: {  	_ = 	snop  }
0x12e: {  	[tilespmem:s2], [sflag:$0x2] =	stream.indirect_vreg.gather [hbm4b:s15+s21], $0x80, v2, vm0, $0xb8;
	[tilespmem:$0x12800] =	vst v63  }
0x12f: {  	v2 =	vld.msk [tilespmem:$0x380], $0xff;
	_ =	sdelay $0x4  }
0x130: {  	v3 =	vshll.u32 v2, $0x3  }
0x131: {  	v2 =	vand.u32 $0x7, v2;
	v3 =	vand.u32 $0xFFFFFFC0, v3  }
0x132: {  	v2 =	vor.u32 v2, v3  }
0x133: {  	v2 =	vperm.xlane v2, v0;
	_ =	sdelay $0x1  }
0x134: {  	v2 =	vadd.s32 v1, v2;
	_ =	sdelay $0x4  }
0x135: {  	[tilespmem:s26], [sflag:$0x2] =	stream.indirect_vreg.gather [hbm4b:s3+s21], $0x80, v2, vm0, $0xb8;
	[tilespmem:$0x12800] =	vst v63  }
0x136: {  	_ = 	snop  }
0x137: {  	[tilespmem:s5], [sflag:$0x2] =	stream.indirect_vreg.gather [hbm4b:s13+s21], $0x80, v2, vm0, $0xb8;
	[tilespmem:$0x12800] =	vst v63  }
.Ltmp8:
0x138: {  	_ = 	snop;
	(pc) =	sbr.rel .LBB2_14-.Ltmp8, $4  }
0x139: {  	_ = 	snop  }
0x13a: {  	[tilespmem:s6], [sflag:$0x2] =	stream.indirect_vreg.gather [hbm4b:s14+s21], $0x80, v2, vm0, $0xb8;
	[tilespmem:$0x12800] =	vst v63  }
0x13b: {  	s22 =	simm.s32 $0x0  }
0x13c: {  	[tilespmem:s17], [sflag:$0x2] =	stream.indirect_vreg.gather [hbm4b:s15+s21], $0x80, v2, vm0, $0xb8;
	[tilespmem:$0x12800] =	vst v63  }
.LBB2_50:
0x13d: {  	p0 =	sne.s32 s22, $0x20  }
.Ltmp9:
0x13e: {  	_ = 	snop;
	(pc) =	sbr.rel @!p0 .LBB2_51-.Ltmp9, $4  }
0x13f: {  	s7 =	sadd.s32 s16, s23  }
0x140: {  	s7 =	sshll.u32 s7, $0xA  }
0x141: {  	s7 =	sadd.s32 s4, s7  }
0x142: {  	[hbm4b:s7+s1] =	stream.linear.scatter [tilespmem:s20], [sflag:$0x3], $0x2000, $0x38;
	[tilespmem:$0x12800] =	vst v63  }
.LBB2_14:
0x143: {  	_ =	swait.ge [sflag:s18], $0x2000  }
0x144: {  	[sflag:s18] =	ssyncset.done $0x0  }
0x145: {  	[sflag:s18] =	ssyncadd.s32 $0xFFFFE000  }
0x146: {  	_ =	swait.ge [sflag:s18], $0x2000  }
0x147: {  	[sflag:s18] =	ssyncset.done $0x0  }
0x148: {  	[sflag:s18] =	ssyncadd.s32 $0xFFFFE000  }
0x149: {  	_ =	swait.ge [sflag:s18], $0x2000  }
0x14a: {  	[sflag:s18] =	ssyncset.done $0x0  }
0x14b: {  	[sflag:s18] =	ssyncadd.s32 $0xFFFFE000  }
0x14c: {  	_ =	swait.ge [sflag:s18], $0x2000  }
0x14d: {  	p0 =	seq.s32 s22, $0x0;
	[sflag:s18] =	ssyncset.done $0x0  }
0x14e: {  	s7 =	simm.s32 @!p0 $0x3;
	[sflag:s18] =	ssyncadd.s32 $0xFFFFE000  }
0x14f: {  	_ =	swait.ge @!p0 [sflag:s7], $0x2000  }
0x150: {  	s8 =	sand.u32 $0x70, s21;
	s9 =	sand.u32 $0x1C00, s21;
	[sflag:s7] =	ssyncset.done @!p0 $0x0  }
0x151: {  	[sflag:s7] =	ssyncadd.s32 @!p0 $0xFFFFE000;
	s7 =	sor.u32 s8, s9  }
0x152: {  	v4 =	vld [tilespmem:s7+$0x800]  }
0x153: {  	v5 =	vld [tilespmem:s7+$0x2800];
	_ =	sdelay $0x1  }
0x154: {  	s24 =	simm.s32 $0x10;
	s25 =	simm.s32 $0x80;
	v6 =	vld [tilespmem:s7+$0x4800]  }
0x155: {  	s8 =	sand.u32 $0x70, s24;
	s9 =	sand.u32 $0x1C00, s25  }
0x156: {  	s23 =	smov.u32 s22;
	s22 =	sor.u32 s8, s9;
	v3 =	vld [tilespmem:s7+$0x6800]  }
0x157: {  	v2 =	vld [tilespmem:s22+$0x800];
	v4 =	vadd.f32 v5, v4  }
0x158: {  	v5 =	vld [tilespmem:s22+$0x2800]  }
0x159: {  	v6 =	vadd.f32 v6, v4  }
0x15a: {  	s8 =	simm.s32 $0x20;
	s9 =	simm.s32 $0x100;
	v4 =	vld [tilespmem:s22+$0x4800]  }
.LBB2_15:
0x15b: {  	s10 =	sand.u32 $0x70, s8;
	s11 =	sand.u32 $0x1C00, s9;
	v6 =	vadd.f32 v3, v6;
	p0 =	sne.s32 s8, $0x3F0  }
.Ltmp10:
0x15c: {  	s8 =	sadd.s32 $0x10, s8;
	s10 =	sor.u32 s10, s11;
	v3 =	vld [tilespmem:s22+$0x6800];
	(pc) =	sbr.rel @p0 .LBB2_15-.Ltmp10, $4  }
0x15d: {  	v7 =	vadd.f32 v5, v2;
	v2 =	vld [tilespmem:s10+$0x800];
	[tilespmem:s7+$0x10800] =	vst v6;
	s7 =	smov.u32 s22;
	s22 =	smov.u32 s10  }
0x15e: {  	v5 =	vld [tilespmem:s22+$0x2800]  }
0x15f: {  	v6 =	vadd.f32 v4, v7  }
0x160: {  	s9 =	sadd.s32 $0x80, s9;
	v4 =	vld [tilespmem:s22+$0x4800]  }
0x161: {  	_ = 	snop  }
0x162: {  	v7 =	vld [tilespmem:s22+$0x6800]  }
0x163: {  	v2 =	vadd.f32 v5, v2;
	_ =	sdelay $0x1  }
0x164: {  	v2 =	vadd.f32 v4, v2  }
0x165: {  	v3 =	vadd.f32 v3, v6  }
0x166: {  	s8 =	simm.s32 $0x0;
	v2 =	vadd.f32 v7, v2  }
0x167: {  	s12 =	sand.u32 $0x70, s8;
	s8 =	sand.u32 $0x1C00, s8;
	[tilespmem:s7+$0x10800] =	vst v3  }
0x168: {  	[tilespmem:s22+$0x10800] =	vst v2;
	s22 =	sor.u32 s8, s12  }
0x169: {  	v4 =	vld [tilespmem:s22+$0x880]  }
0x16a: {  	v5 =	vld [tilespmem:s22+$0x2880];
	_ =	sdelay $0x1  }
0x16b: {  	s24 =	simm.s32 $0x10;
	s25 =	simm.s32 $0x80;
	v6 =	vld [tilespmem:s22+$0x4880]  }
0x16c: {  	s7 =	sand.u32 $0x70, s24;
	s8 =	sand.u32 $0x1C00, s25  }
0x16d: {  	s7 =	sor.u32 s8, s7;
	v3 =	vld [tilespmem:s22+$0x6880]  }
0x16e: {  	v2 =	vld [tilespmem:s7+$0x880];
	v4 =	vadd.f32 v5, v4  }
0x16f: {  	v5 =	vld [tilespmem:s7+$0x2880]  }
0x170: {  	s10 =	simm.s32 $0x20;
	v6 =	vadd.f32 v6, v4  }
0x171: {  	s24 =	simm.s32 $0x100;
	s9 =	smov.u32 s22;
	s8 =	smov.u32 s7;
	v4 =	vld [tilespmem:s7+$0x4880]  }
.LBB2_17:
0x172: {  	s11 =	sand.u32 $0x70, s10;
	s25 =	sand.u32 $0x1C00, s24;
	v6 =	vadd.f32 v3, v6;
	p0 =	sne.s32 s10, $0x3F0  }
.Ltmp11:
0x173: {  	s10 =	sadd.s32 $0x10, s10;
	s11 =	sor.u32 s25, s11;
	v3 =	vld [tilespmem:s8+$0x6880];
	(pc) =	sbr.rel @p0 .LBB2_17-.Ltmp11, $4  }
0x174: {  	v7 =	vadd.f32 v5, v2;
	v2 =	vld [tilespmem:s11+$0x880];
	[tilespmem:s9+$0x10880] =	vst v6;
	s9 =	smov.u32 s8;
	s8 =	smov.u32 s11  }
0x175: {  	v5 =	vld [tilespmem:s8+$0x2880]  }
0x176: {  	v6 =	vadd.f32 v4, v7  }
0x177: {  	s24 =	sadd.s32 $0x80, s24;
	v4 =	vld [tilespmem:s8+$0x4880]  }
0x178: {  	_ = 	snop  }
0x179: {  	v7 =	vld [tilespmem:s8+$0x6880]  }
0x17a: {  	v2 =	vadd.f32 v5, v2;
	_ =	sdelay $0x1  }
0x17b: {  	v2 =	vadd.f32 v4, v2  }
0x17c: {  	v3 =	vadd.f32 v3, v6  }
0x17d: {  	v2 =	vadd.f32 v7, v2  }
0x17e: {  	[tilespmem:s9+$0x10880] =	vst v3  }
0x17f: {  	[tilespmem:s8+$0x10880] =	vst v2  }
0x180: {  	v4 =	vld [tilespmem:s22+$0x900]  }
0x181: {  	v5 =	vld [tilespmem:s22+$0x2900];
	_ =	sdelay $0x1  }
0x182: {  	v6 =	vld [tilespmem:s22+$0x4900];
	_ =	sdelay $0x1  }
0x183: {  	v3 =	vld [tilespmem:s22+$0x6900]  }
0x184: {  	v2 =	vld [tilespmem:s7+$0x900];
	v4 =	vadd.f32 v5, v4  }
0x185: {  	v5 =	vld [tilespmem:s7+$0x2900]  }
0x186: {  	v6 =	vadd.f32 v6, v4  }
0x187: {  	s9 =	simm.s32 $0x100;
	s8 =	simm.s32 $0x20;
	v4 =	vld [tilespmem:s7+$0x4900]  }
.LBB2_19:
0x188: {  	s10 =	sand.u32 $0x70, s8;
	s11 =	sand.u32 $0x1C00, s9;
	v6 =	vadd.f32 v3, v6;
	p0 =	sne.s32 s8, $0x3F0  }
.Ltmp12:
0x189: {  	s8 =	sadd.s32 $0x10, s8;
	s10 =	sor.u32 s11, s10;
	v3 =	vld [tilespmem:s7+$0x6900];
	(pc) =	sbr.rel @p0 .LBB2_19-.Ltmp12, $4  }
0x18a: {  	v7 =	vadd.f32 v5, v2;
	v2 =	vld [tilespmem:s10+$0x900];
	[tilespmem:s22+$0x10900] =	vst v6;
	s22 =	smov.u32 s7;
	s7 =	smov.u32 s10  }
0x18b: {  	v5 =	vld [tilespmem:s7+$0x2900]  }
0x18c: {  	v6 =	vadd.f32 v4, v7  }
0x18d: {  	s9 =	sadd.s32 $0x80, s9;
	v4 =	vld [tilespmem:s7+$0x4900]  }
0x18e: {  	_ = 	snop  }
0x18f: {  	v7 =	vld [tilespmem:s7+$0x6900]  }
0x190: {  	v2 =	vadd.f32 v5, v2;
	_ =	sdelay $0x1  }
0x191: {  	v2 =	vadd.f32 v4, v2  }
0x192: {  	v3 =	vadd.f32 v3, v6  }
0x193: {  	s8 =	simm.s32 $0x0;
	v2 =	vadd.f32 v7, v2  }
0x194: {  	s9 =	sand.u32 $0x70, s8;
	s8 =	sand.u32 $0x1C00, s8;
	[tilespmem:s22+$0x10900] =	vst v3  }
0x195: {  	s22 =	sor.u32 s8, s9;
	[tilespmem:s7+$0x10900] =	vst v2  }
0x196: {  	v4 =	vld [tilespmem:s22+$0x980]  }
0x197: {  	v5 =	vld [tilespmem:s22+$0x2980];
	_ =	sdelay $0x1  }
0x198: {  	s24 =	simm.s32 $0x10;
	s25 =	simm.s32 $0x80;
	v6 =	vld [tilespmem:s22+$0x4980]  }
0x199: {  	s8 =	sand.u32 $0x1C00, s25;
	s7 =	sand.u32 $0x70, s24  }
0x19a: {  	s7 =	sor.u32 s8, s7;
	v3 =	vld [tilespmem:s22+$0x6980]  }
0x19b: {  	v2 =	vld [tilespmem:s7+$0x980];
	v4 =	vadd.f32 v5, v4  }
0x19c: {  	v5 =	vld [tilespmem:s7+$0x2980]  }
0x19d: {  	s10 =	simm.s32 $0x20;
	v6 =	vadd.f32 v6, v4  }
0x19e: {  	s9 =	smov.u32 s22;
	s24 =	simm.s32 $0x100;
	s8 =	smov.u32 s7;
	v4 =	vld [tilespmem:s7+$0x4980]  }
.LBB2_21:
0x19f: {  	s11 =	sand.u32 $0x70, s10;
	s25 =	sand.u32 $0x1C00, s24;
	v6 =	vadd.f32 v3, v6;
	p0 =	sne.s32 s10, $0x3F0  }
.Ltmp13:
0x1a0: {  	s10 =	sadd.s32 $0x10, s10;
	s11 =	sor.u32 s25, s11;
	v3 =	vld [tilespmem:s8+$0x6980];
	(pc) =	sbr.rel @p0 .LBB2_21-.Ltmp13, $4  }
0x1a1: {  	v7 =	vadd.f32 v5, v2;
	v2 =	vld [tilespmem:s11+$0x980];
	[tilespmem:s9+$0x10980] =	vst v6;
	s9 =	smov.u32 s8;
	s8 =	smov.u32 s11  }
0x1a2: {  	v5 =	vld [tilespmem:s8+$0x2980]  }
0x1a3: {  	v6 =	vadd.f32 v4, v7  }
0x1a4: {  	s24 =	sadd.s32 $0x80, s24;
	v4 =	vld [tilespmem:s8+$0x4980]  }
0x1a5: {  	_ = 	snop  }
0x1a6: {  	v7 =	vld [tilespmem:s8+$0x6980]  }
0x1a7: {  	v2 =	vadd.f32 v5, v2;
	_ =	sdelay $0x1  }
0x1a8: {  	v2 =	vadd.f32 v4, v2  }
0x1a9: {  	v3 =	vadd.f32 v3, v6  }
0x1aa: {  	v2 =	vadd.f32 v7, v2  }
0x1ab: {  	[tilespmem:s9+$0x10980] =	vst v3  }
0x1ac: {  	[tilespmem:s8+$0x10980] =	vst v2  }
0x1ad: {  	v4 =	vld [tilespmem:s22+$0xA00]  }
0x1ae: {  	v5 =	vld [tilespmem:s22+$0x2A00];
	_ =	sdelay $0x1  }
0x1af: {  	v6 =	vld [tilespmem:s22+$0x4A00];
	_ =	sdelay $0x1  }
0x1b0: {  	v3 =	vld [tilespmem:s22+$0x6A00]  }
0x1b1: {  	v2 =	vld [tilespmem:s7+$0xA00];
	v4 =	vadd.f32 v5, v4  }
0x1b2: {  	v5 =	vld [tilespmem:s7+$0x2A00]  }
0x1b3: {  	v6 =	vadd.f32 v6, v4  }
0x1b4: {  	s9 =	simm.s32 $0x100;
	s8 =	simm.s32 $0x20;
	v4 =	vld [tilespmem:s7+$0x4A00]  }
.LBB2_23:
0x1b5: {  	s10 =	sand.u32 $0x70, s8;
	s11 =	sand.u32 $0x1C00, s9;
	v6 =	vadd.f32 v3, v6;
	p0 =	sne.s32 s8, $0x3F0  }
.Ltmp14:
0x1b6: {  	s8 =	sadd.s32 $0x10, s8;
	s10 =	sor.u32 s11, s10;
	v3 =	vld [tilespmem:s7+$0x6A00];
	(pc) =	sbr.rel @p0 .LBB2_23-.Ltmp14, $4  }
0x1b7: {  	v7 =	vadd.f32 v5, v2;
	v2 =	vld [tilespmem:s10+$0xA00];
	[tilespmem:s22+$0x10A00] =	vst v6;
	s22 =	smov.u32 s7;
	s7 =	smov.u32 s10  }
0x1b8: {  	v5 =	vld [tilespmem:s7+$0x2A00]  }
0x1b9: {  	v6 =	vadd.f32 v4, v7  }
0x1ba: {  	s9 =	sadd.s32 $0x80, s9;
	v4 =	vld [tilespmem:s7+$0x4A00]  }
0x1bb: {  	_ = 	snop  }
0x1bc: {  	v7 =	vld [tilespmem:s7+$0x6A00]  }
0x1bd: {  	v2 =	vadd.f32 v5, v2;
	_ =	sdelay $0x1  }
0x1be: {  	v2 =	vadd.f32 v4, v2  }
0x1bf: {  	v3 =	vadd.f32 v3, v6  }
0x1c0: {  	s8 =	simm.s32 $0x0;
	v2 =	vadd.f32 v7, v2  }
0x1c1: {  	s9 =	sand.u32 $0x70, s8;
	s8 =	sand.u32 $0x1C00, s8;
	[tilespmem:s22+$0x10A00] =	vst v3  }
0x1c2: {  	s22 =	sor.u32 s8, s9;
	[tilespmem:s7+$0x10A00] =	vst v2  }
0x1c3: {  	v4 =	vld [tilespmem:s22+$0xA80]  }
0x1c4: {  	v5 =	vld [tilespmem:s22+$0x2A80];
	_ =	sdelay $0x1  }
0x1c5: {  	s24 =	simm.s32 $0x10;
	s25 =	simm.s32 $0x80;
	v6 =	vld [tilespmem:s22+$0x4A80]  }
0x1c6: {  	s8 =	sand.u32 $0x1C00, s25;
	s7 =	sand.u32 $0x70, s24  }
0x1c7: {  	s7 =	sor.u32 s8, s7;
	v3 =	vld [tilespmem:s22+$0x6A80]  }
0x1c8: {  	v2 =	vld [tilespmem:s7+$0xA80];
	v4 =	vadd.f32 v5, v4  }
0x1c9: {  	v5 =	vld [tilespmem:s7+$0x2A80]  }
0x1ca: {  	s10 =	simm.s32 $0x20;
	v6 =	vadd.f32 v6, v4  }
0x1cb: {  	s9 =	smov.u32 s22;
	s24 =	simm.s32 $0x100;
	s8 =	smov.u32 s7;
	v4 =	vld [tilespmem:s7+$0x4A80]  }
.LBB2_25:
0x1cc: {  	s11 =	sand.u32 $0x70, s10;
	s25 =	sand.u32 $0x1C00, s24;
	v6 =	vadd.f32 v3, v6;
	p0 =	sne.s32 s10, $0x3F0  }
.Ltmp15:
0x1cd: {  	s10 =	sadd.s32 $0x10, s10;
	s11 =	sor.u32 s25, s11;
	v3 =	vld [tilespmem:s8+$0x6A80];
	(pc) =	sbr.rel @p0 .LBB2_25-.Ltmp15, $4  }
0x1ce: {  	v7 =	vadd.f32 v5, v2;
	v2 =	vld [tilespmem:s11+$0xA80];
	[tilespmem:s9+$0x10A80] =	vst v6;
	s9 =	smov.u32 s8;
	s8 =	smov.u32 s11  }
0x1cf: {  	v5 =	vld [tilespmem:s8+$0x2A80]  }
0x1d0: {  	v6 =	vadd.f32 v4, v7  }
0x1d1: {  	s24 =	sadd.s32 $0x80, s24;
	v4 =	vld [tilespmem:s8+$0x4A80]  }
0x1d2: {  	_ = 	snop  }
0x1d3: {  	v7 =	vld [tilespmem:s8+$0x6A80]  }
0x1d4: {  	v2 =	vadd.f32 v5, v2;
	_ =	sdelay $0x1  }
0x1d5: {  	v2 =	vadd.f32 v4, v2  }
0x1d6: {  	v3 =	vadd.f32 v3, v6  }
0x1d7: {  	v2 =	vadd.f32 v7, v2  }
0x1d8: {  	[tilespmem:s9+$0x10A80] =	vst v3  }
0x1d9: {  	[tilespmem:s8+$0x10A80] =	vst v2  }
0x1da: {  	v4 =	vld [tilespmem:s22+$0xB00]  }
0x1db: {  	v5 =	vld [tilespmem:s22+$0x2B00];
	_ =	sdelay $0x1  }
0x1dc: {  	v6 =	vld [tilespmem:s22+$0x4B00];
	_ =	sdelay $0x1  }
0x1dd: {  	v3 =	vld [tilespmem:s22+$0x6B00]  }
0x1de: {  	v2 =	vld [tilespmem:s7+$0xB00];
	v4 =	vadd.f32 v5, v4  }
0x1df: {  	v5 =	vld [tilespmem:s7+$0x2B00]  }
0x1e0: {  	v6 =	vadd.f32 v6, v4  }
0x1e1: {  	s9 =	simm.s32 $0x100;
	s8 =	simm.s32 $0x20;
	v4 =	vld [tilespmem:s7+$0x4B00]  }
.LBB2_27:
0x1e2: {  	s10 =	sand.u32 $0x70, s8;
	s11 =	sand.u32 $0x1C00, s9;
	v6 =	vadd.f32 v3, v6;
	p0 =	sne.s32 s8, $0x3F0  }
.Ltmp16:
0x1e3: {  	s8 =	sadd.s32 $0x10, s8;
	s10 =	sor.u32 s11, s10;
	v3 =	vld [tilespmem:s7+$0x6B00];
	(pc) =	sbr.rel @p0 .LBB2_27-.Ltmp16, $4  }
0x1e4: {  	v7 =	vadd.f32 v5, v2;
	v2 =	vld [tilespmem:s10+$0xB00];
	[tilespmem:s22+$0x10B00] =	vst v6;
	s22 =	smov.u32 s7;
	s7 =	smov.u32 s10  }
0x1e5: {  	v5 =	vld [tilespmem:s7+$0x2B00]  }
0x1e6: {  	v6 =	vadd.f32 v4, v7  }
0x1e7: {  	s9 =	sadd.s32 $0x80, s9;
	v4 =	vld [tilespmem:s7+$0x4B00]  }
0x1e8: {  	_ = 	snop  }
0x1e9: {  	v7 =	vld [tilespmem:s7+$0x6B00]  }
0x1ea: {  	v2 =	vadd.f32 v5, v2;
	_ =	sdelay $0x1  }
0x1eb: {  	v2 =	vadd.f32 v4, v2  }
0x1ec: {  	v3 =	vadd.f32 v3, v6  }
0x1ed: {  	s8 =	simm.s32 $0x0;
	v2 =	vadd.f32 v7, v2  }
0x1ee: {  	s9 =	sor.u32 s8, s8;
	[tilespmem:s22+$0x10B00] =	vst v3  }
0x1ef: {  	s10 =	sand.u32 $0x70, s8;
	s8 =	sand.u32 $0x1C00, s8;
	[tilespmem:s7+$0x10B00] =	vst v2;
	s7 =	sor.u32 $0x380, s9  }
0x1f0: {  	s8 =	sor.u32 s10, s8;
	v2 =	vld [tilespmem:s7+$0x800]  }
0x1f1: {  	v3 =	vld [tilespmem:s8+$0x2B80];
	_ =	sdelay $0x1  }
0x1f2: {  	v62 =	vld [tilespmem:s8+$0x4B80];
	_ =	sdelay $0x1  }
0x1f3: {  	v63 =	vld [tilespmem:s8+$0x6B80]  }
0x1f4: {  	v2 =	vadd.f32 v3, v2;
	_ =	sdelay $0x1  }
0x1f5: {  	v2 =	vadd.f32 v62, v2  }
0x1f6: {  	s25 =	simm.s32 $0x10;
	s8 =	simm.s32 $0x80  }
0x1f7: {  	s11 =	sand.u32 $0x70, s25;
	s9 =	sor.u32 s8, s25;
	v2 =	vadd.f32 v63, v2  }
0x1f8: {  	s22 =	sand.u32 $0x1C00, s8;
	s10 =	sor.u32 $0x380, s9;
	s9 =	simm.s32 $0x20  }
.LBB2_29:
0x1f9: {  	p0 =	sne.s32 s9, $0x3F0;
	v3 =	vld [tilespmem:s10+$0x800];
	s11 =	sor.u32 s11, s22;
	[tilespmem:s7+$0x10800] =	vst v2;
	s7 =	smov.u32 s10  }
0x1fa: {  	v2 =	vld [tilespmem:s11+$0x2B80];
	_ =	sdelay $0x1  }
0x1fb: {  	v4 =	vld [tilespmem:s11+$0x4B80];
	_ =	sdelay $0x1  }
0x1fc: {  	v5 =	vld [tilespmem:s11+$0x6B80]  }
0x1fd: {  	v2 =	vadd.f32 v2, v3  }
.Ltmp17:
0x1fe: {  	(pc) =	sbr.rel @p0 .LBB2_29-.Ltmp17, $4  }
0x1ff: {  	v2 =	vadd.f32 v4, v2  }
0x200: {  	s8 =	sadd.s32 $0x80, s8  }
0x201: {  	s10 =	sor.u32 s8, s9;
	s11 =	sand.u32 $0x70, s9;
	v2 =	vadd.f32 v5, v2  }
0x202: {  	s22 =	sand.u32 $0x1C00, s8;
	s10 =	sor.u32 $0x380, s10;
	s9 =	sadd.s32 $0x10, s9  }
0x203: {  	v3 =	vld [tilespmem:s10+$0x800];
	s8 =	sor.u32 s11, s22;
	[tilespmem:s7+$0x10800] =	vst v2  }
0x204: {  	v2 =	vld [tilespmem:s8+$0x2B80];
	_ =	sdelay $0x1  }
0x205: {  	v4 =	vld [tilespmem:s8+$0x4B80];
	_ =	sdelay $0x1  }
0x206: {  	v5 =	vld [tilespmem:s8+$0x6B80]  }
0x207: {  	v2 =	vadd.f32 v2, v3  }
0x208: {  	p0 =	seq.s32 s23, $0x1F  }
.Ltmp18:
0x209: {  	v2 =	vadd.f32 v4, v2;
	(pc) =	sbr.rel @p0 .LBB2_32-.Ltmp18, $3  }
0x20a: {  	_ = 	snop  }
0x20b: {  	v2 =	vadd.f32 v5, v2;
	_ =	sdelay $0x1  }
0x20c: {  	s22 =	sadd.s32 $0x1, s23;
	[tilespmem:s10+$0x10800] =	vst v2  }
0x20d: {  	s7 =	sshll.u32 s22, $0x3;
	s8 =	sshll.u32 s22, $0x6  }
0x20e: {  	s7 =	sand.u32 $0x78, s7;
	s8 =	sand.u32 $0xC00, s8  }
0x20f: {  	s7 =	sor.u32 s7, s8  }
0x210: {  	v2 =	vld.msk [tilespmem:s7+$0x0], $0xff;
	_ =	sdelay $0x4  }
0x211: {  	v3 =	vshll.u32 v2, $0x3  }
0x212: {  	v2 =	vand.u32 $0x7, v2;
	v3 =	vand.u32 $0xFFFFFFC0, v3  }
0x213: {  	v2 =	vor.u32 v2, v3  }
0x214: {  	v2 =	vperm.xlane v2, v0;
	_ =	sdelay $0x1  }
0x215: {  	v2 =	vadd.s32 v1, v2;
	_ =	sdelay $0x3  }
0x216: {  	s9 =	simm.s32 $0x800  }
0x217: {  	[tilespmem:s9], [sflag:$0x1] =	stream.indirect_vreg.gather [hbm4b:s3+s1], $0x80, v2, vm0, $0xb8;
	[tilespmem:$0x12800] =	vst v63  }
0x218: {  	s10 =	simm.s32 $0x1000  }
0x219: {  	[tilespmem:s10], [sflag:$0x1] =	stream.indirect_vreg.gather [hbm4b:s13+s1], $0x80, v2, vm0, $0xb8;
	[tilespmem:$0x12800] =	vst v63  }
0x21a: {  	s11 =	simm.s32 $0x1800  }
0x21b: {  	[tilespmem:s11], [sflag:$0x1] =	stream.indirect_vreg.gather [hbm4b:s14+s1], $0x80, v2, vm0, $0xb8;
	[tilespmem:$0x12800] =	vst v63  }
0x21c: {  	s12 =	simm.s32 $0x2000;
	s24 =	sor.u32 $0x80, s7  }
0x21d: {  	[tilespmem:s12], [sflag:$0x1] =	stream.indirect_vreg.gather [hbm4b:s15+s1], $0x80, v2, vm0, $0xb8;
	[tilespmem:$0x12800] =	vst v63  }
0x21e: {  	v2 =	vld.msk [tilespmem:s24+$0x0], $0xff;
	_ =	sdelay $0x4  }
0x21f: {  	v3 =	vshll.u32 v2, $0x3  }
0x220: {  	v2 =	vand.u32 $0x7, v2;
	v3 =	vand.u32 $0xFFFFFFC0, v3  }
0x221: {  	v2 =	vor.u32 v2, v3  }
0x222: {  	v2 =	vperm.xlane v2, v0;
	_ =	sdelay $0x1  }
0x223: {  	v2 =	vadd.s32 v1, v2;
	_ =	sdelay $0x3  }
0x224: {  	s25 =	simm.s32 $0x2800  }
0x225: {  	[tilespmem:s25], [sflag:$0x1] =	stream.indirect_vreg.gather [hbm4b:s3+s1], $0x80, v2, vm0, $0xb8;
	[tilespmem:$0x12800] =	vst v63  }
0x226: {  	s9 =	simm.s32 $0x3000  }
0x227: {  	[tilespmem:s9], [sflag:$0x1] =	stream.indirect_vreg.gather [hbm4b:s13+s1], $0x80, v2, vm0, $0xb8;
	[tilespmem:$0x12800] =	vst v63  }
0x228: {  	s10 =	simm.s32 $0x3800  }
0x229: {  	[tilespmem:s10], [sflag:$0x1] =	stream.indirect_vreg.gather [hbm4b:s14+s1], $0x80, v2, vm0, $0xb8;
	[tilespmem:$0x12800] =	vst v63  }
0x22a: {  	s11 =	simm.s32 $0x4000;
	s12 =	sor.u32 $0x100, s7  }
0x22b: {  	[tilespmem:s11], [sflag:$0x1] =	stream.indirect_vreg.gather [hbm4b:s15+s1], $0x80, v2, vm0, $0xb8;
	[tilespmem:$0x12800] =	vst v63  }
0x22c: {  	v2 =	vld.msk [tilespmem:s12+$0x0], $0xff;
	_ =	sdelay $0x4  }
0x22d: {  	v3 =	vshll.u32 v2, $0x3  }
0x22e: {  	v2 =	vand.u32 $0x7, v2;
	v3 =	vand.u32 $0xFFFFFFC0, v3  }
0x22f: {  	v2 =	vor.u32 v2, v3  }
0x230: {  	v2 =	vperm.xlane v2, v0;
	_ =	sdelay $0x1  }
0x231: {  	v2 =	vadd.s32 v1, v2;
	_ =	sdelay $0x3  }
0x232: {  	s24 =	simm.s32 $0x4800  }
0x233: {  	[tilespmem:s24], [sflag:$0x1] =	stream.indirect_vreg.gather [hbm4b:s3+s1], $0x80, v2, vm0, $0xb8;
	[tilespmem:$0x12800] =	vst v63  }
0x234: {  	s25 =	simm.s32 $0x5000  }
0x235: {  	[tilespmem:s25], [sflag:$0x1] =	stream.indirect_vreg.gather [hbm4b:s13+s1], $0x80, v2, vm0, $0xb8;
	[tilespmem:$0x12800] =	vst v63  }
0x236: {  	s9 =	simm.s32 $0x5800  }
0x237: {  	[tilespmem:s9], [sflag:$0x1] =	stream.indirect_vreg.gather [hbm4b:s14+s1], $0x80, v2, vm0, $0xb8;
	[tilespmem:$0x12800] =	vst v63  }
0x238: {  	s7 =	sor.u32 $0x180, s7;
	s10 =	simm.s32 $0x6000  }
0x239: {  	[tilespmem:s10], [sflag:$0x1] =	stream.indirect_vreg.gather [hbm4b:s15+s1], $0x80, v2, vm0, $0xb8;
	[tilespmem:$0x12800] =	vst v63  }
0x23a: {  	v2 =	vld.msk [tilespmem:s7+$0x0], $0xff;
	_ =	sdelay $0x4  }
0x23b: {  	v3 =	vshll.u32 v2, $0x3  }
0x23c: {  	v2 =	vand.u32 $0x7, v2;
	v3 =	vand.u32 $0xFFFFFFC0, v3  }
0x23d: {  	v2 =	vor.u32 v2, v3  }
0x23e: {  	v2 =	vperm.xlane v2, v0;
	_ =	sdelay $0x1  }
0x23f: {  	v2 =	vadd.s32 v1, v2;
	_ =	sdelay $0x3  }
0x240: {  	s11 =	simm.s32 $0x6800  }
0x241: {  	[tilespmem:s11], [sflag:$0x1] =	stream.indirect_vreg.gather [hbm4b:s3+s1], $0x80, v2, vm0, $0xb8;
	[tilespmem:$0x12800] =	vst v63  }
0x242: {  	s12 =	simm.s32 $0x7000  }
0x243: {  	[tilespmem:s12], [sflag:$0x1] =	stream.indirect_vreg.gather [hbm4b:s13+s1], $0x80, v2, vm0, $0xb8;
	[tilespmem:$0x12800] =	vst v63  }
0x244: {  	s24 =	simm.s32 $0x7800  }
0x245: {  	[tilespmem:s24], [sflag:$0x1] =	stream.indirect_vreg.gather [hbm4b:s14+s1], $0x80, v2, vm0, $0xb8;
	[tilespmem:$0x12800] =	vst v63  }
0x246: {  	s25 =	simm.s32 $0x8000  }
0x247: {  	[tilespmem:s25], [sflag:$0x1] =	stream.indirect_vreg.gather [hbm4b:s15+s1], $0x80, v2, vm0, $0xb8;
	[tilespmem:$0x12800] =	vst v63  }
.LBB2_32:
0x248: {  	_ =	swait.ge [sflag:s19], $0x2000  }
0x249: {  	[sflag:s19] =	ssyncset.done $0x0  }
0x24a: {  	[sflag:s19] =	ssyncadd.s32 $0xFFFFE000  }
0x24b: {  	_ =	swait.ge [sflag:s19], $0x2000  }
0x24c: {  	[sflag:s19] =	ssyncset.done $0x0  }
0x24d: {  	[sflag:s19] =	ssyncadd.s32 $0xFFFFE000  }
0x24e: {  	_ =	swait.ge [sflag:s19], $0x2000  }
0x24f: {  	[sflag:s19] =	ssyncset.done $0x0  }
0x250: {  	[sflag:s19] =	ssyncadd.s32 $0xFFFFE000  }
0x251: {  	s7 =	simm.s32 $0x0;
	_ =	swait.ge [sflag:s19], $0x2000  }
0x252: {  	s8 =	sand.u32 $0x70, s7;
	s7 =	sand.u32 $0x1C00, s7;
	[sflag:s19] =	ssyncset.done $0x0  }
0x253: {  	s24 =	sor.u32 s8, s7;
	[sflag:s19] =	ssyncadd.s32 $0xFFFFE000  }
0x254: {  	v2 =	vld [tilespmem:s24+$0x8800]  }
0x255: {  	v3 =	vld [tilespmem:s24+$0x10800];
	_ =	sdelay $0x1  }
0x256: {  	v4 =	vld [tilespmem:s24+$0xA800];
	_ =	sdelay $0x1  }
0x257: {  	v5 =	vld [tilespmem:s24+$0xC800]  }
0x258: {  	v2 =	vadd.f32 v2, v3  }
0x259: {  	v3 =	vld [tilespmem:s24+$0xE800]  }
0x25a: {  	v2 =	vadd.f32 v4, v2;
	_ =	sdelay $0x1  }
0x25b: {  	v2 =	vadd.f32 v5, v2  }
0x25c: {  	s11 =	simm.s32 $0x10;
	s25 =	simm.s32 $0x80  }
0x25d: {  	s12 =	sand.u32 $0x1C00, s25;
	s7 =	sand.u32 $0x70, s11;
	v2 =	vadd.f32 v3, v2  }
0x25e: {  	s9 =	simm.s32 $0x20;
	s10 =	sor.u32 s7, s12;
	s8 =	smov.u32 s24  }
.LBB2_33:
0x25f: {  	p1 =	sne.s32 s9, $0x3F0;
	v3 =	vld [tilespmem:s10+$0x8800];
	[tilespmem:s8+$0x10800] =	vst v2;
	s8 =	smov.u32 s10  }
0x260: {  	v2 =	vld [tilespmem:s8+$0x10800];
	_ =	sdelay $0x1  }
0x261: {  	v4 =	vld [tilespmem:s8+$0xA800];
	_ =	sdelay $0x1  }
0x262: {  	v5 =	vld [tilespmem:s8+$0xC800]  }
0x263: {  	v2 =	vadd.f32 v3, v2  }
0x264: {  	v3 =	vld [tilespmem:s8+$0xE800]  }
0x265: {  	v2 =	vadd.f32 v4, v2  }
.Ltmp19:
0x266: {  	(pc) =	sbr.rel @p1 .LBB2_33-.Ltmp19, $4  }
0x267: {  	v2 =	vadd.f32 v5, v2  }
0x268: {  	s25 =	sadd.s32 $0x80, s25  }
0x269: {  	s10 =	sand.u32 $0x70, s9;
	s11 =	sand.u32 $0x1C00, s25;
	v2 =	vadd.f32 v3, v2  }
0x26a: {  	s9 =	sadd.s32 $0x10, s9;
	s10 =	sor.u32 s10, s11  }
0x26b: {  	v3 =	vld [tilespmem:s10+$0x8800];
	[tilespmem:s8+$0x10800] =	vst v2  }
0x26c: {  	v2 =	vld [tilespmem:s10+$0x10800];
	_ =	sdelay $0x1  }
0x26d: {  	v4 =	vld [tilespmem:s10+$0xA800];
	_ =	sdelay $0x1  }
0x26e: {  	v5 =	vld [tilespmem:s10+$0xC800]  }
0x26f: {  	v2 =	vadd.f32 v3, v2  }
0x270: {  	v3 =	vld [tilespmem:s10+$0xE800]  }
0x271: {  	v2 =	vadd.f32 v4, v2;
	_ =	sdelay $0x1  }
0x272: {  	v2 =	vadd.f32 v5, v2;
	_ =	sdelay $0x1  }
0x273: {  	v2 =	vadd.f32 v3, v2;
	_ =	sdelay $0x1  }
0x274: {  	[tilespmem:s10+$0x10800] =	vst v2  }
0x275: {  	v2 =	vld [tilespmem:s24+$0x8880]  }
0x276: {  	v3 =	vld [tilespmem:s24+$0x10880];
	_ =	sdelay $0x1  }
0x277: {  	v62 =	vld [tilespmem:s24+$0xA880];
	_ =	sdelay $0x1  }
0x278: {  	v63 =	vld [tilespmem:s24+$0xC880]  }
0x279: {  	v2 =	vadd.f32 v2, v3  }
0x27a: {  	v3 =	vld [tilespmem:s24+$0xE880]  }
0x27b: {  	v2 =	vadd.f32 v62, v2;
	_ =	sdelay $0x1  }
0x27c: {  	v2 =	vadd.f32 v63, v2  }
0x27d: {  	s8 =	simm.s32 $0x80  }
0x27e: {  	s9 =	sand.u32 $0x1C00, s8;
	v2 =	vadd.f32 v3, v2  }
0x27f: {  	s9 =	sor.u32 s7, s9;
	s7 =	simm.s32 $0x20  }
.LBB2_35:
0x280: {  	p1 =	sne.s32 s7, $0x3F0;
	v3 =	vld [tilespmem:s9+$0x8880];
	[tilespmem:s24+$0x10880] =	vst v2;
	s24 =	smov.u32 s9  }
0x281: {  	v2 =	vld [tilespmem:s24+$0x10880];
	_ =	sdelay $0x1  }
0x282: {  	v4 =	vld [tilespmem:s24+$0xA880];
	_ =	sdelay $0x1  }
0x283: {  	v5 =	vld [tilespmem:s24+$0xC880]  }
0x284: {  	v2 =	vadd.f32 v3, v2  }
0x285: {  	v3 =	vld [tilespmem:s24+$0xE880]  }
0x286: {  	v2 =	vadd.f32 v4, v2  }
.Ltmp20:
0x287: {  	(pc) =	sbr.rel @p1 .LBB2_35-.Ltmp20, $4  }
0x288: {  	v2 =	vadd.f32 v5, v2  }
0x289: {  	s8 =	sadd.s32 $0x80, s8  }
0x28a: {  	s9 =	sand.u32 $0x70, s7;
	s10 =	sand.u32 $0x1C00, s8;
	v2 =	vadd.f32 v3, v2  }
0x28b: {  	s7 =	sadd.s32 $0x10, s7;
	s9 =	sor.u32 s9, s10  }
0x28c: {  	v3 =	vld [tilespmem:s9+$0x8880];
	[tilespmem:s24+$0x10880] =	vst v2  }
0x28d: {  	v2 =	vld [tilespmem:s9+$0x10880];
	_ =	sdelay $0x1  }
0x28e: {  	v4 =	vld [tilespmem:s9+$0xA880];
	_ =	sdelay $0x1  }
0x28f: {  	v5 =	vld [tilespmem:s9+$0xC880]  }
0x290: {  	v2 =	vadd.f32 v3, v2  }
0x291: {  	v3 =	vld [tilespmem:s9+$0xE880]  }
0x292: {  	v2 =	vadd.f32 v4, v2;
	_ =	sdelay $0x1  }
0x293: {  	v2 =	vadd.f32 v5, v2;
	_ =	sdelay $0x1  }
0x294: {  	s7 =	simm.s32 $0x0;
	v2 =	vadd.f32 v3, v2  }
0x295: {  	s8 =	sand.u32 $0x70, s7;
	s7 =	sand.u32 $0x1C00, s7  }
0x296: {  	s24 =	sor.u32 s8, s7;
	[tilespmem:s9+$0x10880] =	vst v2  }
0x297: {  	v2 =	vld [tilespmem:s24+$0x8900]  }
0x298: {  	v3 =	vld [tilespmem:s24+$0x10900];
	_ =	sdelay $0x1  }
0x299: {  	v62 =	vld [tilespmem:s24+$0xA900];
	_ =	sdelay $0x1  }
0x29a: {  	v63 =	vld [tilespmem:s24+$0xC900]  }
0x29b: {  	v2 =	vadd.f32 v2, v3  }
0x29c: {  	v3 =	vld [tilespmem:s24+$0xE900]  }
0x29d: {  	v2 =	vadd.f32 v62, v2;
	_ =	sdelay $0x1  }
0x29e: {  	v2 =	vadd.f32 v63, v2  }
0x29f: {  	s11 =	simm.s32 $0x10;
	s25 =	simm.s32 $0x80  }
0x2a0: {  	s12 =	sand.u32 $0x1C00, s25;
	s7 =	sand.u32 $0x70, s11;
	v2 =	vadd.f32 v3, v2  }
0x2a1: {  	s10 =	sor.u32 s7, s12;
	s8 =	smov.u32 s24;
	s9 =	simm.s32 $0x20  }
.LBB2_37:
0x2a2: {  	p1 =	sne.s32 s9, $0x3F0;
	v3 =	vld [tilespmem:s10+$0x8900];
	[tilespmem:s8+$0x10900] =	vst v2;
	s8 =	smov.u32 s10  }
0x2a3: {  	v2 =	vld [tilespmem:s8+$0x10900];
	_ =	sdelay $0x1  }
0x2a4: {  	v4 =	vld [tilespmem:s8+$0xA900];
	_ =	sdelay $0x1  }
0x2a5: {  	v5 =	vld [tilespmem:s8+$0xC900]  }
0x2a6: {  	v2 =	vadd.f32 v3, v2  }
0x2a7: {  	v3 =	vld [tilespmem:s8+$0xE900]  }
0x2a8: {  	v2 =	vadd.f32 v4, v2  }
.Ltmp21:
0x2a9: {  	(pc) =	sbr.rel @p1 .LBB2_37-.Ltmp21, $4  }
0x2aa: {  	v2 =	vadd.f32 v5, v2  }
0x2ab: {  	s25 =	sadd.s32 $0x80, s25  }
0x2ac: {  	s10 =	sand.u32 $0x70, s9;
	s11 =	sand.u32 $0x1C00, s25;
	v2 =	vadd.f32 v3, v2  }
0x2ad: {  	s9 =	sadd.s32 $0x10, s9;
	s10 =	sor.u32 s10, s11  }
0x2ae: {  	v3 =	vld [tilespmem:s10+$0x8900];
	[tilespmem:s8+$0x10900] =	vst v2  }
0x2af: {  	v2 =	vld [tilespmem:s10+$0x10900];
	_ =	sdelay $0x1  }
0x2b0: {  	v4 =	vld [tilespmem:s10+$0xA900];
	_ =	sdelay $0x1  }
0x2b1: {  	v5 =	vld [tilespmem:s10+$0xC900]  }
0x2b2: {  	v2 =	vadd.f32 v3, v2  }
0x2b3: {  	v3 =	vld [tilespmem:s10+$0xE900]  }
0x2b4: {  	v2 =	vadd.f32 v4, v2;
	_ =	sdelay $0x1  }
0x2b5: {  	v2 =	vadd.f32 v5, v2;
	_ =	sdelay $0x1  }
0x2b6: {  	v2 =	vadd.f32 v3, v2;
	_ =	sdelay $0x1  }
0x2b7: {  	[tilespmem:s10+$0x10900] =	vst v2  }
0x2b8: {  	v2 =	vld [tilespmem:s24+$0x8980]  }
0x2b9: {  	v3 =	vld [tilespmem:s24+$0x10980];
	_ =	sdelay $0x1  }
0x2ba: {  	v62 =	vld [tilespmem:s24+$0xA980];
	_ =	sdelay $0x1  }
0x2bb: {  	v63 =	vld [tilespmem:s24+$0xC980]  }
0x2bc: {  	v2 =	vadd.f32 v2, v3  }
0x2bd: {  	v3 =	vld [tilespmem:s24+$0xE980]  }
0x2be: {  	v2 =	vadd.f32 v62, v2;
	_ =	sdelay $0x1  }
0x2bf: {  	v2 =	vadd.f32 v63, v2  }
0x2c0: {  	s8 =	simm.s32 $0x80  }
0x2c1: {  	s9 =	sand.u32 $0x1C00, s8;
	v2 =	vadd.f32 v3, v2  }
0x2c2: {  	s9 =	sor.u32 s7, s9;
	s7 =	simm.s32 $0x20  }
.LBB2_39:
0x2c3: {  	p1 =	sne.s32 s7, $0x3F0;
	v3 =	vld [tilespmem:s9+$0x8980];
	[tilespmem:s24+$0x10980] =	vst v2;
	s24 =	smov.u32 s9  }
0x2c4: {  	v2 =	vld [tilespmem:s24+$0x10980];
	_ =	sdelay $0x1  }
0x2c5: {  	v4 =	vld [tilespmem:s24+$0xA980];
	_ =	sdelay $0x1  }
0x2c6: {  	v5 =	vld [tilespmem:s24+$0xC980]  }
0x2c7: {  	v2 =	vadd.f32 v3, v2  }
0x2c8: {  	v3 =	vld [tilespmem:s24+$0xE980]  }
0x2c9: {  	v2 =	vadd.f32 v4, v2  }
.Ltmp22:
0x2ca: {  	(pc) =	sbr.rel @p1 .LBB2_39-.Ltmp22, $4  }
0x2cb: {  	v2 =	vadd.f32 v5, v2  }
0x2cc: {  	s8 =	sadd.s32 $0x80, s8  }
0x2cd: {  	s9 =	sand.u32 $0x70, s7;
	s10 =	sand.u32 $0x1C00, s8;
	v2 =	vadd.f32 v3, v2  }
0x2ce: {  	s7 =	sadd.s32 $0x10, s7;
	s9 =	sor.u32 s9, s10  }
0x2cf: {  	v3 =	vld [tilespmem:s9+$0x8980];
	[tilespmem:s24+$0x10980] =	vst v2  }
0x2d0: {  	v2 =	vld [tilespmem:s9+$0x10980];
	_ =	sdelay $0x1  }
0x2d1: {  	v4 =	vld [tilespmem:s9+$0xA980];
	_ =	sdelay $0x1  }
0x2d2: {  	v5 =	vld [tilespmem:s9+$0xC980]  }
0x2d3: {  	v2 =	vadd.f32 v3, v2  }
0x2d4: {  	v3 =	vld [tilespmem:s9+$0xE980]  }
0x2d5: {  	v2 =	vadd.f32 v4, v2;
	_ =	sdelay $0x1  }
0x2d6: {  	v2 =	vadd.f32 v5, v2;
	_ =	sdelay $0x1  }
0x2d7: {  	s7 =	simm.s32 $0x0;
	v2 =	vadd.f32 v3, v2  }
0x2d8: {  	s8 =	sand.u32 $0x70, s7;
	s7 =	sand.u32 $0x1C00, s7  }
0x2d9: {  	s24 =	sor.u32 s8, s7;
	[tilespmem:s9+$0x10980] =	vst v2  }
0x2da: {  	v2 =	vld [tilespmem:s24+$0x8A00]  }
0x2db: {  	v3 =	vld [tilespmem:s24+$0x10A00];
	_ =	sdelay $0x1  }
0x2dc: {  	v62 =	vld [tilespmem:s24+$0xAA00];
	_ =	sdelay $0x1  }
0x2dd: {  	v63 =	vld [tilespmem:s24+$0xCA00]  }
0x2de: {  	v2 =	vadd.f32 v2, v3  }
0x2df: {  	v3 =	vld [tilespmem:s24+$0xEA00]  }
0x2e0: {  	v2 =	vadd.f32 v62, v2;
	_ =	sdelay $0x1  }
0x2e1: {  	v2 =	vadd.f32 v63, v2  }
0x2e2: {  	s11 =	simm.s32 $0x10;
	s25 =	simm.s32 $0x80  }
0x2e3: {  	s12 =	sand.u32 $0x1C00, s25;
	s7 =	sand.u32 $0x70, s11;
	v2 =	vadd.f32 v3, v2  }
0x2e4: {  	s10 =	sor.u32 s7, s12;
	s8 =	smov.u32 s24;
	s9 =	simm.s32 $0x20  }
.LBB2_41:
0x2e5: {  	p1 =	sne.s32 s9, $0x3F0;
	v3 =	vld [tilespmem:s10+$0x8A00];
	[tilespmem:s8+$0x10A00] =	vst v2;
	s8 =	smov.u32 s10  }
0x2e6: {  	v2 =	vld [tilespmem:s8+$0x10A00];
	_ =	sdelay $0x1  }
0x2e7: {  	v4 =	vld [tilespmem:s8+$0xAA00];
	_ =	sdelay $0x1  }
0x2e8: {  	v5 =	vld [tilespmem:s8+$0xCA00]  }
0x2e9: {  	v2 =	vadd.f32 v3, v2  }
0x2ea: {  	v3 =	vld [tilespmem:s8+$0xEA00]  }
0x2eb: {  	v2 =	vadd.f32 v4, v2  }
.Ltmp23:
0x2ec: {  	(pc) =	sbr.rel @p1 .LBB2_41-.Ltmp23, $4  }
0x2ed: {  	v2 =	vadd.f32 v5, v2  }
0x2ee: {  	s25 =	sadd.s32 $0x80, s25  }
0x2ef: {  	s10 =	sand.u32 $0x70, s9;
	s11 =	sand.u32 $0x1C00, s25;
	v2 =	vadd.f32 v3, v2  }
0x2f0: {  	s9 =	sadd.s32 $0x10, s9;
	s10 =	sor.u32 s10, s11  }
0x2f1: {  	v3 =	vld [tilespmem:s10+$0x8A00];
	[tilespmem:s8+$0x10A00] =	vst v2  }
0x2f2: {  	v2 =	vld [tilespmem:s10+$0x10A00];
	_ =	sdelay $0x1  }
0x2f3: {  	v4 =	vld [tilespmem:s10+$0xAA00];
	_ =	sdelay $0x1  }
0x2f4: {  	v5 =	vld [tilespmem:s10+$0xCA00]  }
0x2f5: {  	v2 =	vadd.f32 v3, v2  }
0x2f6: {  	v3 =	vld [tilespmem:s10+$0xEA00]  }
0x2f7: {  	v2 =	vadd.f32 v4, v2;
	_ =	sdelay $0x1  }
0x2f8: {  	v2 =	vadd.f32 v5, v2;
	_ =	sdelay $0x1  }
0x2f9: {  	v2 =	vadd.f32 v3, v2;
	_ =	sdelay $0x1  }
0x2fa: {  	[tilespmem:s10+$0x10A00] =	vst v2  }
0x2fb: {  	v2 =	vld [tilespmem:s24+$0x8A80]  }
0x2fc: {  	v3 =	vld [tilespmem:s24+$0x10A80];
	_ =	sdelay $0x1  }
0x2fd: {  	v62 =	vld [tilespmem:s24+$0xAA80];
	_ =	sdelay $0x1  }
0x2fe: {  	v63 =	vld [tilespmem:s24+$0xCA80]  }
0x2ff: {  	v2 =	vadd.f32 v2, v3  }
0x300: {  	v3 =	vld [tilespmem:s24+$0xEA80]  }
0x301: {  	v2 =	vadd.f32 v62, v2;
	_ =	sdelay $0x1  }
0x302: {  	v2 =	vadd.f32 v63, v2  }
0x303: {  	s8 =	simm.s32 $0x80  }
0x304: {  	s9 =	sand.u32 $0x1C00, s8;
	v2 =	vadd.f32 v3, v2  }
0x305: {  	s9 =	sor.u32 s7, s9;
	s7 =	simm.s32 $0x20  }
.LBB2_43:
0x306: {  	p1 =	sne.s32 s7, $0x3F0;
	v3 =	vld [tilespmem:s9+$0x8A80];
	[tilespmem:s24+$0x10A80] =	vst v2;
	s24 =	smov.u32 s9  }
0x307: {  	v2 =	vld [tilespmem:s24+$0x10A80];
	_ =	sdelay $0x1  }
0x308: {  	v4 =	vld [tilespmem:s24+$0xAA80];
	_ =	sdelay $0x1  }
0x309: {  	v5 =	vld [tilespmem:s24+$0xCA80]  }
0x30a: {  	v2 =	vadd.f32 v3, v2  }
0x30b: {  	v3 =	vld [tilespmem:s24+$0xEA80]  }
0x30c: {  	v2 =	vadd.f32 v4, v2  }
.Ltmp24:
0x30d: {  	(pc) =	sbr.rel @p1 .LBB2_43-.Ltmp24, $4  }
0x30e: {  	v2 =	vadd.f32 v5, v2  }
0x30f: {  	s8 =	sadd.s32 $0x80, s8  }
0x310: {  	s9 =	sand.u32 $0x70, s7;
	s10 =	sand.u32 $0x1C00, s8;
	v2 =	vadd.f32 v3, v2  }
0x311: {  	s7 =	sadd.s32 $0x10, s7;
	s9 =	sor.u32 s9, s10  }
0x312: {  	v3 =	vld [tilespmem:s9+$0x8A80];
	[tilespmem:s24+$0x10A80] =	vst v2  }
0x313: {  	v2 =	vld [tilespmem:s9+$0x10A80];
	_ =	sdelay $0x1  }
0x314: {  	v4 =	vld [tilespmem:s9+$0xAA80];
	_ =	sdelay $0x1  }
0x315: {  	v5 =	vld [tilespmem:s9+$0xCA80]  }
0x316: {  	v2 =	vadd.f32 v3, v2  }
0x317: {  	v3 =	vld [tilespmem:s9+$0xEA80]  }
0x318: {  	v2 =	vadd.f32 v4, v2;
	_ =	sdelay $0x1  }
0x319: {  	v2 =	vadd.f32 v5, v2;
	_ =	sdelay $0x1  }
0x31a: {  	s24 =	simm.s32 $0x0;
	v2 =	vadd.f32 v3, v2  }
0x31b: {  	s7 =	sand.u32 $0x70, s24;
	s8 =	sand.u32 $0x1C00, s24  }
0x31c: {  	[tilespmem:s9+$0x10A80] =	vst v2;
	s9 =	sor.u32 s7, s8  }
0x31d: {  	v2 =	vld [tilespmem:s9+$0x8B00]  }
0x31e: {  	v3 =	vld [tilespmem:s9+$0x10B00];
	_ =	sdelay $0x1  }
0x31f: {  	v62 =	vld [tilespmem:s9+$0xAB00];
	_ =	sdelay $0x1  }
0x320: {  	v63 =	vld [tilespmem:s9+$0xCB00]  }
0x321: {  	v2 =	vadd.f32 v2, v3  }
0x322: {  	v3 =	vld [tilespmem:s9+$0xEB00]  }
0x323: {  	v2 =	vadd.f32 v62, v2;
	_ =	sdelay $0x1  }
0x324: {  	v2 =	vadd.f32 v63, v2  }
0x325: {  	s7 =	simm.s32 $0x10;
	s8 =	simm.s32 $0x80  }
0x326: {  	s10 =	sand.u32 $0x70, s7;
	s11 =	sand.u32 $0x1C00, s8;
	v2 =	vadd.f32 v3, v2  }
0x327: {  	s25 =	smov.u32 s9;
	s11 =	sor.u32 s10, s11;
	s10 =	simm.s32 $0x20  }
.LBB2_45:
0x328: {  	p1 =	sne.s32 s10, $0x3F0;
	v3 =	vld [tilespmem:s11+$0x8B00];
	[tilespmem:s25+$0x10B00] =	vst v2;
	s25 =	smov.u32 s11  }
0x329: {  	v2 =	vld [tilespmem:s25+$0x10B00];
	_ =	sdelay $0x1  }
0x32a: {  	v4 =	vld [tilespmem:s25+$0xAB00];
	_ =	sdelay $0x1  }
0x32b: {  	v5 =	vld [tilespmem:s25+$0xCB00]  }
0x32c: {  	v2 =	vadd.f32 v3, v2  }
0x32d: {  	v3 =	vld [tilespmem:s25+$0xEB00]  }
0x32e: {  	v2 =	vadd.f32 v4, v2  }
.Ltmp25:
0x32f: {  	(pc) =	sbr.rel @p1 .LBB2_45-.Ltmp25, $4  }
0x330: {  	v2 =	vadd.f32 v5, v2  }
0x331: {  	s8 =	sadd.s32 $0x80, s8  }
0x332: {  	s11 =	sand.u32 $0x70, s10;
	s12 =	sand.u32 $0x1C00, s8;
	v2 =	vadd.f32 v3, v2  }
0x333: {  	s10 =	sadd.s32 $0x10, s10;
	s11 =	sor.u32 s11, s12  }
0x334: {  	v3 =	vld [tilespmem:s11+$0x8B00];
	[tilespmem:s25+$0x10B00] =	vst v2  }
0x335: {  	v2 =	vld [tilespmem:s11+$0x10B00];
	_ =	sdelay $0x1  }
0x336: {  	v4 =	vld [tilespmem:s11+$0xAB00];
	_ =	sdelay $0x1  }
0x337: {  	v5 =	vld [tilespmem:s11+$0xCB00]  }
0x338: {  	v2 =	vadd.f32 v3, v2  }
0x339: {  	v3 =	vld [tilespmem:s11+$0xEB00]  }
0x33a: {  	v2 =	vadd.f32 v4, v2;
	_ =	sdelay $0x1  }
0x33b: {  	v2 =	vadd.f32 v5, v2;
	_ =	sdelay $0x1  }
0x33c: {  	v2 =	vadd.f32 v3, v2;
	_ =	sdelay $0x1  }
0x33d: {  	s8 =	sor.u32 s24, s24;
	[tilespmem:s11+$0x10B00] =	vst v2  }
.LBB2_47:
0x33e: {  	p1 =	sne.s32 s7, $0x3F0;
	s10 =	sor.u32 $0x380, s8;
	v2 =	vld [tilespmem:s9+$0x8B80]  }
0x33f: {  	v3 =	vld [tilespmem:s10+$0x10800];
	_ =	sdelay $0x1  }
0x340: {  	v4 =	vld [tilespmem:s9+$0xAB80];
	_ =	sdelay $0x1  }
0x341: {  	v5 =	vld [tilespmem:s9+$0xCB80]  }
0x342: {  	v2 =	vadd.f32 v2, v3  }
0x343: {  	v3 =	vld [tilespmem:s9+$0xEB80]  }
0x344: {  	v2 =	vadd.f32 v4, v2;
	_ =	sdelay $0x1  }
.Ltmp26:
0x345: {  	v2 =	vadd.f32 v5, v2;
	(pc) =	sbr.rel @p1 .LBB2_47-.Ltmp26, $4  }
0x346: {  	_ = 	snop  }
0x347: {  	s24 =	sadd.s32 $0x80, s24;
	v2 =	vadd.f32 v3, v2  }
0x348: {  	s11 =	sand.u32 $0x1C00, s24;
	s9 =	sand.u32 $0x70, s7  }
0x349: {  	s8 =	sor.u32 s24, s7;
	s7 =	sadd.s32 $0x10, s7;
	s9 =	sor.u32 s9, s11;
	[tilespmem:s10+$0x10800] =	vst v2  }
0x34a: {  	s7 =	sor.u32 $0x380, s8;
	v2 =	vld [tilespmem:s9+$0x8B80]  }
0x34b: {  	v3 =	vld [tilespmem:s7+$0x10800];
	_ =	sdelay $0x1  }
0x34c: {  	v4 =	vld [tilespmem:s9+$0xAB80];
	_ =	sdelay $0x1  }
0x34d: {  	v5 =	vld [tilespmem:s9+$0xCB80]  }
0x34e: {  	v2 =	vadd.f32 v2, v3  }
0x34f: {  	v3 =	vld [tilespmem:s9+$0xEB80]  }
0x350: {  	v2 =	vadd.f32 v4, v2;
	_ =	sdelay $0x1  }
.Ltmp27:
0x351: {  	v2 =	vadd.f32 v5, v2;
	(pc) =	sbr.rel @p0 .LBB2_50-.Ltmp27, $3  }
0x352: {  	_ = 	snop  }
0x353: {  	v2 =	vadd.f32 v3, v2;
	_ =	sdelay $0x1  }
0x354: {  	[tilespmem:s7+$0x10800] =	vst v2  }
0x355: {  	s7 =	sshll.u32 s22, $0x3;
	s8 =	sshll.u32 s22, $0x6  }
0x356: {  	s7 =	sand.u32 $0x78, s7;
	s8 =	sand.u32 $0xC00, s8  }
0x357: {  	s7 =	sor.u32 s7, s8  }
0x358: {  	s8 =	sor.u32 $0x200, s7  }
0x359: {  	v2 =	vld.msk [tilespmem:s8+$0x0], $0xff;
	_ =	sdelay $0x4  }
0x35a: {  	v3 =	vshll.u32 v2, $0x3  }
0x35b: {  	v2 =	vand.u32 $0x7, v2;
	v3 =	vand.u32 $0xFFFFFFC0, v3  }
0x35c: {  	v2 =	vor.u32 v2, v3  }
0x35d: {  	v2 =	vperm.xlane v2, v0;
	_ =	sdelay $0x1  }
0x35e: {  	v2 =	vadd.s32 v1, v2;
	_ =	sdelay $0x3  }
0x35f: {  	s12 =	simm.s32 $0x8800  }
0x360: {  	[tilespmem:s12], [sflag:$0x2] =	stream.indirect_vreg.gather [hbm4b:s3+s1], $0x80, v2, vm0, $0xb8;
	[tilespmem:$0x12800] =	vst v63  }
0x361: {  	s24 =	simm.s32 $0x9000  }
0x362: {  	[tilespmem:s24], [sflag:$0x2] =	stream.indirect_vreg.gather [hbm4b:s13+s1], $0x80, v2, vm0, $0xb8;
	[tilespmem:$0x12800] =	vst v63  }
0x363: {  	s25 =	simm.s32 $0x9800  }
0x364: {  	[tilespmem:s25], [sflag:$0x2] =	stream.indirect_vreg.gather [hbm4b:s14+s1], $0x80, v2, vm0, $0xb8;
	[tilespmem:$0x12800] =	vst v63  }
0x365: {  	s9 =	simm.s32 $0xA000;
	s10 =	sor.u32 $0x280, s7  }
0x366: {  	[tilespmem:s9], [sflag:$0x2] =	stream.indirect_vreg.gather [hbm4b:s15+s1], $0x80, v2, vm0, $0xb8;
	[tilespmem:$0x12800] =	vst v63  }
0x367: {  	v2 =	vld.msk [tilespmem:s10+$0x0], $0xff;
	_ =	sdelay $0x4  }
0x368: {  	v3 =	vshll.u32 v2, $0x3  }
0x369: {  	v2 =	vand.u32 $0x7, v2;
	v3 =	vand.u32 $0xFFFFFFC0, v3  }
0x36a: {  	v2 =	vor.u32 v2, v3  }
0x36b: {  	v2 =	vperm.xlane v2, v0;
	_ =	sdelay $0x1  }
0x36c: {  	v2 =	vadd.s32 v1, v2;
	_ =	sdelay $0x3  }
0x36d: {  	s11 =	simm.s32 $0xA800  }
0x36e: {  	[tilespmem:s11], [sflag:$0x2] =	stream.indirect_vreg.gather [hbm4b:s3+s1], $0x80, v2, vm0, $0xb8;
	[tilespmem:$0x12800] =	vst v63  }
0x36f: {  	s12 =	simm.s32 $0xB000  }
0x370: {  	[tilespmem:s12], [sflag:$0x2] =	stream.indirect_vreg.gather [hbm4b:s13+s1], $0x80, v2, vm0, $0xb8;
	[tilespmem:$0x12800] =	vst v63  }
0x371: {  	s24 =	simm.s32 $0xB800  }
0x372: {  	[tilespmem:s24], [sflag:$0x2] =	stream.indirect_vreg.gather [hbm4b:s14+s1], $0x80, v2, vm0, $0xb8;
	[tilespmem:$0x12800] =	vst v63  }
0x373: {  	s25 =	sor.u32 $0x300, s7  }
0x374: {  	[tilespmem:s29], [sflag:$0x2] =	stream.indirect_vreg.gather [hbm4b:s15+s1], $0x80, v2, vm0, $0xb8;
	[tilespmem:$0x12800] =	vst v63  }
0x375: {  	v2 =	vld.msk [tilespmem:s25+$0x0], $0xff;
	_ =	sdelay $0x4  }
0x376: {  	v3 =	vshll.u32 v2, $0x3  }
0x377: {  	v2 =	vand.u32 $0x7, v2;
	v3 =	vand.u32 $0xFFFFFFC0, v3  }
0x378: {  	v2 =	vor.u32 v2, v3  }
0x379: {  	v2 =	vperm.xlane v2, v0;
	_ =	sdelay $0x1  }
0x37a: {  	v2 =	vadd.s32 v1, v2;
	_ =	sdelay $0x4  }
0x37b: {  	[tilespmem:s30], [sflag:$0x2] =	stream.indirect_vreg.gather [hbm4b:s3+s1], $0x80, v2, vm0, $0xb8;
	[tilespmem:$0x12800] =	vst v63  }
0x37c: {  	_ = 	snop  }
0x37d: {  	[tilespmem:s31], [sflag:$0x2] =	stream.indirect_vreg.gather [hbm4b:s13+s1], $0x80, v2, vm0, $0xb8;
	[tilespmem:$0x12800] =	vst v63  }
0x37e: {  	_ = 	snop  }
0x37f: {  	[tilespmem:s0], [sflag:$0x2] =	stream.indirect_vreg.gather [hbm4b:s14+s1], $0x80, v2, vm0, $0xb8;
	[tilespmem:$0x12800] =	vst v63  }
0x380: {  	s7 =	sor.u32 $0x380, s7  }
0x381: {  	[tilespmem:s2], [sflag:$0x2] =	stream.indirect_vreg.gather [hbm4b:s15+s1], $0x80, v2, vm0, $0xb8;
	[tilespmem:$0x12800] =	vst v63  }
0x382: {  	v2 =	vld.msk [tilespmem:s7+$0x0], $0xff;
	_ =	sdelay $0x4  }
0x383: {  	v3 =	vshll.u32 v2, $0x3  }
0x384: {  	v2 =	vand.u32 $0x7, v2;
	v3 =	vand.u32 $0xFFFFFFC0, v3  }
0x385: {  	v2 =	vor.u32 v2, v3  }
0x386: {  	v2 =	vperm.xlane v2, v0;
	_ =	sdelay $0x1  }
0x387: {  	v2 =	vadd.s32 v1, v2;
	_ =	sdelay $0x4  }
0x388: {  	[tilespmem:s26], [sflag:$0x2] =	stream.indirect_vreg.gather [hbm4b:s3+s1], $0x80, v2, vm0, $0xb8;
	[tilespmem:$0x12800] =	vst v63  }
0x389: {  	_ = 	snop  }
0x38a: {  	[tilespmem:s5], [sflag:$0x2] =	stream.indirect_vreg.gather [hbm4b:s13+s1], $0x80, v2, vm0, $0xb8;
	[tilespmem:$0x12800] =	vst v63  }
.Ltmp28:
0x38b: {  	_ = 	snop;
	(pc) =	sbr.rel .LBB2_50-.Ltmp28, $4  }
0x38c: {  	_ = 	snop  }
0x38d: {  	[tilespmem:s6], [sflag:$0x2] =	stream.indirect_vreg.gather [hbm4b:s14+s1], $0x80, v2, vm0, $0xb8;
	[tilespmem:$0x12800] =	vst v63  }
0x38e: {  	_ = 	snop  }
0x38f: {  	[tilespmem:s17], [sflag:$0x2] =	stream.indirect_vreg.gather [hbm4b:s15+s1], $0x80, v2, vm0, $0xb8;
	[tilespmem:$0x12800] =	vst v63  }
.LBB2_52:
0x390: {  	_ =	sfence.sel $0x180000  }
0x391: {  	[bflag:$0x0] =	sbarrier.arrive $0xFFFF  }
0x392: {  	_ =	strace $0x90000047  }
0x393: {  	s0 =	stileid.u32;
	[bflag:$0x2] =	sbarrier.arrive $0xFFFF  }
0x394: {  	p0 =	sne.s32 s0, $0x0;
	s0 =	rddreg [dreg:$0x1]  }
0x395: {  	s0 =	sadd.s32 @!p0 $0x100000, s0  }
0x396: {  	[sflag:s0] =	ssyncadd.tile.s32 @!p0 $0x1;
	_ =	shalt  }
.Lfunc_end2:
_tile_overlayer_lowered:
.L_overlay_start_2:
0x397: {  	(tag) =	ssettag $0x2  }
0x398: {  	s0 =	rddreg [dreg:$0x0];
	s2 =	stileid.u32  }
0x399: {  	s1 =	rddreg [dreg:$0x1];
	p0 =	sne.s32 s2, $0x0  }
0x39a: {  	s3 =	rddreg [dreg:$0x2];
	[bflag:$0x3] =	sbarrier.arrive $0xFFFF;
	s2 =	simm.s32 @!p0 $0x1C04  }
0x39b: {  	[timem:s3], [sflag:s2] =	dma.local @!p0 [hbm:s0], s1  }
0x39c: {  	s0 =	simm.s32 @!p0 $0x4  }
0x39d: {  	_ =	swait.ge @!p0 [sflag:s0], s1  }
0x39e: {  	s1 =	ssub.s32 @!p0 $0x0, s1;
	[sflag:s0] =	ssyncset.done @!p0 $0x0  }
0x39f: {  	[sflag:s0] =	ssyncadd.s32 @!p0 s1  }
0x3a0: {  	[bflag:$0x3] =	sbarrier.arrive $0xFFFF  }
0x3a1: {  	_ =	shalt  }

</sc_bundles>
